<compile_context>
chip_gen: v7x
topology: tpu7x:2x2x1
jax: 0.10.2.dev20260603
libtpu: 0.0.44.dev20260713+nightly
codegen_flags: <defaults>
</compile_context>

<pallas_src>
import functools

import jax
import jax.numpy as jnp
from jax import lax
from jax.experimental import pallas as pl
from jax.experimental.pallas import tpu as pltpu
import jax.experimental.pallas.tpu_sc as plsc

N_NODES = 10000
N_EDGES = 320000
D_IN = 128
NHID = 128
NCLASS = 40
D2PAD = 64
DCLS = 48

NW = 32
CH = 256
CH2 = 512
E_TOT = 327680
NCHUNK = E_TOT // (NW * CH)
NCHUNK_L2 = E_TOT // (NW * CH2)
PADE = E_TOT - N_EDGES
ACC_PAD = 8
ACC_ROWS = N_NODES + ACC_PAD
ZR = 200
NZCH = N_NODES // ZR


def _sc_mesh():
    return plsc.VectorSubcoreMesh(core_axis_name="c", subcore_axis_name="s")


def _for_my_chunks(s, fn, zr=None):
    zr = ZR if zr is None else zr
    nzch = N_NODES // zr

    def body(i, carry):
        k = s + 16 * i

        @pl.when(k < nzch)
        def _():
            fn(k * zr)

        return carry

    lax.fori_loop(0, (nzch + 15) // 16, body, 0)


def _pipeline(nchunk, gather, scatter, wait_g, wait_s,
              rows_a, rows_b, sga, sgb, ssa, ssb):
    even = nchunk % 2 == 0
    pairs = (nchunk - 2) // 2 if even else (nchunk - 1) // 2
    gather(0, rows_a, sga)

    def body(i, carry):
        ja = 2 * i

        @pl.when(i > 0)
        def _():
            wait_s(rows_b, ssb)

        wait_g(rows_a, sga)
        gather(ja + 1, rows_b, sgb)
        scatter(ja, rows_a, ssa)
        wait_g(rows_b, sgb)
        wait_s(rows_a, ssa)
        gather(ja + 2, rows_a, sga)
        scatter(ja + 1, rows_b, ssb)
        return carry

    lax.fori_loop(0, pairs, body, 0)
    if pairs > 0:
        wait_s(rows_b, ssb)
    wait_g(rows_a, sga)
    if even:
        gather(nchunk - 1, rows_b, sgb)
        scatter(nchunk - 2, rows_a, ssa)
        wait_g(rows_b, sgb)
        wait_s(rows_a, ssa)
        scatter(nchunk - 1, rows_b, ssb)
        wait_s(rows_b, ssb)
    else:
        scatter(nchunk - 1, rows_a, ssa)
        wait_s(rows_a, ssa)


def _zero_fill(buf, rows, cols):
    nvec = rows * (cols // 16)

    def body(i, carry):
        r = i // (cols // 16)
        k = i % (cols // 16)
        buf[r, pl.ds(k * 16, 16)] = jnp.zeros((16,), jnp.float32)
        return carry

    lax.fori_loop(0, nvec, body, 0)


def _make_deg_kernel():
    @functools.partial(
        pl.kernel,
        out_type=jax.ShapeDtypeStruct((2, N_NODES, 16), jnp.float32),
        mesh=_sc_mesh(),
        scratch_types=[
            pltpu.VMEM((NCHUNK, CH), jnp.int32),
            pltpu.VMEM((CH, 16), jnp.float32),
            pltpu.VMEM((ZR, 16), jnp.float32),
            pltpu.VMEM_SHARED((ACC_ROWS, 16), jnp.float32),
        ],
        compiler_params=pltpu.CompilerParams(use_tc_tiling_on_sc=False),
    )
    def deg_kernel(dst_hbm, out_hbm, idx_v, ones_v, stage_v, acc_sh):
        c = lax.axis_index("c")
        s = lax.axis_index("s")
        wid = c * 16 + s

        _zero_fill(stage_v, ZR, 16)
        _for_my_chunks(s, lambda r0: pltpu.sync_copy(
            stage_v, acc_sh.at[pl.ds(r0, ZR)]))

        def ones_fill(i, carry):
            ones_v[i, :] = jnp.ones((16,), jnp.float32)
            return carry

        lax.fori_loop(0, CH, ones_fill, 0)

        pltpu.sync_copy(dst_hbm.at[wid], idx_v)
        plsc.subcore_barrier()

        def body(j, carry):
            pltpu.sync_copy(ones_v, acc_sh.at[idx_v.at[j]], add=True)
            return carry

        lax.fori_loop(0, NCHUNK, body, 0)
        plsc.subcore_barrier()

        def out_copy(r0):
            pltpu.sync_copy(acc_sh.at[pl.ds(r0, ZR)], stage_v)
            pltpu.sync_copy(stage_v, out_hbm.at[c, pl.ds(r0, ZR)])

        _for_my_chunks(s, out_copy)

    return deg_kernel


def _make_agg_kernel(d: int, ch: int, nchunk: int):
    @functools.partial(
        pl.kernel,
        out_type=jax.ShapeDtypeStruct((2, N_NODES, d), jnp.float32),
        mesh=_sc_mesh(),
        scratch_types=[
            pltpu.VMEM((nchunk, ch), jnp.int32),
            pltpu.VMEM((nchunk, ch), jnp.int32),
            pltpu.VMEM((ch, d), jnp.float32),
            pltpu.VMEM((ch, d), jnp.float32),
            pltpu.VMEM((ZR, d), jnp.float32),
            pltpu.VMEM_SHARED((ACC_ROWS, d), jnp.float32),
            pltpu.SemaphoreType.DMA,
            pltpu.SemaphoreType.DMA,
            pltpu.SemaphoreType.DMA,
            pltpu.SemaphoreType.DMA,
        ],
        compiler_params=pltpu.CompilerParams(use_tc_tiling_on_sc=False),
    )
    def agg_kernel(y_hbm, src_hbm, dst_hbm, out_hbm,
                   src_v, dst_v, rows_a, rows_b, stage_v, acc_sh,
                   sga, sgb, ssa, ssb):
        c = lax.axis_index("c")
        s = lax.axis_index("s")
        wid = c * 16 + s

        _zero_fill(stage_v, ZR, d)
        _for_my_chunks(s, lambda r0: pltpu.sync_copy(
            stage_v, acc_sh.at[pl.ds(r0, ZR)]))

        pltpu.sync_copy(src_hbm.at[wid], src_v)
        pltpu.sync_copy(dst_hbm.at[wid], dst_v)
        plsc.subcore_barrier()

        def gather(j, buf, sem):
            pltpu.async_copy(y_hbm.at[src_v.at[j]], buf, sem)

        def scatter(j, buf, sem):
            pltpu.async_copy(buf, acc_sh.at[dst_v.at[j]], sem, add=True)

        def wait_g(buf, sem):
            pltpu.make_async_copy(y_hbm.at[src_v.at[0]], buf, sem).wait()

        def wait_s(buf, sem):
            pltpu.make_async_copy(buf, acc_sh.at[dst_v.at[0]], sem).wait()

        _pipeline(nchunk, gather, scatter, wait_g, wait_s,
                  rows_a, rows_b, sga, sgb, ssa, ssb)
        plsc.subcore_barrier()

        def out_copy(r0):
            pltpu.sync_copy(acc_sh.at[pl.ds(r0, ZR)], stage_v)
            pltpu.sync_copy(stage_v, out_hbm.at[c, pl.ds(r0, ZR)])

        _for_my_chunks(s, out_copy)

    return agg_kernel


NT2 = 16
CH_D = 320
NCHUNK2 = E_TOT // (NT2 * CH_D)
ZR_D = 40


def _make_agg_dual_kernel():
    d = D2PAD

    @functools.partial(
        pl.kernel,
        out_type=jax.ShapeDtypeStruct((2, N_NODES, d), jnp.float32),
        mesh=_sc_mesh(),
        scratch_types=[
            pltpu.VMEM((NCHUNK2, CH_D), jnp.int32),
            pltpu.VMEM((NCHUNK2, CH_D), jnp.int32),
            pltpu.VMEM((CH_D, d), jnp.float32),
            pltpu.VMEM((CH_D, d), jnp.float32),
            pltpu.VMEM((ZR_D, d), jnp.float32),
            pltpu.VMEM_SHARED((ACC_ROWS, d), jnp.float32),
            pltpu.SemaphoreType.DMA,
            pltpu.SemaphoreType.DMA,
            pltpu.SemaphoreType.DMA,
            pltpu.SemaphoreType.DMA,
        ],
        compiler_params=pltpu.CompilerParams(use_tc_tiling_on_sc=False),
    )
    def agg_dual_kernel(ya_hbm, yb_hbm, src_hbm, dst_hbm, out_hbm,
                        src_v, dst_v, rows_a, rows_b, stage_v, acc_sh,
                        sga, sgb, ssa, ssb):
        c = lax.axis_index("c")
        s = lax.axis_index("s")

        _zero_fill(stage_v, ZR_D, d)
        _for_my_chunks(s, lambda r0: pltpu.sync_copy(
            stage_v, acc_sh.at[pl.ds(r0, ZR_D)]), zr=ZR_D)

        pltpu.sync_copy(src_hbm.at[s], src_v)
        pltpu.sync_copy(dst_hbm.at[s], dst_v)
        plsc.subcore_barrier()

        def run(y_hbm):
            def gather(j, buf, sem):
                pltpu.async_copy(y_hbm.at[src_v.at[j]], buf, sem)

            def scatter(j, buf, sem):
                pltpu.async_copy(buf, acc_sh.at[dst_v.at[j]], sem, add=True)

            def wait_g(buf, sem):
                pltpu.make_async_copy(y_hbm.at[src_v.at[0]], buf, sem).wait()

            def wait_s(buf, sem):
                pltpu.make_async_copy(buf, acc_sh.at[dst_v.at[0]], sem).wait()

            _pipeline(NCHUNK2, gather, scatter, wait_g, wait_s,
                      rows_a, rows_b, sga, sgb, ssa, ssb)

        @pl.when(c == 0)
        def _():
            run(ya_hbm)

        @pl.when(c == 1)
        def _():
            run(yb_hbm)

        plsc.subcore_barrier()

        def out_copy(r0):
            pltpu.sync_copy(acc_sh.at[pl.ds(r0, ZR_D)], stage_v)
            pltpu.sync_copy(stage_v, out_hbm.at[c, pl.ds(r0, ZR_D)])

        _for_my_chunks(s, out_copy, zr=ZR_D)

    return agg_dual_kernel


_deg_call = _make_deg_kernel()
_agg_dual_call = _make_agg_dual_kernel()
_agg48_call = _make_agg_kernel(DCLS, CH2, NCHUNK_L2)



_ROWS = 2000


def _dinv_block(degp_block):
    deg = degp_block[0, :, :1] + degp_block[1, :, :1] + 1.0
    return lax.rsqrt(deg)


def _tc1_body(x_ref, w1_ref, degp_ref, y1a_ref, y1b_ref):
    dinv = _dinv_block(degp_ref[...])
    xw = jnp.dot(x_ref[...], w1_ref[...], preferred_element_type=jnp.float32)
    y = xw * dinv
    y1a_ref[...] = y[:, :D2PAD]
    y1b_ref[...] = y[:, D2PAD:]


def _tc2_body(p1_ref, y1a_ref, y1b_ref, degp_ref, w2p_ref, b1_ref,
              y2p_ref):
    dinv = _dinv_block(degp_ref[...])
    p = p1_ref[...]
    agg = jnp.concatenate(
        [p[0] + y1a_ref[...], p[1] + y1b_ref[...]], axis=1)
    h = jnp.maximum(agg * dinv + b1_ref[...], 0.0)
    hw = jnp.dot(h, w2p_ref[...], preferred_element_type=jnp.float32)
    y2p_ref[...] = hw * dinv


def _tc3_body(p2_ref, y2p_ref, degp_ref, b2_ref, out_ref):
    dinv = _dinv_block(degp_ref[...])
    p = p2_ref[...]
    agg = (p[0] + p[1] + y2p_ref[...])[:, :NCLASS]
    logits = agg * dinv + b2_ref[...]
    m = jnp.max(logits, axis=1, keepdims=True)
    sh = logits - m
    lse = jnp.log(jnp.sum(jnp.exp(sh), axis=1, keepdims=True))
    out_ref[...] = sh - lse


def _row_spec(d):
    return pl.BlockSpec((_ROWS, d), lambda i: (i, 0))


def _part_spec(d):
    return pl.BlockSpec((2, _ROWS, d), lambda i: (0, i, 0))


def _full_spec(r, d):
    return pl.BlockSpec((r, d), lambda i: (0, 0))


_GRID = N_NODES // _ROWS

_tc1_call = pl.pallas_call(
    _tc1_body,
    grid=(_GRID,),
    in_specs=[_row_spec(D_IN), _full_spec(D_IN, NHID), _part_spec(16)],
    out_specs=[_row_spec(D2PAD), _row_spec(D2PAD)],
    out_shape=[jax.ShapeDtypeStruct((N_NODES, D2PAD), jnp.float32),
               jax.ShapeDtypeStruct((N_NODES, D2PAD), jnp.float32)],
)

_tc2_call = pl.pallas_call(
    _tc2_body,
    grid=(_GRID,),
    in_specs=[_part_spec(D2PAD), _row_spec(D2PAD),
              _row_spec(D2PAD), _part_spec(16),
              _full_spec(NHID, DCLS), _full_spec(1, NHID)],
    out_specs=_row_spec(DCLS),
    out_shape=jax.ShapeDtypeStruct((N_NODES, DCLS), jnp.float32),
)

_tc3_call = pl.pallas_call(
    _tc3_body,
    grid=(_GRID,),
    in_specs=[_part_spec(DCLS), _row_spec(DCLS), _part_spec(16),
              _full_spec(1, NCLASS)],
    out_specs=_row_spec(NCLASS),
    out_shape=jax.ShapeDtypeStruct((N_NODES, NCLASS), jnp.float32),
)


@jax.jit
def kernel(x, edge_index, W1, b1, W2, b2):
    pad_src = (jnp.arange(PADE, dtype=jnp.int32) * 97) % N_NODES
    pad_dst = N_NODES + (jnp.arange(PADE, dtype=jnp.int32) % ACC_PAD)
    src_p = jnp.concatenate([edge_index[0], pad_src])
    dst_p = jnp.concatenate([edge_index[1], pad_dst])
    src3 = src_p.reshape(NW, NCHUNK, CH)
    dst3 = dst_p.reshape(NW, NCHUNK, CH)
    src3b = src_p.reshape(NW, NCHUNK_L2, CH2)
    dst3b = dst_p.reshape(NW, NCHUNK_L2, CH2)
    srcT = src_p.reshape(NT2, NCHUNK2, CH_D)
    dstT = dst_p.reshape(NT2, NCHUNK2, CH_D)

    degp = _deg_call(dst3)
    y1a, y1b = _tc1_call(x, W1, degp)
    p1 = _agg_dual_call(y1a, y1b, srcT, dstT)
    w2p = jnp.pad(W2, ((0, 0), (0, DCLS - NCLASS)))
    y2p = _tc2_call(p1, y1a, y1b, degp, w2p, b1.reshape(1, NHID))
    p2 = _agg48_call(y2p, src3b, dst3b)
    return _tc3_call(p2, y2p, degp, b2.reshape(1, NCLASS))

# --- scband reference (transcript-rebuilt; emitter-appended) ---
"""Pipeline reference for scband-gcn-net-81432579932420 (READ-ONLY COPY).

The authoritative reference and input builder live on the scoring server;
editing this copy changes nothing except your own understanding.
"""

import jax, jax.numpy as jnp
import numpy as np

N = 10000
E = 320000
D_IN = 128
NHID = 128
NCLASS = 40


def glorot(key, shape):
    fan_in, fan_out = shape[0], shape[1]
    limit = np.sqrt(6.0 / (fan_in + fan_out))
    return jax.random.uniform(key, shape, dtype=jnp.float32, minval=-limit, maxval=limit)


def setup_inputs(seed: int = 0) -> dict:
    key = jax.random.key(seed)
    k1, k2, k3, k4 = jax.random.split(key, 4)
    x = jax.random.normal(k1, (N, D_IN), dtype=jnp.float32)
    edge_index = jax.random.randint(k2, (2, E), 0, N, dtype=jnp.int32)
    W1 = glorot(k3, (D_IN, NHID))
    b1 = jnp.zeros((NHID,), dtype=jnp.float32)
    W2 = glorot(k4, (NHID, NCLASS))
    b2 = jnp.zeros((NCLASS,), dtype=jnp.float32)
    return {"x": x, "edge_index": edge_index, "W1": W1, "b1": b1, "W2": W2, "b2": b2}


def gcn_conv(x, edge_index, W, b):
    # PyG GCNConv: add self-loops, symmetric normalization D^-1/2 (A+I) D^-1/2 X W + b
    num_nodes = x.shape[0]
    loops = jnp.arange(num_nodes, dtype=edge_index.dtype)
    src = jnp.concatenate([edge_index[0], loops])
    dst = jnp.concatenate([edge_index[1], loops])
    xw = x @ W
    deg = jnp.zeros((num_nodes,), dtype=x.dtype).at[dst].add(1.0)
    deg_inv_sqrt = jnp.where(deg > 0, deg ** -0.5, 0.0)
    norm = deg_inv_sqrt[src] * deg_inv_sqrt[dst]
    msg = xw[src] * norm[:, None]
    out = jnp.zeros((num_nodes, W.shape[1]), dtype=x.dtype).at[dst].add(msg)
    return out + b


def reference(x, edge_index, W1, b1, W2, b2):
    # eval mode: dropout is identity; bn is defined but unused in forward; pred=False
    h = jax.nn.relu(gcn_conv(x, edge_index, W1, b1))
    out = gcn_conv(h, edge_index, W2, b2)
    return jax.nn.log_softmax(out, axis=1)

if __name__ == "__main__":
    import jax
    _d = setup_inputs()
    print(jax.jit(kernel)(*tuple(_d.values())))

</pallas_src>

<mosaic_0001>
#map = affine_map<(d0, d1) -> (0, 0, 0)>
module attributes {stable_mosaic.version = 14 : i64} {
  func.func @deg_kernel(%arg0: i32, %arg1: i32, %arg2: memref<32x40x256xi32, #tpu.memory_space<hbm>>, %arg3: memref<2x10000x16xf32, #tpu.memory_space<hbm>>, %arg4: memref<40x256xi32, #tpu.memory_space<vmem>>, %arg5: memref<256x16xf32, #tpu.memory_space<vmem>>, %arg6: memref<200x16xf32, #tpu.memory_space<vmem>>, %arg7: memref<10008x16xf32, #tpu.memory_space<vmem_shared>>) attributes {dimension_semantics = [#tpu.dimension_semantics<core_parallel>, #tpu.dimension_semantics<subcore_parallel>], iteration_bounds = array<i64: 2, 16>, scalar_prefetch = 0 : i64, scratch_operands = 4 : i64, tpu.core_type = #tpu.core_type<sc_vector_subcore>, window_params = [{transform_indices = #map}, {transform_indices = #map}]} {
    %mul3A = arith.constant 16 : i32
    %mul3A_0 = arith.muli %arg0, %mul3A : i32
    %add3A = arith.addi %mul3A_0, %arg1 : i32
    %scan3A = arith.constant 0 : i32
    %scan3A_1 = arith.constant 0 : i32
    %scan3A_2 = arith.constant 200 : i32
    %scan3A_3 = arith.addi %scan3A_1, %scan3A_2 : i32
    %scan3A_4 = arith.constant 1 : i32
    scf.for %scan3A_31 = %scan3A_1 to %scan3A_3 step %scan3A_4  : i32 {
      %jit3A = arith.constant 1 : i32
      %div3A = arith.divsi %scan3A_31, %jit3A : i32
      %sign3A = arith.constant 0 : i32
      %sign3A_32 = arith.cmpi sgt, %scan3A_31, %sign3A : i32
      %sign3A_33 = arith.extui %sign3A_32 : i1 to i32
      %sign3A_34 = arith.constant 0 : i32
      %sign3A_35 = arith.cmpi slt, %scan3A_31, %sign3A_34 : i32
      %sign3A_36 = arith.extui %sign3A_35 : i1 to i32
      %sign3A_37 = arith.subi %sign3A_33, %sign3A_36 : i32
      %sign3A_38 = arith.constant 0 : i32
      %sign3A_39 = arith.cmpi sgt, %jit3A, %sign3A_38 : i32
      %sign3A_40 = arith.extui %sign3A_39 : i1 to i32
      %sign3A_41 = arith.constant 0 : i32
      %sign3A_42 = arith.cmpi slt, %jit3A, %sign3A_41 : i32
      %sign3A_43 = arith.extui %sign3A_42 : i1 to i32
      %sign3A_44 = arith.subi %sign3A_40, %sign3A_43 : i32
      %ne3A = arith.cmpi ne, %sign3A_37, %sign3A_44 : i32
      %rem3A = arith.remsi %scan3A_31, %jit3A : i32
      %ne3A_45 = arith.constant 0 : i32
      %ne3A_46 = arith.cmpi ne, %rem3A, %ne3A_45 : i32
      %and3A = arith.andi %ne3A, %ne3A_46 : i1
      %sub3A = arith.constant 1 : i32
      %sub3A_47 = arith.subi %div3A, %sub3A : i32
      %select_n3A = arith.select %and3A, %sub3A_47, %div3A : i32
      %jit3A_48 = arith.constant 1 : i32
      %eq3A = arith.constant 0 : i32
      %eq3A_49 = arith.cmpi eq, %jit3A_48, %eq3A : i32
      %jit3A_50 = arith.constant 1 : i32
      %select_n3A_51 = arith.select %eq3A_49, %jit3A_50, %jit3A_48 : i32
      %rem3A_52 = arith.remsi %scan3A_31, %select_n3A_51 : i32
      %ne3A_53 = arith.constant 0 : i32
      %ne3A_54 = arith.cmpi ne, %rem3A_52, %ne3A_53 : i32
      %lt3A = arith.constant 0 : i32
      %lt3A_55 = arith.cmpi slt, %rem3A_52, %lt3A : i32
      %lt3A_56 = arith.constant 0 : i32
      %lt3A_57 = arith.cmpi slt, %select_n3A_51, %lt3A_56 : i32
      %ne3A_58 = arith.xori %lt3A_55, %lt3A_57 : i1
      %and3A_59 = arith.andi %ne3A_58, %ne3A_54 : i1
      %add3A_60 = arith.addi %rem3A_52, %select_n3A_51 : i32
      %select_n3A_61 = arith.select %and3A_59, %add3A_60, %rem3A_52 : i32
      %broadcast_in_dim3A = arith.constant 0.000000e+00 : f32
      %broadcast_in_dim3A_62 = vector.broadcast %broadcast_in_dim3A : f32 to vector<16xf32>
      %mul3A_63 = arith.constant 16 : i32
      %mul3A_64 = arith.muli %select_n3A_61, %mul3A_63 : i32
      %swap3A = arith.index_cast %select_n3A : i32 to index
      %swap3A_65 = arith.index_cast %mul3A_64 : i32 to index
      %swap3A_66 = tpu.vector_load %arg6[%swap3A, %swap3A_65] {strides = array<i32>} : memref<200x16xf32, #tpu.memory_space<vmem>>, vector<1x16xf32>,
      %swap3A_67 = vector.shape_cast %swap3A_66 : vector<1x16xf32> to vector<16xf32>
      %swap3A_68 = vector.shape_cast %broadcast_in_dim3A_62 : vector<16xf32> to vector<1x16xf32>
      tpu.vector_store %arg6[%swap3A, %swap3A_65], %swap3A_68 {strides = array<i32>} : memref<200x16xf32, #tpu.memory_space<vmem>>, vector<1x16xf32>,
    }
    %scan3A_5 = arith.constant 200 : i32
    %scan3A_6 = arith.constant 0 : i32
    %scan3A_7 = arith.constant 0 : i32
    %scan3A_8 = arith.constant 4 : i32
    %scan3A_9 = arith.addi %scan3A_7, %scan3A_8 : i32
    %scan3A_10 = arith.constant 1 : i32
    scf.for %scan3A_31 = %scan3A_7 to %scan3A_9 step %scan3A_10  : i32 {
      %mul3A_32 = arith.constant 16 : i32
      %mul3A_33 = arith.muli %mul3A_32, %scan3A_31 : i32
      %add3A_34 = arith.addi %arg1, %mul3A_33 : i32
      %lt3A = arith.constant 50 : i32
      %lt3A_35 = arith.cmpi slt, %add3A_34, %lt3A : i32
      %convert_element_type3A = arith.extui %lt3A_35 : i1 to i32
      %cond3A = arith.constant 0 : i32
      %cond3A_36 = arith.cmpi ne, %convert_element_type3A, %cond3A : i32
      scf.if %cond3A_36 {
        %mul3A_37 = arith.constant 200 : i32
        %mul3A_38 = arith.muli %add3A_34, %mul3A_37 : i32
        "tpu.region"() ({
          %run_scoped3A = tpu.sem_alloc : memref<!tpu.dma_semaphore, #tpu.memory_space<semaphore_mem>>
          %dma_start3A = arith.constant 0 : i32
          %dma_start3A_39 = tpu.memref_slice %arg7[%mul3A_38, %dma_start3A] : memref<10008x16xf32, #tpu.memory_space<vmem_shared>> -> memref<200x16xf32, #tpu.memory_space<vmem_shared>>
          %dma_start3A_40 = arith.constant 0 : i32
          %dma_start3A_41 = tpu.memref_slice %arg7[%mul3A_38, %dma_start3A_40] : memref<10008x16xf32, #tpu.memory_space<vmem_shared>> -> memref<200x16xf32, #tpu.memory_space<vmem_shared>>
          tpu.enqueue_dma source(%arg6 : memref<200x16xf32, #tpu.memory_space<vmem>>) target(%dma_start3A_41 : memref<200x16xf32, #tpu.memory_space<vmem_shared>>) target_semaphore(%run_scoped3A : memref<!tpu.dma_semaphore, #tpu.memory_space<semaphore_mem>>)
          %dma_wait3A = arith.constant 0 : i32
          %dma_wait3A_42 = tpu.memref_slice %arg7[%mul3A_38, %dma_wait3A] : memref<10008x16xf32, #tpu.memory_space<vmem_shared>> -> memref<200x16xf32, #tpu.memory_space<vmem_shared>>
          %dma_wait3A_43 = arith.constant 0 : i32
          %dma_wait3A_44 = tpu.memref_slice %arg7[%mul3A_38, %dma_wait3A_43] : memref<10008x16xf32, #tpu.memory_space<vmem_shared>> -> memref<200x16xf32, #tpu.memory_space<vmem_shared>>
          tpu.wait_dma2 semaphore(%run_scoped3A : memref<!tpu.dma_semaphore, #tpu.memory_space<semaphore_mem>>) src(%arg6 : memref<200x16xf32, #tpu.memory_space<vmem>>) dst(%dma_wait3A_44 : memref<200x16xf32, #tpu.memory_space<vmem_shared>>)
          tpu.yield
        }) : () -> ()
      } else {
      }
    }
    %scan3A_11 = arith.constant 4 : i32
    %scan3A_12 = arith.constant 0 : i32
    %scan3A_13 = arith.constant 0 : i32
    %scan3A_14 = arith.constant 256 : i32
    %scan3A_15 = arith.addi %scan3A_13, %scan3A_14 : i32
    %scan3A_16 = arith.constant 1 : i32
    scf.for %scan3A_31 = %scan3A_13 to %scan3A_15 step %scan3A_16  : i32 {
      %broadcast_in_dim3A = arith.constant 1.000000e+00 : f32
      %broadcast_in_dim3A_32 = vector.broadcast %broadcast_in_dim3A : f32 to vector<16xf32>
      %swap3A = arith.index_cast %scan3A_31 : i32 to index
      %swap3A_33 = arith.constant 0 : index
      %swap3A_34 = tpu.vector_load %arg5[%swap3A, %swap3A_33] {strides = array<i32>} : memref<256x16xf32, #tpu.memory_space<vmem>>, vector<1x16xf32>,
      %swap3A_35 = vector.shape_cast %swap3A_34 : vector<1x16xf32> to vector<16xf32>
      %swap3A_36 = vector.shape_cast %broadcast_in_dim3A_32 : vector<16xf32> to vector<1x16xf32>
      tpu.vector_store %arg5[%swap3A, %swap3A_33], %swap3A_36 {strides = array<i32>} : memref<256x16xf32, #tpu.memory_space<vmem>>, vector<1x16xf32>,
    }
    %scan3A_17 = arith.constant 256 : i32
    "tpu.region"() ({
      %run_scoped3A = tpu.sem_alloc : memref<!tpu.dma_semaphore, #tpu.memory_space<semaphore_mem>>
      %dma_start3A = arith.constant 0 : i32
      %dma_start3A_31 = arith.constant 0 : i32
      %dma_start3A_32 = tpu.memref_slice %arg2[%add3A, %dma_start3A, %dma_start3A_31] : memref<32x40x256xi32, #tpu.memory_space<hbm>> -> memref<1x40x256xi32, #tpu.memory_space<hbm>>
      %dma_start3A_33 = tpu.memref_squeeze %dma_start3A_32 : memref<1x40x256xi32, #tpu.memory_space<hbm>> -> memref<40x256xi32, #tpu.memory_space<hbm>>
      %dma_start3A_34 = arith.constant 0 : i32
      %dma_start3A_35 = arith.constant 0 : i32
      %dma_start3A_36 = tpu.memref_slice %arg2[%add3A, %dma_start3A_34, %dma_start3A_35] : memref<32x40x256xi32, #tpu.memory_space<hbm>> -> memref<1x40x256xi32, #tpu.memory_space<hbm>>
      %dma_start3A_37 = tpu.memref_squeeze %dma_start3A_36 : memref<1x40x256xi32, #tpu.memory_space<hbm>> -> memref<40x256xi32, #tpu.memory_space<hbm>>
      tpu.enqueue_dma source(%dma_start3A_37 : memref<40x256xi32, #tpu.memory_space<hbm>>) target(%arg4 : memref<40x256xi32, #tpu.memory_space<vmem>>) target_semaphore(%run_scoped3A : memref<!tpu.dma_semaphore, #tpu.memory_space<semaphore_mem>>)
      %dma_wait3A = arith.constant 0 : i32
      %dma_wait3A_38 = arith.constant 0 : i32
      %dma_wait3A_39 = tpu.memref_slice %arg2[%add3A, %dma_wait3A, %dma_wait3A_38] : memref<32x40x256xi32, #tpu.memory_space<hbm>> -> memref<1x40x256xi32, #tpu.memory_space<hbm>>
      %dma_wait3A_40 = tpu.memref_squeeze %dma_wait3A_39 : memref<1x40x256xi32, #tpu.memory_space<hbm>> -> memref<40x256xi32, #tpu.memory_space<hbm>>
      %dma_wait3A_41 = arith.constant 0 : i32
      %dma_wait3A_42 = arith.constant 0 : i32
      %dma_wait3A_43 = tpu.memref_slice %arg2[%add3A, %dma_wait3A_41, %dma_wait3A_42] : memref<32x40x256xi32, #tpu.memory_space<hbm>> -> memref<1x40x256xi32, #tpu.memory_space<hbm>>
      %dma_wait3A_44 = tpu.memref_squeeze %dma_wait3A_43 : memref<1x40x256xi32, #tpu.memory_space<hbm>> -> memref<40x256xi32, #tpu.memory_space<hbm>>
      tpu.wait_dma2 semaphore(%run_scoped3A : memref<!tpu.dma_semaphore, #tpu.memory_space<semaphore_mem>>) src(%dma_wait3A_44 : memref<40x256xi32, #tpu.memory_space<hbm>>) dst(%arg4 : memref<40x256xi32, #tpu.memory_space<vmem>>)
      tpu.yield
    }) : () -> ()
    %barrier3A = arith.constant 0 : index
    tpu.barrier barrier_id(%barrier3A)
    %scan3A_18 = arith.constant 0 : i32
    %scan3A_19 = arith.constant 0 : i32
    %scan3A_20 = arith.constant 40 : i32
    %scan3A_21 = arith.addi %scan3A_19, %scan3A_20 : i32
    %scan3A_22 = arith.constant 1 : i32
    scf.for %scan3A_31 = %scan3A_19 to %scan3A_21 step %scan3A_22  : i32 {
      "tpu.region"() ({
        %run_scoped3A = tpu.sem_alloc : memref<!tpu.dma_semaphore, #tpu.memory_space<semaphore_mem>>
        %dma_start3A = arith.constant 0 : i32
        %dma_start3A_32 = tpu.memref_slice %arg4[%scan3A_31, %dma_start3A] : memref<40x256xi32, #tpu.memory_space<vmem>> -> memref<1x256xi32, #tpu.memory_space<vmem>>
        %dma_start3A_33 = tpu.memref_squeeze %dma_start3A_32 : memref<1x256xi32, #tpu.memory_space<vmem>> -> memref<256xi32, #tpu.memory_space<vmem>>
        %dma_start3A_34 = arith.constant 0 : i32
        %dma_start3A_35 = arith.constant 0 : i32
        %dma_start3A_36 = tpu.memref_slice %arg7[%dma_start3A_34, %dma_start3A_35] : memref<10008x16xf32, #tpu.memory_space<vmem_shared>> -> memref<10008x16xf32, #tpu.memory_space<vmem_shared>>
        tpu.enqueue_indirect_dma source(%arg5 : memref<256x16xf32, #tpu.memory_space<vmem>>) target(%dma_start3A_36 : memref<10008x16xf32, #tpu.memory_space<vmem_shared>>) offsets(%dma_start3A_33 : memref<256xi32, #tpu.memory_space<vmem>>) semaphore(%run_scoped3A : memref<!tpu.dma_semaphore, #tpu.memory_space<semaphore_mem>>) {add = true}
        %dma_wait3A = arith.constant 0 : i32
        %dma_wait3A_37 = tpu.memref_slice %arg4[%scan3A_31, %dma_wait3A] : memref<40x256xi32, #tpu.memory_space<vmem>> -> memref<1x256xi32, #tpu.memory_space<vmem>>
        %dma_wait3A_38 = tpu.memref_squeeze %dma_wait3A_37 : memref<1x256xi32, #tpu.memory_space<vmem>> -> memref<256xi32, #tpu.memory_space<vmem>>
        %dma_wait3A_39 = arith.constant 0 : i32
        %dma_wait3A_40 = arith.constant 0 : i32
        %dma_wait3A_41 = tpu.memref_slice %arg7[%dma_wait3A_39, %dma_wait3A_40] : memref<10008x16xf32, #tpu.memory_space<vmem_shared>> -> memref<10008x16xf32, #tpu.memory_space<vmem_shared>>
        tpu.wait_indirect_dma semaphore(%run_scoped3A : memref<!tpu.dma_semaphore, #tpu.memory_space<semaphore_mem>>) src(%arg5 : memref<256x16xf32, #tpu.memory_space<vmem>>) dst(%dma_wait3A_41 : memref<10008x16xf32, #tpu.memory_space<vmem_shared>>)
        tpu.yield
      }) : () -> ()
    }
    %scan3A_23 = arith.constant 40 : i32
    %barrier3A_24 = arith.constant 0 : index
    tpu.barrier barrier_id(%barrier3A_24)
    %scan3A_25 = arith.constant 0 : i32
    %scan3A_26 = arith.constant 0 : i32
    %scan3A_27 = arith.constant 4 : i32
    %scan3A_28 = arith.addi %scan3A_26, %scan3A_27 : i32
    %scan3A_29 = arith.constant 1 : i32
    scf.for %scan3A_31 = %scan3A_26 to %scan3A_28 step %scan3A_29  : i32 {
      %mul3A_32 = arith.constant 16 : i32
      %mul3A_33 = arith.muli %mul3A_32, %scan3A_31 : i32
      %add3A_34 = arith.addi %arg1, %mul3A_33 : i32
      %lt3A = arith.constant 50 : i32
      %lt3A_35 = arith.cmpi slt, %add3A_34, %lt3A : i32
      %convert_element_type3A = arith.extui %lt3A_35 : i1 to i32
      %cond3A = arith.constant 0 : i32
      %cond3A_36 = arith.cmpi ne, %convert_element_type3A, %cond3A : i32
      scf.if %cond3A_36 {
        %mul3A_37 = arith.constant 200 : i32
        %mul3A_38 = arith.muli %add3A_34, %mul3A_37 : i32
        "tpu.region"() ({
          %run_scoped3A = tpu.sem_alloc : memref<!tpu.dma_semaphore, #tpu.memory_space<semaphore_mem>>
          %dma_start3A = arith.constant 0 : i32
          %dma_start3A_39 = tpu.memref_slice %arg7[%mul3A_38, %dma_start3A] : memref<10008x16xf32, #tpu.memory_space<vmem_shared>> -> memref<200x16xf32, #tpu.memory_space<vmem_shared>>
          %dma_start3A_40 = arith.constant 0 : i32
          %dma_start3A_41 = tpu.memref_slice %arg7[%mul3A_38, %dma_start3A_40] : memref<10008x16xf32, #tpu.memory_space<vmem_shared>> -> memref<200x16xf32, #tpu.memory_space<vmem_shared>>
          tpu.enqueue_dma source(%dma_start3A_41 : memref<200x16xf32, #tpu.memory_space<vmem_shared>>) target(%arg6 : memref<200x16xf32, #tpu.memory_space<vmem>>) target_semaphore(%run_scoped3A : memref<!tpu.dma_semaphore, #tpu.memory_space<semaphore_mem>>)
          %dma_wait3A = arith.constant 0 : i32
          %dma_wait3A_42 = tpu.memref_slice %arg7[%mul3A_38, %dma_wait3A] : memref<10008x16xf32, #tpu.memory_space<vmem_shared>> -> memref<200x16xf32, #tpu.memory_space<vmem_shared>>
          %dma_wait3A_43 = arith.constant 0 : i32
          %dma_wait3A_44 = tpu.memref_slice %arg7[%mul3A_38, %dma_wait3A_43] : memref<10008x16xf32, #tpu.memory_space<vmem_shared>> -> memref<200x16xf32, #tpu.memory_space<vmem_shared>>
          tpu.wait_dma2 semaphore(%run_scoped3A : memref<!tpu.dma_semaphore, #tpu.memory_space<semaphore_mem>>) src(%dma_wait3A_44 : memref<200x16xf32, #tpu.memory_space<vmem_shared>>) dst(%arg6 : memref<200x16xf32, #tpu.memory_space<vmem>>)
          tpu.yield
        }) : () -> ()
        "tpu.region"() ({
          %run_scoped3A = tpu.sem_alloc : memref<!tpu.dma_semaphore, #tpu.memory_space<semaphore_mem>>
          %dma_start3A = arith.constant 0 : i32
          %dma_start3A_39 = tpu.memref_slice %arg3[%arg0, %mul3A_38, %dma_start3A] : memref<2x10000x16xf32, #tpu.memory_space<hbm>> -> memref<1x200x16xf32, #tpu.memory_space<hbm>>
          %dma_start3A_40 = tpu.memref_squeeze %dma_start3A_39 : memref<1x200x16xf32, #tpu.memory_space<hbm>> -> memref<200x16xf32, #tpu.memory_space<hbm>>
          %dma_start3A_41 = arith.constant 0 : i32
          %dma_start3A_42 = tpu.memref_slice %arg3[%arg0, %mul3A_38, %dma_start3A_41] : memref<2x10000x16xf32, #tpu.memory_space<hbm>> -> memref<1x200x16xf32, #tpu.memory_space<hbm>>
          %dma_start3A_43 = tpu.memref_squeeze %dma_start3A_42 : memref<1x200x16xf32, #tpu.memory_space<hbm>> -> memref<200x16xf32, #tpu.memory_space<hbm>>
          tpu.enqueue_dma source(%arg6 : memref<200x16xf32, #tpu.memory_space<vmem>>) target(%dma_start3A_43 : memref<200x16xf32, #tpu.memory_space<hbm>>) target_semaphore(%run_scoped3A : memref<!tpu.dma_semaphore, #tpu.memory_space<semaphore_mem>>)
          %dma_wait3A = arith.constant 0 : i32
          %dma_wait3A_44 = tpu.memref_slice %arg3[%arg0, %mul3A_38, %dma_wait3A] : memref<2x10000x16xf32, #tpu.memory_space<hbm>> -> memref<1x200x16xf32, #tpu.memory_space<hbm>>
          %dma_wait3A_45 = tpu.memref_squeeze %dma_wait3A_44 : memref<1x200x16xf32, #tpu.memory_space<hbm>> -> memref<200x16xf32, #tpu.memory_space<hbm>>
          %dma_wait3A_46 = arith.constant 0 : i32
          %dma_wait3A_47 = tpu.memref_slice %arg3[%arg0, %mul3A_38, %dma_wait3A_46] : memref<2x10000x16xf32, #tpu.memory_space<hbm>> -> memref<1x200x16xf32, #tpu.memory_space<hbm>>
          %dma_wait3A_48 = tpu.memref_squeeze %dma_wait3A_47 : memref<1x200x16xf32, #tpu.memory_space<hbm>> -> memref<200x16xf32, #tpu.memory_space<hbm>>
          tpu.wait_dma2 semaphore(%run_scoped3A : memref<!tpu.dma_semaphore, #tpu.memory_space<semaphore_mem>>) src(%arg6 : memref<200x16xf32, #tpu.memory_space<vmem>>) dst(%dma_wait3A_48 : memref<200x16xf32, #tpu.memory_space<hbm>>)
          tpu.yield
        }) : () -> ()
      } else {
      }
    }
    %scan3A_30 = arith.constant 4 : i32
    return
  }
}

#map = affine_map<(d0, d1) -> (0, 0)>
#map1 = affine_map<(d0, d1) -> (0, 0, 0)>
module attributes {stable_mosaic.version = 14 : i64} {
  func.func @agg_kernel(%arg0: i32, %arg1: i32, %arg2: memref<10000x48xf32, #tpu.memory_space<hbm>>, %arg3: memref<32x20x512xi32, #tpu.memory_space<hbm>>, %arg4: memref<32x20x512xi32, #tpu.memory_space<hbm>>, %arg5: memref<2x10000x48xf32, #tpu.memory_space<hbm>>, %arg6: memref<20x512xi32, #tpu.memory_space<vmem>>, %arg7: memref<20x512xi32, #tpu.memory_space<vmem>>, %arg8: memref<512x48xf32, #tpu.memory_space<vmem>>, %arg9: memref<512x48xf32, #tpu.memory_space<vmem>>, %arg10: memref<200x48xf32, #tpu.memory_space<vmem>>, %arg11: memref<10008x48xf32, #tpu.memory_space<vmem_shared>>, %arg12: memref<!tpu.dma_semaphore, #tpu.memory_space<semaphore_mem>>, %arg13: memref<!tpu.dma_semaphore, #tpu.memory_space<semaphore_mem>>, %arg14: memref<!tpu.dma_semaphore, #tpu.memory_space<semaphore_mem>>, %arg15: memref<!tpu.dma_semaphore, #tpu.memory_space<semaphore_mem>>) attributes {dimension_semantics = [#tpu.dimension_semantics<core_parallel>, #tpu.dimension_semantics<subcore_parallel>], iteration_bounds = array<i64: 2, 16>, scalar_prefetch = 0 : i64, scratch_operands = 10 : i64, tpu.core_type = #tpu.core_type<sc_vector_subcore>, window_params = [{transform_indices = #map}, {transform_indices = #map1}, {transform_indices = #map1}, {transform_indices = #map1}]} {
    %mul3A = arith.constant 16 : i32
    %mul3A_0 = arith.muli %arg0, %mul3A : i32
    %add3A = arith.addi %mul3A_0, %arg1 : i32
    %scan3A = arith.constant 0 : i32
    %scan3A_1 = arith.constant 0 : i32
    %scan3A_2 = arith.constant 600 : i32
    %scan3A_3 = arith.addi %scan3A_1, %scan3A_2 : i32
    %scan3A_4 = arith.constant 1 : i32
    scf.for %scan3A_86 = %scan3A_1 to %scan3A_3 step %scan3A_4  : i32 {
      %jit3A = arith.constant 3 : i32
      %div3A = arith.divsi %scan3A_86, %jit3A : i32
      %sign3A = arith.constant 0 : i32
      %sign3A_87 = arith.cmpi sgt, %scan3A_86, %sign3A : i32
      %sign3A_88 = arith.extui %sign3A_87 : i1 to i32
      %sign3A_89 = arith.constant 0 : i32
      %sign3A_90 = arith.cmpi slt, %scan3A_86, %sign3A_89 : i32
      %sign3A_91 = arith.extui %sign3A_90 : i1 to i32
      %sign3A_92 = arith.subi %sign3A_88, %sign3A_91 : i32
      %sign3A_93 = arith.constant 0 : i32
      %sign3A_94 = arith.cmpi sgt, %jit3A, %sign3A_93 : i32
      %sign3A_95 = arith.extui %sign3A_94 : i1 to i32
      %sign3A_96 = arith.constant 0 : i32
      %sign3A_97 = arith.cmpi slt, %jit3A, %sign3A_96 : i32
      %sign3A_98 = arith.extui %sign3A_97 : i1 to i32
      %sign3A_99 = arith.subi %sign3A_95, %sign3A_98 : i32
      %ne3A = arith.cmpi ne, %sign3A_92, %sign3A_99 : i32
      %rem3A = arith.remsi %scan3A_86, %jit3A : i32
      %ne3A_100 = arith.constant 0 : i32
      %ne3A_101 = arith.cmpi ne, %rem3A, %ne3A_100 : i32
      %and3A = arith.andi %ne3A, %ne3A_101 : i1
      %sub3A = arith.constant 1 : i32
      %sub3A_102 = arith.subi %div3A, %sub3A : i32
      %select_n3A = arith.select %and3A, %sub3A_102, %div3A : i32
      %jit3A_103 = arith.constant 3 : i32
      %eq3A = arith.constant 0 : i32
      %eq3A_104 = arith.cmpi eq, %jit3A_103, %eq3A : i32
      %jit3A_105 = arith.constant 1 : i32
      %select_n3A_106 = arith.select %eq3A_104, %jit3A_105, %jit3A_103 : i32
      %rem3A_107 = arith.remsi %scan3A_86, %select_n3A_106 : i32
      %ne3A_108 = arith.constant 0 : i32
      %ne3A_109 = arith.cmpi ne, %rem3A_107, %ne3A_108 : i32
      %lt3A = arith.constant 0 : i32
      %lt3A_110 = arith.cmpi slt, %rem3A_107, %lt3A : i32
      %lt3A_111 = arith.constant 0 : i32
      %lt3A_112 = arith.cmpi slt, %select_n3A_106, %lt3A_111 : i32
      %ne3A_113 = arith.xori %lt3A_110, %lt3A_112 : i1
      %and3A_114 = arith.andi %ne3A_113, %ne3A_109 : i1
      %add3A_115 = arith.addi %rem3A_107, %select_n3A_106 : i32
      %select_n3A_116 = arith.select %and3A_114, %add3A_115, %rem3A_107 : i32
      %broadcast_in_dim3A = arith.constant 0.000000e+00 : f32
      %broadcast_in_dim3A_117 = vector.broadcast %broadcast_in_dim3A : f32 to vector<16xf32>
      %mul3A_118 = arith.constant 16 : i32
      %mul3A_119 = arith.muli %select_n3A_116, %mul3A_118 : i32
      %swap3A = arith.index_cast %select_n3A : i32 to index
      %swap3A_120 = arith.index_cast %mul3A_119 : i32 to index
      %swap3A_121 = tpu.vector_load %arg10[%swap3A, %swap3A_120] {strides = array<i32>} : memref<200x48xf32, #tpu.memory_space<vmem>>, vector<1x16xf32>,
      %swap3A_122 = vector.shape_cast %swap3A_121 : vector<1x16xf32> to vector<16xf32>
      %swap3A_123 = vector.shape_cast %broadcast_in_dim3A_117 : vector<16xf32> to vector<1x16xf32>
      tpu.vector_store %arg10[%swap3A, %swap3A_120], %swap3A_123 {strides = array<i32>} : memref<200x48xf32, #tpu.memory_space<vmem>>, vector<1x16xf32>,
    }
    %scan3A_5 = arith.constant 600 : i32
    %scan3A_6 = arith.constant 0 : i32
    %scan3A_7 = arith.constant 0 : i32
    %scan3A_8 = arith.constant 4 : i32
    %scan3A_9 = arith.addi %scan3A_7, %scan3A_8 : i32
    %scan3A_10 = arith.constant 1 : i32
    scf.for %scan3A_86 = %scan3A_7 to %scan3A_9 step %scan3A_10  : i32 {
      %mul3A_87 = arith.constant 16 : i32
      %mul3A_88 = arith.muli %mul3A_87, %scan3A_86 : i32
      %add3A_89 = arith.addi %arg1, %mul3A_88 : i32
      %lt3A = arith.constant 50 : i32
      %lt3A_90 = arith.cmpi slt, %add3A_89, %lt3A : i32
      %convert_element_type3A = arith.extui %lt3A_90 : i1 to i32
      %cond3A = arith.constant 0 : i32
      %cond3A_91 = arith.cmpi ne, %convert_element_type3A, %cond3A : i32
      scf.if %cond3A_91 {
        %mul3A_92 = arith.constant 200 : i32
        %mul3A_93 = arith.muli %add3A_89, %mul3A_92 : i32
        "tpu.region"() ({
          %run_scoped3A = tpu.sem_alloc : memref<!tpu.dma_semaphore, #tpu.memory_space<semaphore_mem>>
          %dma_start3A_94 = arith.constant 0 : i32
          %dma_start3A_95 = tpu.memref_slice %arg11[%mul3A_93, %dma_start3A_94] : memref<10008x48xf32, #tpu.memory_space<vmem_shared>> -> memref<200x48xf32, #tpu.memory_space<vmem_shared>>
          %dma_start3A_96 = arith.constant 0 : i32
          %dma_start3A_97 = tpu.memref_slice %arg11[%mul3A_93, %dma_start3A_96] : memref<10008x48xf32, #tpu.memory_space<vmem_shared>> -> memref<200x48xf32, #tpu.memory_space<vmem_shared>>
          tpu.enqueue_dma source(%arg10 : memref<200x48xf32, #tpu.memory_space<vmem>>) target(%dma_start3A_97 : memref<200x48xf32, #tpu.memory_space<vmem_shared>>) target_semaphore(%run_scoped3A : memref<!tpu.dma_semaphore, #tpu.memory_space<semaphore_mem>>)
          %dma_wait3A_98 = arith.constant 0 : i32
          %dma_wait3A_99 = tpu.memref_slice %arg11[%mul3A_93, %dma_wait3A_98] : memref<10008x48xf32, #tpu.memory_space<vmem_shared>> -> memref<200x48xf32, #tpu.memory_space<vmem_shared>>
          %dma_wait3A_100 = arith.constant 0 : i32
          %dma_wait3A_101 = tpu.memref_slice %arg11[%mul3A_93, %dma_wait3A_100] : memref<10008x48xf32, #tpu.memory_space<vmem_shared>> -> memref<200x48xf32, #tpu.memory_space<vmem_shared>>
          tpu.wait_dma2 semaphore(%run_scoped3A : memref<!tpu.dma_semaphore, #tpu.memory_space<semaphore_mem>>) src(%arg10 : memref<200x48xf32, #tpu.memory_space<vmem>>) dst(%dma_wait3A_101 : memref<200x48xf32, #tpu.memory_space<vmem_shared>>)
          tpu.yield
        }) : () -> ()
      } else {
      }
    }
    %scan3A_11 = arith.constant 4 : i32
    "tpu.region"() ({
      %run_scoped3A = tpu.sem_alloc : memref<!tpu.dma_semaphore, #tpu.memory_space<semaphore_mem>>
      %dma_start3A_86 = arith.constant 0 : i32
      %dma_start3A_87 = arith.constant 0 : i32
      %dma_start3A_88 = tpu.memref_slice %arg3[%add3A, %dma_start3A_86, %dma_start3A_87] : memref<32x20x512xi32, #tpu.memory_space<hbm>> -> memref<1x20x512xi32, #tpu.memory_space<hbm>>
      %dma_start3A_89 = tpu.memref_squeeze %dma_start3A_88 : memref<1x20x512xi32, #tpu.memory_space<hbm>> -> memref<20x512xi32, #tpu.memory_space<hbm>>
      %dma_start3A_90 = arith.constant 0 : i32
      %dma_start3A_91 = arith.constant 0 : i32
      %dma_start3A_92 = tpu.memref_slice %arg3[%add3A, %dma_start3A_90, %dma_start3A_91] : memref<32x20x512xi32, #tpu.memory_space<hbm>> -> memref<1x20x512xi32, #tpu.memory_space<hbm>>
      %dma_start3A_93 = tpu.memref_squeeze %dma_start3A_92 : memref<1x20x512xi32, #tpu.memory_space<hbm>> -> memref<20x512xi32, #tpu.memory_space<hbm>>
      tpu.enqueue_dma source(%dma_start3A_93 : memref<20x512xi32, #tpu.memory_space<hbm>>) target(%arg6 : memref<20x512xi32, #tpu.memory_space<vmem>>) target_semaphore(%run_scoped3A : memref<!tpu.dma_semaphore, #tpu.memory_space<semaphore_mem>>)
      %dma_wait3A_94 = arith.constant 0 : i32
      %dma_wait3A_95 = arith.constant 0 : i32
      %dma_wait3A_96 = tpu.memref_slice %arg3[%add3A, %dma_wait3A_94, %dma_wait3A_95] : memref<32x20x512xi32, #tpu.memory_space<hbm>> -> memref<1x20x512xi32, #tpu.memory_space<hbm>>
      %dma_wait3A_97 = tpu.memref_squeeze %dma_wait3A_96 : memref<1x20x512xi32, #tpu.memory_space<hbm>> -> memref<20x512xi32, #tpu.memory_space<hbm>>
      %dma_wait3A_98 = arith.constant 0 : i32
      %dma_wait3A_99 = arith.constant 0 : i32
      %dma_wait3A_100 = tpu.memref_slice %arg3[%add3A, %dma_wait3A_98, %dma_wait3A_99] : memref<32x20x512xi32, #tpu.memory_space<hbm>> -> memref<1x20x512xi32, #tpu.memory_space<hbm>>
      %dma_wait3A_101 = tpu.memref_squeeze %dma_wait3A_100 : memref<1x20x512xi32, #tpu.memory_space<hbm>> -> memref<20x512xi32, #tpu.memory_space<hbm>>
      tpu.wait_dma2 semaphore(%run_scoped3A : memref<!tpu.dma_semaphore, #tpu.memory_space<semaphore_mem>>) src(%dma_wait3A_101 : memref<20x512xi32, #tpu.memory_space<hbm>>) dst(%arg6 : memref<20x512xi32, #tpu.memory_space<vmem>>)
      tpu.yield
    }) : () -> ()
    "tpu.region"() ({
      %run_scoped3A = tpu.sem_alloc : memref<!tpu.dma_semaphore, #tpu.memory_space<semaphore_mem>>
      %dma_start3A_86 = arith.constant 0 : i32
      %dma_start3A_87 = arith.constant 0 : i32
      %dma_start3A_88 = tpu.memref_slice %arg4[%add3A, %dma_start3A_86, %dma_start3A_87] : memref<32x20x512xi32, #tpu.memory_space<hbm>> -> memref<1x20x512xi32, #tpu.memory_space<hbm>>
      %dma_start3A_89 = tpu.memref_squeeze %dma_start3A_88 : memref<1x20x512xi32, #tpu.memory_space<hbm>> -> memref<20x512xi32, #tpu.memory_space<hbm>>
      %dma_start3A_90 = arith.constant 0 : i32
      %dma_start3A_91 = arith.constant 0 : i32
      %dma_start3A_92 = tpu.memref_slice %arg4[%add3A, %dma_start3A_90, %dma_start3A_91] : memref<32x20x512xi32, #tpu.memory_space<hbm>> -> memref<1x20x512xi32, #tpu.memory_space<hbm>>
      %dma_start3A_93 = tpu.memref_squeeze %dma_start3A_92 : memref<1x20x512xi32, #tpu.memory_space<hbm>> -> memref<20x512xi32, #tpu.memory_space<hbm>>
      tpu.enqueue_dma source(%dma_start3A_93 : memref<20x512xi32, #tpu.memory_space<hbm>>) target(%arg7 : memref<20x512xi32, #tpu.memory_space<vmem>>) target_semaphore(%run_scoped3A : memref<!tpu.dma_semaphore, #tpu.memory_space<semaphore_mem>>)
      %dma_wait3A_94 = arith.constant 0 : i32
      %dma_wait3A_95 = arith.constant 0 : i32
      %dma_wait3A_96 = tpu.memref_slice %arg4[%add3A, %dma_wait3A_94, %dma_wait3A_95] : memref<32x20x512xi32, #tpu.memory_space<hbm>> -> memref<1x20x512xi32, #tpu.memory_space<hbm>>
      %dma_wait3A_97 = tpu.memref_squeeze %dma_wait3A_96 : memref<1x20x512xi32, #tpu.memory_space<hbm>> -> memref<20x512xi32, #tpu.memory_space<hbm>>
      %dma_wait3A_98 = arith.constant 0 : i32
      %dma_wait3A_99 = arith.constant 0 : i32
      %dma_wait3A_100 = tpu.memref_slice %arg4[%add3A, %dma_wait3A_98, %dma_wait3A_99] : memref<32x20x512xi32, #tpu.memory_space<hbm>> -> memref<1x20x512xi32, #tpu.memory_space<hbm>>
      %dma_wait3A_101 = tpu.memref_squeeze %dma_wait3A_100 : memref<1x20x512xi32, #tpu.memory_space<hbm>> -> memref<20x512xi32, #tpu.memory_space<hbm>>
      tpu.wait_dma2 semaphore(%run_scoped3A : memref<!tpu.dma_semaphore, #tpu.memory_space<semaphore_mem>>) src(%dma_wait3A_101 : memref<20x512xi32, #tpu.memory_space<hbm>>) dst(%arg7 : memref<20x512xi32, #tpu.memory_space<vmem>>)
      tpu.yield
    }) : () -> ()
    %barrier3A = arith.constant 0 : index
    tpu.barrier barrier_id(%barrier3A)
    %dma_start3A = arith.constant 0 : i32
    %dma_start3A_12 = arith.constant 0 : i32
    %dma_start3A_13 = tpu.memref_slice %arg6[%dma_start3A, %dma_start3A_12] : memref<20x512xi32, #tpu.memory_space<vmem>> -> memref<1x512xi32, #tpu.memory_space<vmem>>
    %dma_start3A_14 = tpu.memref_squeeze %dma_start3A_13 : memref<1x512xi32, #tpu.memory_space<vmem>> -> memref<512xi32, #tpu.memory_space<vmem>>
    %dma_start3A_15 = arith.constant 0 : i32
    %dma_start3A_16 = arith.constant 0 : i32
    %dma_start3A_17 = tpu.memref_slice %arg2[%dma_start3A_15, %dma_start3A_16] : memref<10000x48xf32, #tpu.memory_space<hbm>> -> memref<10000x48xf32, #tpu.memory_space<hbm>>
    tpu.enqueue_indirect_dma source(%dma_start3A_17 : memref<10000x48xf32, #tpu.memory_space<hbm>>) target(%arg8 : memref<512x48xf32, #tpu.memory_space<vmem>>) offsets(%dma_start3A_14 : memref<512xi32, #tpu.memory_space<vmem>>) semaphore(%arg12 : memref<!tpu.dma_semaphore, #tpu.memory_space<semaphore_mem>>)
    %scan3A_18 = arith.constant 0 : i32
    %scan3A_19 = arith.constant 0 : i32
    %scan3A_20 = arith.constant 9 : i32
    %scan3A_21 = arith.addi %scan3A_19, %scan3A_20 : i32
    %scan3A_22 = arith.constant 1 : i32
    scf.for %scan3A_86 = %scan3A_19 to %scan3A_21 step %scan3A_22  : i32 {
      %mul3A_87 = arith.constant 2 : i32
      %mul3A_88 = arith.muli %mul3A_87, %scan3A_86 : i32
      %gt3A = arith.constant 0 : i32
      %gt3A_89 = arith.cmpi sgt, %scan3A_86, %gt3A : i32
      %convert_element_type3A = arith.extui %gt3A_89 : i1 to i32
      %cond3A = arith.constant 0 : i32
      %cond3A_90 = arith.cmpi ne, %convert_element_type3A, %cond3A : i32
      scf.if %cond3A_90 {
        %dma_wait3A_142 = arith.constant 0 : i32
        %dma_wait3A_143 = arith.constant 0 : i32
        %dma_wait3A_144 = tpu.memref_slice %arg7[%dma_wait3A_142, %dma_wait3A_143] : memref<20x512xi32, #tpu.memory_space<vmem>> -> memref<1x512xi32, #tpu.memory_space<vmem>>
        %dma_wait3A_145 = tpu.memref_squeeze %dma_wait3A_144 : memref<1x512xi32, #tpu.memory_space<vmem>> -> memref<512xi32, #tpu.memory_space<vmem>>
        %dma_wait3A_146 = arith.constant 0 : i32
        %dma_wait3A_147 = arith.constant 0 : i32
        %dma_wait3A_148 = tpu.memref_slice %arg11[%dma_wait3A_146, %dma_wait3A_147] : memref<10008x48xf32, #tpu.memory_space<vmem_shared>> -> memref<10008x48xf32, #tpu.memory_space<vmem_shared>>
        tpu.wait_indirect_dma semaphore(%arg15 : memref<!tpu.dma_semaphore, #tpu.memory_space<semaphore_mem>>) src(%arg9 : memref<512x48xf32, #tpu.memory_space<vmem>>) dst(%dma_wait3A_148 : memref<10008x48xf32, #tpu.memory_space<vmem_shared>>)
      } else {
      }
      %dma_wait3A_91 = arith.constant 0 : i32
      %dma_wait3A_92 = arith.constant 0 : i32
      %dma_wait3A_93 = tpu.memref_slice %arg6[%dma_wait3A_91, %dma_wait3A_92] : memref<20x512xi32, #tpu.memory_space<vmem>> -> memref<1x512xi32, #tpu.memory_space<vmem>>
      %dma_wait3A_94 = tpu.memref_squeeze %dma_wait3A_93 : memref<1x512xi32, #tpu.memory_space<vmem>> -> memref<512xi32, #tpu.memory_space<vmem>>
      %dma_wait3A_95 = arith.constant 0 : i32
      %dma_wait3A_96 = arith.constant 0 : i32
      %dma_wait3A_97 = tpu.memref_slice %arg2[%dma_wait3A_95, %dma_wait3A_96] : memref<10000x48xf32, #tpu.memory_space<hbm>> -> memref<10000x48xf32, #tpu.memory_space<hbm>>
      tpu.wait_indirect_dma semaphore(%arg12 : memref<!tpu.dma_semaphore, #tpu.memory_space<semaphore_mem>>) src(%dma_wait3A_97 : memref<10000x48xf32, #tpu.memory_space<hbm>>) dst(%arg8 : memref<512x48xf32, #tpu.memory_space<vmem>>)
      %add3A_98 = arith.constant 1 : i32
      %add3A_99 = arith.addi %mul3A_88, %add3A_98 : i32
      %dma_start3A_100 = arith.constant 0 : i32
      %dma_start3A_101 = tpu.memref_slice %arg6[%add3A_99, %dma_start3A_100] : memref<20x512xi32, #tpu.memory_space<vmem>> -> memref<1x512xi32, #tpu.memory_space<vmem>>
      %dma_start3A_102 = tpu.memref_squeeze %dma_start3A_101 : memref<1x512xi32, #tpu.memory_space<vmem>> -> memref<512xi32, #tpu.memory_space<vmem>>
      %dma_start3A_103 = arith.constant 0 : i32
      %dma_start3A_104 = arith.constant 0 : i32
      %dma_start3A_105 = tpu.memref_slice %arg2[%dma_start3A_103, %dma_start3A_104] : memref<10000x48xf32, #tpu.memory_space<hbm>> -> memref<10000x48xf32, #tpu.memory_space<hbm>>
      tpu.enqueue_indirect_dma source(%dma_start3A_105 : memref<10000x48xf32, #tpu.memory_space<hbm>>) target(%arg9 : memref<512x48xf32, #tpu.memory_space<vmem>>) offsets(%dma_start3A_102 : memref<512xi32, #tpu.memory_space<vmem>>) semaphore(%arg13 : memref<!tpu.dma_semaphore, #tpu.memory_space<semaphore_mem>>)
      %dma_start3A_106 = arith.constant 0 : i32
      %dma_start3A_107 = tpu.memref_slice %arg7[%mul3A_88, %dma_start3A_106] : memref<20x512xi32, #tpu.memory_space<vmem>> -> memref<1x512xi32, #tpu.memory_space<vmem>>
      %dma_start3A_108 = tpu.memref_squeeze %dma_start3A_107 : memref<1x512xi32, #tpu.memory_space<vmem>> -> memref<512xi32, #tpu.memory_space<vmem>>
      %dma_start3A_109 = arith.constant 0 : i32
      %dma_start3A_110 = arith.constant 0 : i32
      %dma_start3A_111 = tpu.memref_slice %arg11[%dma_start3A_109, %dma_start3A_110] : memref<10008x48xf32, #tpu.memory_space<vmem_shared>> -> memref<10008x48xf32, #tpu.memory_space<vmem_shared>>
      tpu.enqueue_indirect_dma source(%arg8 : memref<512x48xf32, #tpu.memory_space<vmem>>) target(%dma_start3A_111 : memref<10008x48xf32, #tpu.memory_space<vmem_shared>>) offsets(%dma_start3A_108 : memref<512xi32, #tpu.memory_space<vmem>>) semaphore(%arg14 : memref<!tpu.dma_semaphore, #tpu.memory_space<semaphore_mem>>) {add = true}
      %dma_wait3A_112 = arith.constant 0 : i32
      %dma_wait3A_113 = arith.constant 0 : i32
      %dma_wait3A_114 = tpu.memref_slice %arg6[%dma_wait3A_112, %dma_wait3A_113] : memref<20x512xi32, #tpu.memory_space<vmem>> -> memref<1x512xi32, #tpu.memory_space<vmem>>
      %dma_wait3A_115 = tpu.memref_squeeze %dma_wait3A_114 : memref<1x512xi32, #tpu.memory_space<vmem>> -> memref<512xi32, #tpu.memory_space<vmem>>
      %dma_wait3A_116 = arith.constant 0 : i32
      %dma_wait3A_117 = arith.constant 0 : i32
      %dma_wait3A_118 = tpu.memref_slice %arg2[%dma_wait3A_116, %dma_wait3A_117] : memref<10000x48xf32, #tpu.memory_space<hbm>> -> memref<10000x48xf32, #tpu.memory_space<hbm>>
      tpu.wait_indirect_dma semaphore(%arg13 : memref<!tpu.dma_semaphore, #tpu.memory_space<semaphore_mem>>) src(%dma_wait3A_118 : memref<10000x48xf32, #tpu.memory_space<hbm>>) dst(%arg9 : memref<512x48xf32, #tpu.memory_space<vmem>>)
      %dma_wait3A_119 = arith.constant 0 : i32
      %dma_wait3A_120 = arith.constant 0 : i32
      %dma_wait3A_121 = tpu.memref_slice %arg7[%dma_wait3A_119, %dma_wait3A_120] : memref<20x512xi32, #tpu.memory_space<vmem>> -> memref<1x512xi32, #tpu.memory_space<vmem>>
      %dma_wait3A_122 = tpu.memref_squeeze %dma_wait3A_121 : memref<1x512xi32, #tpu.memory_space<vmem>> -> memref<512xi32, #tpu.memory_space<vmem>>
      %dma_wait3A_123 = arith.constant 0 : i32
      %dma_wait3A_124 = arith.constant 0 : i32
      %dma_wait3A_125 = tpu.memref_slice %arg11[%dma_wait3A_123, %dma_wait3A_124] : memref<10008x48xf32, #tpu.memory_space<vmem_shared>> -> memref<10008x48xf32, #tpu.memory_space<vmem_shared>>
      tpu.wait_indirect_dma semaphore(%arg14 : memref<!tpu.dma_semaphore, #tpu.memory_space<semaphore_mem>>) src(%arg8 : memref<512x48xf32, #tpu.memory_space<vmem>>) dst(%dma_wait3A_125 : memref<10008x48xf32, #tpu.memory_space<vmem_shared>>)
      %add3A_126 = arith.constant 2 : i32
      %add3A_127 = arith.addi %mul3A_88, %add3A_126 : i32
      %dma_start3A_128 = arith.constant 0 : i32
      %dma_start3A_129 = tpu.memref_slice %arg6[%add3A_127, %dma_start3A_128] : memref<20x512xi32, #tpu.memory_space<vmem>> -> memref<1x512xi32, #tpu.memory_space<vmem>>
      %dma_start3A_130 = tpu.memref_squeeze %dma_start3A_129 : memref<1x512xi32, #tpu.memory_space<vmem>> -> memref<512xi32, #tpu.memory_space<vmem>>
      %dma_start3A_131 = arith.constant 0 : i32
      %dma_start3A_132 = arith.constant 0 : i32
      %dma_start3A_133 = tpu.memref_slice %arg2[%dma_start3A_131, %dma_start3A_132] : memref<10000x48xf32, #tpu.memory_space<hbm>> -> memref<10000x48xf32, #tpu.memory_space<hbm>>
      tpu.enqueue_indirect_dma source(%dma_start3A_133 : memref<10000x48xf32, #tpu.memory_space<hbm>>) target(%arg8 : memref<512x48xf32, #tpu.memory_space<vmem>>) offsets(%dma_start3A_130 : memref<512xi32, #tpu.memory_space<vmem>>) semaphore(%arg12 : memref<!tpu.dma_semaphore, #tpu.memory_space<semaphore_mem>>)
      %add3A_134 = arith.constant 1 : i32
      %add3A_135 = arith.addi %mul3A_88, %add3A_134 : i32
      %dma_start3A_136 = arith.constant 0 : i32
      %dma_start3A_137 = tpu.memref_slice %arg7[%add3A_135, %dma_start3A_136] : memref<20x512xi32, #tpu.memory_space<vmem>> -> memref<1x512xi32, #tpu.memory_space<vmem>>
      %dma_start3A_138 = tpu.memref_squeeze %dma_start3A_137 : memref<1x512xi32, #tpu.memory_space<vmem>> -> memref<512xi32, #tpu.memory_space<vmem>>
      %dma_start3A_139 = arith.constant 0 : i32
      %dma_start3A_140 = arith.constant 0 : i32
      %dma_start3A_141 = tpu.memref_slice %arg11[%dma_start3A_139, %dma_start3A_140] : memref<10008x48xf32, #tpu.memory_space<vmem_shared>> -> memref<10008x48xf32, #tpu.memory_space<vmem_shared>>
      tpu.enqueue_indirect_dma source(%arg9 : memref<512x48xf32, #tpu.memory_space<vmem>>) target(%dma_start3A_141 : memref<10008x48xf32, #tpu.memory_space<vmem_shared>>) offsets(%dma_start3A_138 : memref<512xi32, #tpu.memory_space<vmem>>) semaphore(%arg15 : memref<!tpu.dma_semaphore, #tpu.memory_space<semaphore_mem>>) {add = true}
    }
    %scan3A_23 = arith.constant 9 : i32
    %dma_wait3A = arith.constant 0 : i32
    %dma_wait3A_24 = arith.constant 0 : i32
    %dma_wait3A_25 = tpu.memref_slice %arg7[%dma_wait3A, %dma_wait3A_24] : memref<20x512xi32, #tpu.memory_space<vmem>> -> memref<1x512xi32, #tpu.memory_space<vmem>>
    %dma_wait3A_26 = tpu.memref_squeeze %dma_wait3A_25 : memref<1x512xi32, #tpu.memory_space<vmem>> -> memref<512xi32, #tpu.memory_space<vmem>>
    %dma_wait3A_27 = arith.constant 0 : i32
    %dma_wait3A_28 = arith.constant 0 : i32
    %dma_wait3A_29 = tpu.memref_slice %arg11[%dma_wait3A_27, %dma_wait3A_28] : memref<10008x48xf32, #tpu.memory_space<vmem_shared>> -> memref<10008x48xf32, #tpu.memory_space<vmem_shared>>
    tpu.wait_indirect_dma semaphore(%arg15 : memref<!tpu.dma_semaphore, #tpu.memory_space<semaphore_mem>>) src(%arg9 : memref<512x48xf32, #tpu.memory_space<vmem>>) dst(%dma_wait3A_29 : memref<10008x48xf32, #tpu.memory_space<vmem_shared>>)
    %dma_wait3A_30 = arith.constant 0 : i32
    %dma_wait3A_31 = arith.constant 0 : i32
    %dma_wait3A_32 = tpu.memref_slice %arg6[%dma_wait3A_30, %dma_wait3A_31] : memref<20x512xi32, #tpu.memory_space<vmem>> -> memref<1x512xi32, #tpu.memory_space<vmem>>
    %dma_wait3A_33 = tpu.memref_squeeze %dma_wait3A_32 : memref<1x512xi32, #tpu.memory_space<vmem>> -> memref<512xi32, #tpu.memory_space<vmem>>
    %dma_wait3A_34 = arith.constant 0 : i32
    %dma_wait3A_35 = arith.constant 0 : i32
    %dma_wait3A_36 = tpu.memref_slice %arg2[%dma_wait3A_34, %dma_wait3A_35] : memref<10000x48xf32, #tpu.memory_space<hbm>> -> memref<10000x48xf32, #tpu.memory_space<hbm>>
    tpu.wait_indirect_dma semaphore(%arg12 : memref<!tpu.dma_semaphore, #tpu.memory_space<semaphore_mem>>) src(%dma_wait3A_36 : memref<10000x48xf32, #tpu.memory_space<hbm>>) dst(%arg8 : memref<512x48xf32, #tpu.memory_space<vmem>>)
    %dma_start3A_37 = arith.constant 19 : i32
    %dma_start3A_38 = arith.constant 0 : i32
    %dma_start3A_39 = tpu.memref_slice %arg6[%dma_start3A_37, %dma_start3A_38] : memref<20x512xi32, #tpu.memory_space<vmem>> -> memref<1x512xi32, #tpu.memory_space<vmem>>
    %dma_start3A_40 = tpu.memref_squeeze %dma_start3A_39 : memref<1x512xi32, #tpu.memory_space<vmem>> -> memref<512xi32, #tpu.memory_space<vmem>>
    %dma_start3A_41 = arith.constant 0 : i32
    %dma_start3A_42 = arith.constant 0 : i32
    %dma_start3A_43 = tpu.memref_slice %arg2[%dma_start3A_41, %dma_start3A_42] : memref<10000x48xf32, #tpu.memory_space<hbm>> -> memref<10000x48xf32, #tpu.memory_space<hbm>>
    tpu.enqueue_indirect_dma source(%dma_start3A_43 : memref<10000x48xf32, #tpu.memory_space<hbm>>) target(%arg9 : memref<512x48xf32, #tpu.memory_space<vmem>>) offsets(%dma_start3A_40 : memref<512xi32, #tpu.memory_space<vmem>>) semaphore(%arg13 : memref<!tpu.dma_semaphore, #tpu.memory_space<semaphore_mem>>)
    %dma_start3A_44 = arith.constant 18 : i32
    %dma_start3A_45 = arith.constant 0 : i32
    %dma_start3A_46 = tpu.memref_slice %arg7[%dma_start3A_44, %dma_start3A_45] : memref<20x512xi32, #tpu.memory_space<vmem>> -> memref<1x512xi32, #tpu.memory_space<vmem>>
    %dma_start3A_47 = tpu.memref_squeeze %dma_start3A_46 : memref<1x512xi32, #tpu.memory_space<vmem>> -> memref<512xi32, #tpu.memory_space<vmem>>
    %dma_start3A_48 = arith.constant 0 : i32
    %dma_start3A_49 = arith.constant 0 : i32
    %dma_start3A_50 = tpu.memref_slice %arg11[%dma_start3A_48, %dma_start3A_49] : memref<10008x48xf32, #tpu.memory_space<vmem_shared>> -> memref<10008x48xf32, #tpu.memory_space<vmem_shared>>
    tpu.enqueue_indirect_dma source(%arg8 : memref<512x48xf32, #tpu.memory_space<vmem>>) target(%dma_start3A_50 : memref<10008x48xf32, #tpu.memory_space<vmem_shared>>) offsets(%dma_start3A_47 : memref<512xi32, #tpu.memory_space<vmem>>) semaphore(%arg14 : memref<!tpu.dma_semaphore, #tpu.memory_space<semaphore_mem>>) {add = true}
    %dma_wait3A_51 = arith.constant 0 : i32
    %dma_wait3A_52 = arith.constant 0 : i32
    %dma_wait3A_53 = tpu.memref_slice %arg6[%dma_wait3A_51, %dma_wait3A_52] : memref<20x512xi32, #tpu.memory_space<vmem>> -> memref<1x512xi32, #tpu.memory_space<vmem>>
    %dma_wait3A_54 = tpu.memref_squeeze %dma_wait3A_53 : memref<1x512xi32, #tpu.memory_space<vmem>> -> memref<512xi32, #tpu.memory_space<vmem>>
    %dma_wait3A_55 = arith.constant 0 : i32
    %dma_wait3A_56 = arith.constant 0 : i32
    %dma_wait3A_57 = tpu.memref_slice %arg2[%dma_wait3A_55, %dma_wait3A_56] : memref<10000x48xf32, #tpu.memory_space<hbm>> -> memref<10000x48xf32, #tpu.memory_space<hbm>>
    tpu.wait_indirect_dma semaphore(%arg13 : memref<!tpu.dma_semaphore, #tpu.memory_space<semaphore_mem>>) src(%dma_wait3A_57 : memref<10000x48xf32, #tpu.memory_space<hbm>>) dst(%arg9 : memref<512x48xf32, #tpu.memory_space<vmem>>)
    %dma_wait3A_58 = arith.constant 0 : i32
    %dma_wait3A_59 = arith.constant 0 : i32
    %dma_wait3A_60 = tpu.memref_slice %arg7[%dma_wait3A_58, %dma_wait3A_59] : memref<20x512xi32, #tpu.memory_space<vmem>> -> memref<1x512xi32, #tpu.memory_space<vmem>>
    %dma_wait3A_61 = tpu.memref_squeeze %dma_wait3A_60 : memref<1x512xi32, #tpu.memory_space<vmem>> -> memref<512xi32, #tpu.memory_space<vmem>>
    %dma_wait3A_62 = arith.constant 0 : i32
    %dma_wait3A_63 = arith.constant 0 : i32
    %dma_wait3A_64 = tpu.memref_slice %arg11[%dma_wait3A_62, %dma_wait3A_63] : memref<10008x48xf32, #tpu.memory_space<vmem_shared>> -> memref<10008x48xf32, #tpu.memory_space<vmem_shared>>
    tpu.wait_indirect_dma semaphore(%arg14 : memref<!tpu.dma_semaphore, #tpu.memory_space<semaphore_mem>>) src(%arg8 : memref<512x48xf32, #tpu.memory_space<vmem>>) dst(%dma_wait3A_64 : memref<10008x48xf32, #tpu.memory_space<vmem_shared>>)
    %dma_start3A_65 = arith.constant 19 : i32
    %dma_start3A_66 = arith.constant 0 : i32
    %dma_start3A_67 = tpu.memref_slice %arg7[%dma_start3A_65, %dma_start3A_66] : memref<20x512xi32, #tpu.memory_space<vmem>> -> memref<1x512xi32, #tpu.memory_space<vmem>>
    %dma_start3A_68 = tpu.memref_squeeze %dma_start3A_67 : memref<1x512xi32, #tpu.memory_space<vmem>> -> memref<512xi32, #tpu.memory_space<vmem>>
    %dma_start3A_69 = arith.constant 0 : i32
    %dma_start3A_70 = arith.constant 0 : i32
    %dma_start3A_71 = tpu.memref_slice %arg11[%dma_start3A_69, %dma_start3A_70] : memref<10008x48xf32, #tpu.memory_space<vmem_shared>> -> memref<10008x48xf32, #tpu.memory_space<vmem_shared>>
    tpu.enqueue_indirect_dma source(%arg9 : memref<512x48xf32, #tpu.memory_space<vmem>>) target(%dma_start3A_71 : memref<10008x48xf32, #tpu.memory_space<vmem_shared>>) offsets(%dma_start3A_68 : memref<512xi32, #tpu.memory_space<vmem>>) semaphore(%arg15 : memref<!tpu.dma_semaphore, #tpu.memory_space<semaphore_mem>>) {add = true}
    %dma_wait3A_72 = arith.constant 0 : i32
    %dma_wait3A_73 = arith.constant 0 : i32
    %dma_wait3A_74 = tpu.memref_slice %arg7[%dma_wait3A_72, %dma_wait3A_73] : memref<20x512xi32, #tpu.memory_space<vmem>> -> memref<1x512xi32, #tpu.memory_space<vmem>>
    %dma_wait3A_75 = tpu.memref_squeeze %dma_wait3A_74 : memref<1x512xi32, #tpu.memory_space<vmem>> -> memref<512xi32, #tpu.memory_space<vmem>>
    %dma_wait3A_76 = arith.constant 0 : i32
    %dma_wait3A_77 = arith.constant 0 : i32
    %dma_wait3A_78 = tpu.memref_slice %arg11[%dma_wait3A_76, %dma_wait3A_77] : memref<10008x48xf32, #tpu.memory_space<vmem_shared>> -> memref<10008x48xf32, #tpu.memory_space<vmem_shared>>
    tpu.wait_indirect_dma semaphore(%arg15 : memref<!tpu.dma_semaphore, #tpu.memory_space<semaphore_mem>>) src(%arg9 : memref<512x48xf32, #tpu.memory_space<vmem>>) dst(%dma_wait3A_78 : memref<10008x48xf32, #tpu.memory_space<vmem_shared>>)
    %barrier3A_79 = arith.constant 0 : index
    tpu.barrier barrier_id(%barrier3A_79)
    %scan3A_80 = arith.constant 0 : i32
    %scan3A_81 = arith.constant 0 : i32
    %scan3A_82 = arith.constant 4 : i32
    %scan3A_83 = arith.addi %scan3A_81, %scan3A_82 : i32
    %scan3A_84 = arith.constant 1 : i32
    scf.for %scan3A_86 = %scan3A_81 to %scan3A_83 step %scan3A_84  : i32 {
      %mul3A_87 = arith.constant 16 : i32
      %mul3A_88 = arith.muli %mul3A_87, %scan3A_86 : i32
      %add3A_89 = arith.addi %arg1, %mul3A_88 : i32
      %lt3A = arith.constant 50 : i32
      %lt3A_90 = arith.cmpi slt, %add3A_89, %lt3A : i32
      %convert_element_type3A = arith.extui %lt3A_90 : i1 to i32
      %cond3A = arith.constant 0 : i32
      %cond3A_91 = arith.cmpi ne, %convert_element_type3A, %cond3A : i32
      scf.if %cond3A_91 {
        %mul3A_92 = arith.constant 200 : i32
        %mul3A_93 = arith.muli %add3A_89, %mul3A_92 : i32
        "tpu.region"() ({
          %run_scoped3A = tpu.sem_alloc : memref<!tpu.dma_semaphore, #tpu.memory_space<semaphore_mem>>
          %dma_start3A_94 = arith.constant 0 : i32
          %dma_start3A_95 = tpu.memref_slice %arg11[%mul3A_93, %dma_start3A_94] : memref<10008x48xf32, #tpu.memory_space<vmem_shared>> -> memref<200x48xf32, #tpu.memory_space<vmem_shared>>
          %dma_start3A_96 = arith.constant 0 : i32
          %dma_start3A_97 = tpu.memref_slice %arg11[%mul3A_93, %dma_start3A_96] : memref<10008x48xf32, #tpu.memory_space<vmem_shared>> -> memref<200x48xf32, #tpu.memory_space<vmem_shared>>
          tpu.enqueue_dma source(%dma_start3A_97 : memref<200x48xf32, #tpu.memory_space<vmem_shared>>) target(%arg10 : memref<200x48xf32, #tpu.memory_space<vmem>>) target_semaphore(%run_scoped3A : memref<!tpu.dma_semaphore, #tpu.memory_space<semaphore_mem>>)
          %dma_wait3A_98 = arith.constant 0 : i32
          %dma_wait3A_99 = tpu.memref_slice %arg11[%mul3A_93, %dma_wait3A_98] : memref<10008x48xf32, #tpu.memory_space<vmem_shared>> -> memref<200x48xf32, #tpu.memory_space<vmem_shared>>
          %dma_wait3A_100 = arith.constant 0 : i32
          %dma_wait3A_101 = tpu.memref_slice %arg11[%mul3A_93, %dma_wait3A_100] : memref<10008x48xf32, #tpu.memory_space<vmem_shared>> -> memref<200x48xf32, #tpu.memory_space<vmem_shared>>
          tpu.wait_dma2 semaphore(%run_scoped3A : memref<!tpu.dma_semaphore, #tpu.memory_space<semaphore_mem>>) src(%dma_wait3A_101 : memref<200x48xf32, #tpu.memory_space<vmem_shared>>) dst(%arg10 : memref<200x48xf32, #tpu.memory_space<vmem>>)
          tpu.yield
        }) : () -> ()
        "tpu.region"() ({
          %run_scoped3A = tpu.sem_alloc : memref<!tpu.dma_semaphore, #tpu.memory_space<semaphore_mem>>
          %dma_start3A_94 = arith.constant 0 : i32
          %dma_start3A_95 = tpu.memref_slice %arg5[%arg0, %mul3A_93, %dma_start3A_94] : memref<2x10000x48xf32, #tpu.memory_space<hbm>> -> memref<1x200x48xf32, #tpu.memory_space<hbm>>
          %dma_start3A_96 = tpu.memref_squeeze %dma_start3A_95 : memref<1x200x48xf32, #tpu.memory_space<hbm>> -> memref<200x48xf32, #tpu.memory_space<hbm>>
          %dma_start3A_97 = arith.constant 0 : i32
          %dma_start3A_98 = tpu.memref_slice %arg5[%arg0, %mul3A_93, %dma_start3A_97] : memref<2x10000x48xf32, #tpu.memory_space<hbm>> -> memref<1x200x48xf32, #tpu.memory_space<hbm>>
          %dma_start3A_99 = tpu.memref_squeeze %dma_start3A_98 : memref<1x200x48xf32, #tpu.memory_space<hbm>> -> memref<200x48xf32, #tpu.memory_space<hbm>>
          tpu.enqueue_dma source(%arg10 : memref<200x48xf32, #tpu.memory_space<vmem>>) target(%dma_start3A_99 : memref<200x48xf32, #tpu.memory_space<hbm>>) target_semaphore(%run_scoped3A : memref<!tpu.dma_semaphore, #tpu.memory_space<semaphore_mem>>)
          %dma_wait3A_100 = arith.constant 0 : i32
          %dma_wait3A_101 = tpu.memref_slice %arg5[%arg0, %mul3A_93, %dma_wait3A_100] : memref<2x10000x48xf32, #tpu.memory_space<hbm>> -> memref<1x200x48xf32, #tpu.memory_space<hbm>>
          %dma_wait3A_102 = tpu.memref_squeeze %dma_wait3A_101 : memref<1x200x48xf32, #tpu.memory_space<hbm>> -> memref<200x48xf32, #tpu.memory_space<hbm>>
          %dma_wait3A_103 = arith.constant 0 : i32
          %dma_wait3A_104 = tpu.memref_slice %arg5[%arg0, %mul3A_93, %dma_wait3A_103] : memref<2x10000x48xf32, #tpu.memory_space<hbm>> -> memref<1x200x48xf32, #tpu.memory_space<hbm>>
          %dma_wait3A_105 = tpu.memref_squeeze %dma_wait3A_104 : memref<1x200x48xf32, #tpu.memory_space<hbm>> -> memref<200x48xf32, #tpu.memory_space<hbm>>
          tpu.wait_dma2 semaphore(%run_scoped3A : memref<!tpu.dma_semaphore, #tpu.memory_space<semaphore_mem>>) src(%arg10 : memref<200x48xf32, #tpu.memory_space<vmem>>) dst(%dma_wait3A_105 : memref<200x48xf32, #tpu.memory_space<hbm>>)
          tpu.yield
        }) : () -> ()
      } else {
      }
    }
    %scan3A_85 = arith.constant 4 : i32
    return
  }
}

#map = affine_map<(d0, d1) -> (0, 0)>
#map1 = affine_map<(d0, d1) -> (0, 0, 0)>
module attributes {stable_mosaic.version = 14 : i64} {
  func.func @agg_dual_kernel(%arg0: i32, %arg1: i32, %arg2: memref<10000x64xf32, #tpu.memory_space<hbm>>, %arg3: memref<10000x64xf32, #tpu.memory_space<hbm>>, %arg4: memref<16x64x320xi32, #tpu.memory_space<hbm>>, %arg5: memref<16x64x320xi32, #tpu.memory_space<hbm>>, %arg6: memref<2x10000x64xf32, #tpu.memory_space<hbm>>, %arg7: memref<64x320xi32, #tpu.memory_space<vmem>>, %arg8: memref<64x320xi32, #tpu.memory_space<vmem>>, %arg9: memref<320x64xf32, #tpu.memory_space<vmem>>, %arg10: memref<320x64xf32, #tpu.memory_space<vmem>>, %arg11: memref<40x64xf32, #tpu.memory_space<vmem>>, %arg12: memref<10008x64xf32, #tpu.memory_space<vmem_shared>>, %arg13: memref<!tpu.dma_semaphore, #tpu.memory_space<semaphore_mem>>, %arg14: memref<!tpu.dma_semaphore, #tpu.memory_space<semaphore_mem>>, %arg15: memref<!tpu.dma_semaphore, #tpu.memory_space<semaphore_mem>>, %arg16: memref<!tpu.dma_semaphore, #tpu.memory_space<semaphore_mem>>) attributes {dimension_semantics = [#tpu.dimension_semantics<core_parallel>, #tpu.dimension_semantics<subcore_parallel>], iteration_bounds = array<i64: 2, 16>, scalar_prefetch = 0 : i64, scratch_operands = 10 : i64, tpu.core_type = #tpu.core_type<sc_vector_subcore>, window_params = [{transform_indices = #map}, {transform_indices = #map}, {transform_indices = #map1}, {transform_indices = #map1}, {transform_indices = #map1}]} {
    %scan3A = arith.constant 0 : i32
    %scan3A_0 = arith.constant 0 : i32
    %scan3A_1 = arith.constant 160 : i32
    %scan3A_2 = arith.addi %scan3A_0, %scan3A_1 : i32
    %scan3A_3 = arith.constant 1 : i32
    scf.for %scan3A_25 = %scan3A_0 to %scan3A_2 step %scan3A_3  : i32 {
      %jit3A = arith.constant 4 : i32
      %div3A = arith.divsi %scan3A_25, %jit3A : i32
      %sign3A = arith.constant 0 : i32
      %sign3A_26 = arith.cmpi sgt, %scan3A_25, %sign3A : i32
      %sign3A_27 = arith.extui %sign3A_26 : i1 to i32
      %sign3A_28 = arith.constant 0 : i32
      %sign3A_29 = arith.cmpi slt, %scan3A_25, %sign3A_28 : i32
      %sign3A_30 = arith.extui %sign3A_29 : i1 to i32
      %sign3A_31 = arith.subi %sign3A_27, %sign3A_30 : i32
      %sign3A_32 = arith.constant 0 : i32
      %sign3A_33 = arith.cmpi sgt, %jit3A, %sign3A_32 : i32
      %sign3A_34 = arith.extui %sign3A_33 : i1 to i32
      %sign3A_35 = arith.constant 0 : i32
      %sign3A_36 = arith.cmpi slt, %jit3A, %sign3A_35 : i32
      %sign3A_37 = arith.extui %sign3A_36 : i1 to i32
      %sign3A_38 = arith.subi %sign3A_34, %sign3A_37 : i32
      %ne3A = arith.cmpi ne, %sign3A_31, %sign3A_38 : i32
      %rem3A = arith.remsi %scan3A_25, %jit3A : i32
      %ne3A_39 = arith.constant 0 : i32
      %ne3A_40 = arith.cmpi ne, %rem3A, %ne3A_39 : i32
      %and3A = arith.andi %ne3A, %ne3A_40 : i1
      %sub3A = arith.constant 1 : i32
      %sub3A_41 = arith.subi %div3A, %sub3A : i32
      %select_n3A = arith.select %and3A, %sub3A_41, %div3A : i32
      %jit3A_42 = arith.constant 4 : i32
      %eq3A_43 = arith.constant 0 : i32
      %eq3A_44 = arith.cmpi eq, %jit3A_42, %eq3A_43 : i32
      %jit3A_45 = arith.constant 1 : i32
      %select_n3A_46 = arith.select %eq3A_44, %jit3A_45, %jit3A_42 : i32
      %rem3A_47 = arith.remsi %scan3A_25, %select_n3A_46 : i32
      %ne3A_48 = arith.constant 0 : i32
      %ne3A_49 = arith.cmpi ne, %rem3A_47, %ne3A_48 : i32
      %lt3A = arith.constant 0 : i32
      %lt3A_50 = arith.cmpi slt, %rem3A_47, %lt3A : i32
      %lt3A_51 = arith.constant 0 : i32
      %lt3A_52 = arith.cmpi slt, %select_n3A_46, %lt3A_51 : i32
      %ne3A_53 = arith.xori %lt3A_50, %lt3A_52 : i1
      %and3A_54 = arith.andi %ne3A_53, %ne3A_49 : i1
      %add3A = arith.addi %rem3A_47, %select_n3A_46 : i32
      %select_n3A_55 = arith.select %and3A_54, %add3A, %rem3A_47 : i32
      %broadcast_in_dim3A = arith.constant 0.000000e+00 : f32
      %broadcast_in_dim3A_56 = vector.broadcast %broadcast_in_dim3A : f32 to vector<16xf32>
      %mul3A = arith.constant 16 : i32
      %mul3A_57 = arith.muli %select_n3A_55, %mul3A : i32
      %swap3A = arith.index_cast %select_n3A : i32 to index
      %swap3A_58 = arith.index_cast %mul3A_57 : i32 to index
      %swap3A_59 = tpu.vector_load %arg11[%swap3A, %swap3A_58] {strides = array<i32>} : memref<40x64xf32, #tpu.memory_space<vmem>>, vector<1x16xf32>,
      %swap3A_60 = vector.shape_cast %swap3A_59 : vector<1x16xf32> to vector<16xf32>
      %swap3A_61 = vector.shape_cast %broadcast_in_dim3A_56 : vector<16xf32> to vector<1x16xf32>
      tpu.vector_store %arg11[%swap3A, %swap3A_58], %swap3A_61 {strides = array<i32>} : memref<40x64xf32, #tpu.memory_space<vmem>>, vector<1x16xf32>,
    }
    %scan3A_4 = arith.constant 160 : i32
    %scan3A_5 = arith.constant 0 : i32
    %scan3A_6 = arith.constant 0 : i32
    %scan3A_7 = arith.constant 16 : i32
    %scan3A_8 = arith.addi %scan3A_6, %scan3A_7 : i32
    %scan3A_9 = arith.constant 1 : i32
    scf.for %scan3A_25 = %scan3A_6 to %scan3A_8 step %scan3A_9  : i32 {
      %mul3A = arith.constant 16 : i32
      %mul3A_26 = arith.muli %mul3A, %scan3A_25 : i32
      %add3A = arith.addi %arg1, %mul3A_26 : i32
      %lt3A = arith.constant 250 : i32
      %lt3A_27 = arith.cmpi slt, %add3A, %lt3A : i32
      %convert_element_type3A_28 = arith.extui %lt3A_27 : i1 to i32
      %cond3A_29 = arith.constant 0 : i32
      %cond3A_30 = arith.cmpi ne, %convert_element_type3A_28, %cond3A_29 : i32
      scf.if %cond3A_30 {
        %mul3A_31 = arith.constant 40 : i32
        %mul3A_32 = arith.muli %add3A, %mul3A_31 : i32
        "tpu.region"() ({
          %run_scoped3A = tpu.sem_alloc : memref<!tpu.dma_semaphore, #tpu.memory_space<semaphore_mem>>
          %dma_start3A = arith.constant 0 : i32
          %dma_start3A_33 = tpu.memref_slice %arg12[%mul3A_32, %dma_start3A] : memref<10008x64xf32, #tpu.memory_space<vmem_shared>> -> memref<40x64xf32, #tpu.memory_space<vmem_shared>>
          %dma_start3A_34 = arith.constant 0 : i32
          %dma_start3A_35 = tpu.memref_slice %arg12[%mul3A_32, %dma_start3A_34] : memref<10008x64xf32, #tpu.memory_space<vmem_shared>> -> memref<40x64xf32, #tpu.memory_space<vmem_shared>>
          tpu.enqueue_dma source(%arg11 : memref<40x64xf32, #tpu.memory_space<vmem>>) target(%dma_start3A_35 : memref<40x64xf32, #tpu.memory_space<vmem_shared>>) target_semaphore(%run_scoped3A : memref<!tpu.dma_semaphore, #tpu.memory_space<semaphore_mem>>)
          %dma_wait3A = arith.constant 0 : i32
          %dma_wait3A_36 = tpu.memref_slice %arg12[%mul3A_32, %dma_wait3A] : memref<10008x64xf32, #tpu.memory_space<vmem_shared>> -> memref<40x64xf32, #tpu.memory_space<vmem_shared>>
          %dma_wait3A_37 = arith.constant 0 : i32
          %dma_wait3A_38 = tpu.memref_slice %arg12[%mul3A_32, %dma_wait3A_37] : memref<10008x64xf32, #tpu.memory_space<vmem_shared>> -> memref<40x64xf32, #tpu.memory_space<vmem_shared>>
          tpu.wait_dma2 semaphore(%run_scoped3A : memref<!tpu.dma_semaphore, #tpu.memory_space<semaphore_mem>>) src(%arg11 : memref<40x64xf32, #tpu.memory_space<vmem>>) dst(%dma_wait3A_38 : memref<40x64xf32, #tpu.memory_space<vmem_shared>>)
          tpu.yield
        }) : () -> ()
      } else {
      }
    }
    %scan3A_10 = arith.constant 16 : i32
    "tpu.region"() ({
      %run_scoped3A = tpu.sem_alloc : memref<!tpu.dma_semaphore, #tpu.memory_space<semaphore_mem>>
      %dma_start3A = arith.constant 0 : i32
      %dma_start3A_25 = arith.constant 0 : i32
      %dma_start3A_26 = tpu.memref_slice %arg4[%arg1, %dma_start3A, %dma_start3A_25] : memref<16x64x320xi32, #tpu.memory_space<hbm>> -> memref<1x64x320xi32, #tpu.memory_space<hbm>>
      %dma_start3A_27 = tpu.memref_squeeze %dma_start3A_26 : memref<1x64x320xi32, #tpu.memory_space<hbm>> -> memref<64x320xi32, #tpu.memory_space<hbm>>
      %dma_start3A_28 = arith.constant 0 : i32
      %dma_start3A_29 = arith.constant 0 : i32
      %dma_start3A_30 = tpu.memref_slice %arg4[%arg1, %dma_start3A_28, %dma_start3A_29] : memref<16x64x320xi32, #tpu.memory_space<hbm>> -> memref<1x64x320xi32, #tpu.memory_space<hbm>>
      %dma_start3A_31 = tpu.memref_squeeze %dma_start3A_30 : memref<1x64x320xi32, #tpu.memory_space<hbm>> -> memref<64x320xi32, #tpu.memory_space<hbm>>
      tpu.enqueue_dma source(%dma_start3A_31 : memref<64x320xi32, #tpu.memory_space<hbm>>) target(%arg7 : memref<64x320xi32, #tpu.memory_space<vmem>>) target_semaphore(%run_scoped3A : memref<!tpu.dma_semaphore, #tpu.memory_space<semaphore_mem>>)
      %dma_wait3A = arith.constant 0 : i32
      %dma_wait3A_32 = arith.constant 0 : i32
      %dma_wait3A_33 = tpu.memref_slice %arg4[%arg1, %dma_wait3A, %dma_wait3A_32] : memref<16x64x320xi32, #tpu.memory_space<hbm>> -> memref<1x64x320xi32, #tpu.memory_space<hbm>>
      %dma_wait3A_34 = tpu.memref_squeeze %dma_wait3A_33 : memref<1x64x320xi32, #tpu.memory_space<hbm>> -> memref<64x320xi32, #tpu.memory_space<hbm>>
      %dma_wait3A_35 = arith.constant 0 : i32
      %dma_wait3A_36 = arith.constant 0 : i32
      %dma_wait3A_37 = tpu.memref_slice %arg4[%arg1, %dma_wait3A_35, %dma_wait3A_36] : memref<16x64x320xi32, #tpu.memory_space<hbm>> -> memref<1x64x320xi32, #tpu.memory_space<hbm>>
      %dma_wait3A_38 = tpu.memref_squeeze %dma_wait3A_37 : memref<1x64x320xi32, #tpu.memory_space<hbm>> -> memref<64x320xi32, #tpu.memory_space<hbm>>
      tpu.wait_dma2 semaphore(%run_scoped3A : memref<!tpu.dma_semaphore, #tpu.memory_space<semaphore_mem>>) src(%dma_wait3A_38 : memref<64x320xi32, #tpu.memory_space<hbm>>) dst(%arg7 : memref<64x320xi32, #tpu.memory_space<vmem>>)
      tpu.yield
    }) : () -> ()
    "tpu.region"() ({
      %run_scoped3A = tpu.sem_alloc : memref<!tpu.dma_semaphore, #tpu.memory_space<semaphore_mem>>
      %dma_start3A = arith.constant 0 : i32
      %dma_start3A_25 = arith.constant 0 : i32
      %dma_start3A_26 = tpu.memref_slice %arg5[%arg1, %dma_start3A, %dma_start3A_25] : memref<16x64x320xi32, #tpu.memory_space<hbm>> -> memref<1x64x320xi32, #tpu.memory_space<hbm>>
      %dma_start3A_27 = tpu.memref_squeeze %dma_start3A_26 : memref<1x64x320xi32, #tpu.memory_space<hbm>> -> memref<64x320xi32, #tpu.memory_space<hbm>>
      %dma_start3A_28 = arith.constant 0 : i32
      %dma_start3A_29 = arith.constant 0 : i32
      %dma_start3A_30 = tpu.memref_slice %arg5[%arg1, %dma_start3A_28, %dma_start3A_29] : memref<16x64x320xi32, #tpu.memory_space<hbm>> -> memref<1x64x320xi32, #tpu.memory_space<hbm>>
      %dma_start3A_31 = tpu.memref_squeeze %dma_start3A_30 : memref<1x64x320xi32, #tpu.memory_space<hbm>> -> memref<64x320xi32, #tpu.memory_space<hbm>>
      tpu.enqueue_dma source(%dma_start3A_31 : memref<64x320xi32, #tpu.memory_space<hbm>>) target(%arg8 : memref<64x320xi32, #tpu.memory_space<vmem>>) target_semaphore(%run_scoped3A : memref<!tpu.dma_semaphore, #tpu.memory_space<semaphore_mem>>)
      %dma_wait3A = arith.constant 0 : i32
      %dma_wait3A_32 = arith.constant 0 : i32
      %dma_wait3A_33 = tpu.memref_slice %arg5[%arg1, %dma_wait3A, %dma_wait3A_32] : memref<16x64x320xi32, #tpu.memory_space<hbm>> -> memref<1x64x320xi32, #tpu.memory_space<hbm>>
      %dma_wait3A_34 = tpu.memref_squeeze %dma_wait3A_33 : memref<1x64x320xi32, #tpu.memory_space<hbm>> -> memref<64x320xi32, #tpu.memory_space<hbm>>
      %dma_wait3A_35 = arith.constant 0 : i32
      %dma_wait3A_36 = arith.constant 0 : i32
      %dma_wait3A_37 = tpu.memref_slice %arg5[%arg1, %dma_wait3A_35, %dma_wait3A_36] : memref<16x64x320xi32, #tpu.memory_space<hbm>> -> memref<1x64x320xi32, #tpu.memory_space<hbm>>
      %dma_wait3A_38 = tpu.memref_squeeze %dma_wait3A_37 : memref<1x64x320xi32, #tpu.memory_space<hbm>> -> memref<64x320xi32, #tpu.memory_space<hbm>>
      tpu.wait_dma2 semaphore(%run_scoped3A : memref<!tpu.dma_semaphore, #tpu.memory_space<semaphore_mem>>) src(%dma_wait3A_38 : memref<64x320xi32, #tpu.memory_space<hbm>>) dst(%arg8 : memref<64x320xi32, #tpu.memory_space<vmem>>)
      tpu.yield
    }) : () -> ()
    %barrier3A = arith.constant 0 : index
    tpu.barrier barrier_id(%barrier3A)
    %eq3A = arith.constant 0 : i32
    %eq3A_11 = arith.cmpi eq, %arg0, %eq3A : i32
    %convert_element_type3A = arith.extui %eq3A_11 : i1 to i32
    %cond3A = arith.constant 0 : i32
    %cond3A_12 = arith.cmpi ne, %convert_element_type3A, %cond3A : i32
    scf.if %cond3A_12 {
      %dma_start3A = arith.constant 0 : i32
      %dma_start3A_25 = arith.constant 0 : i32
      %dma_start3A_26 = tpu.memref_slice %arg7[%dma_start3A, %dma_start3A_25] : memref<64x320xi32, #tpu.memory_space<vmem>> -> memref<1x320xi32, #tpu.memory_space<vmem>>
      %dma_start3A_27 = tpu.memref_squeeze %dma_start3A_26 : memref<1x320xi32, #tpu.memory_space<vmem>> -> memref<320xi32, #tpu.memory_space<vmem>>
      %dma_start3A_28 = arith.constant 0 : i32
      %dma_start3A_29 = arith.constant 0 : i32
      %dma_start3A_30 = tpu.memref_slice %arg2[%dma_start3A_28, %dma_start3A_29] : memref<10000x64xf32, #tpu.memory_space<hbm>> -> memref<10000x64xf32, #tpu.memory_space<hbm>>
      tpu.enqueue_indirect_dma source(%dma_start3A_30 : memref<10000x64xf32, #tpu.memory_space<hbm>>) target(%arg9 : memref<320x64xf32, #tpu.memory_space<vmem>>) offsets(%dma_start3A_27 : memref<320xi32, #tpu.memory_space<vmem>>) semaphore(%arg13 : memref<!tpu.dma_semaphore, #tpu.memory_space<semaphore_mem>>)
      %scan3A_31 = arith.constant 0 : i32
      %scan3A_32 = arith.constant 0 : i32
      %scan3A_33 = arith.constant 31 : i32
      %scan3A_34 = arith.addi %scan3A_32, %scan3A_33 : i32
      %scan3A_35 = arith.constant 1 : i32
      scf.for %scan3A_92 = %scan3A_32 to %scan3A_34 step %scan3A_35  : i32 {
        %mul3A = arith.constant 2 : i32
        %mul3A_93 = arith.muli %mul3A, %scan3A_92 : i32
        %gt3A = arith.constant 0 : i32
        %gt3A_94 = arith.cmpi sgt, %scan3A_92, %gt3A : i32
        %convert_element_type3A_95 = arith.extui %gt3A_94 : i1 to i32
        %cond3A_96 = arith.constant 0 : i32
        %cond3A_97 = arith.cmpi ne, %convert_element_type3A_95, %cond3A_96 : i32
        scf.if %cond3A_97 {
          %dma_wait3A_148 = arith.constant 0 : i32
          %dma_wait3A_149 = arith.constant 0 : i32
          %dma_wait3A_150 = tpu.memref_slice %arg8[%dma_wait3A_148, %dma_wait3A_149] : memref<64x320xi32, #tpu.memory_space<vmem>> -> memref<1x320xi32, #tpu.memory_space<vmem>>
          %dma_wait3A_151 = tpu.memref_squeeze %dma_wait3A_150 : memref<1x320xi32, #tpu.memory_space<vmem>> -> memref<320xi32, #tpu.memory_space<vmem>>
          %dma_wait3A_152 = arith.constant 0 : i32
          %dma_wait3A_153 = arith.constant 0 : i32
          %dma_wait3A_154 = tpu.memref_slice %arg12[%dma_wait3A_152, %dma_wait3A_153] : memref<10008x64xf32, #tpu.memory_space<vmem_shared>> -> memref<10008x64xf32, #tpu.memory_space<vmem_shared>>
          tpu.wait_indirect_dma semaphore(%arg16 : memref<!tpu.dma_semaphore, #tpu.memory_space<semaphore_mem>>) src(%arg10 : memref<320x64xf32, #tpu.memory_space<vmem>>) dst(%dma_wait3A_154 : memref<10008x64xf32, #tpu.memory_space<vmem_shared>>)
        } else {
        }
        %dma_wait3A_98 = arith.constant 0 : i32
        %dma_wait3A_99 = arith.constant 0 : i32
        %dma_wait3A_100 = tpu.memref_slice %arg7[%dma_wait3A_98, %dma_wait3A_99] : memref<64x320xi32, #tpu.memory_space<vmem>> -> memref<1x320xi32, #tpu.memory_space<vmem>>
        %dma_wait3A_101 = tpu.memref_squeeze %dma_wait3A_100 : memref<1x320xi32, #tpu.memory_space<vmem>> -> memref<320xi32, #tpu.memory_space<vmem>>
        %dma_wait3A_102 = arith.constant 0 : i32
        %dma_wait3A_103 = arith.constant 0 : i32
        %dma_wait3A_104 = tpu.memref_slice %arg2[%dma_wait3A_102, %dma_wait3A_103] : memref<10000x64xf32, #tpu.memory_space<hbm>> -> memref<10000x64xf32, #tpu.memory_space<hbm>>
        tpu.wait_indirect_dma semaphore(%arg13 : memref<!tpu.dma_semaphore, #tpu.memory_space<semaphore_mem>>) src(%dma_wait3A_104 : memref<10000x64xf32, #tpu.memory_space<hbm>>) dst(%arg9 : memref<320x64xf32, #tpu.memory_space<vmem>>)
        %add3A = arith.constant 1 : i32
        %add3A_105 = arith.addi %mul3A_93, %add3A : i32
        %dma_start3A_106 = arith.constant 0 : i32
        %dma_start3A_107 = tpu.memref_slice %arg7[%add3A_105, %dma_start3A_106] : memref<64x320xi32, #tpu.memory_space<vmem>> -> memref<1x320xi32, #tpu.memory_space<vmem>>
        %dma_start3A_108 = tpu.memref_squeeze %dma_start3A_107 : memref<1x320xi32, #tpu.memory_space<vmem>> -> memref<320xi32, #tpu.memory_space<vmem>>
        %dma_start3A_109 = arith.constant 0 : i32
        %dma_start3A_110 = arith.constant 0 : i32
        %dma_start3A_111 = tpu.memref_slice %arg2[%dma_start3A_109, %dma_start3A_110] : memref<10000x64xf32, #tpu.memory_space<hbm>> -> memref<10000x64xf32, #tpu.memory_space<hbm>>
        tpu.enqueue_indirect_dma source(%dma_start3A_111 : memref<10000x64xf32, #tpu.memory_space<hbm>>) target(%arg10 : memref<320x64xf32, #tpu.memory_space<vmem>>) offsets(%dma_start3A_108 : memref<320xi32, #tpu.memory_space<vmem>>) semaphore(%arg14 : memref<!tpu.dma_semaphore, #tpu.memory_space<semaphore_mem>>)
        %dma_start3A_112 = arith.constant 0 : i32
        %dma_start3A_113 = tpu.memref_slice %arg8[%mul3A_93, %dma_start3A_112] : memref<64x320xi32, #tpu.memory_space<vmem>> -> memref<1x320xi32, #tpu.memory_space<vmem>>
        %dma_start3A_114 = tpu.memref_squeeze %dma_start3A_113 : memref<1x320xi32, #tpu.memory_space<vmem>> -> memref<320xi32, #tpu.memory_space<vmem>>
        %dma_start3A_115 = arith.constant 0 : i32
        %dma_start3A_116 = arith.constant 0 : i32
        %dma_start3A_117 = tpu.memref_slice %arg12[%dma_start3A_115, %dma_start3A_116] : memref<10008x64xf32, #tpu.memory_space<vmem_shared>> -> memref<10008x64xf32, #tpu.memory_space<vmem_shared>>
        tpu.enqueue_indirect_dma source(%arg9 : memref<320x64xf32, #tpu.memory_space<vmem>>) target(%dma_start3A_117 : memref<10008x64xf32, #tpu.memory_space<vmem_shared>>) offsets(%dma_start3A_114 : memref<320xi32, #tpu.memory_space<vmem>>) semaphore(%arg15 : memref<!tpu.dma_semaphore, #tpu.memory_space<semaphore_mem>>) {add = true}
        %dma_wait3A_118 = arith.constant 0 : i32
        %dma_wait3A_119 = arith.constant 0 : i32
        %dma_wait3A_120 = tpu.memref_slice %arg7[%dma_wait3A_118, %dma_wait3A_119] : memref<64x320xi32, #tpu.memory_space<vmem>> -> memref<1x320xi32, #tpu.memory_space<vmem>>
        %dma_wait3A_121 = tpu.memref_squeeze %dma_wait3A_120 : memref<1x320xi32, #tpu.memory_space<vmem>> -> memref<320xi32, #tpu.memory_space<vmem>>
        %dma_wait3A_122 = arith.constant 0 : i32
        %dma_wait3A_123 = arith.constant 0 : i32
        %dma_wait3A_124 = tpu.memref_slice %arg2[%dma_wait3A_122, %dma_wait3A_123] : memref<10000x64xf32, #tpu.memory_space<hbm>> -> memref<10000x64xf32, #tpu.memory_space<hbm>>
        tpu.wait_indirect_dma semaphore(%arg14 : memref<!tpu.dma_semaphore, #tpu.memory_space<semaphore_mem>>) src(%dma_wait3A_124 : memref<10000x64xf32, #tpu.memory_space<hbm>>) dst(%arg10 : memref<320x64xf32, #tpu.memory_space<vmem>>)
        %dma_wait3A_125 = arith.constant 0 : i32
        %dma_wait3A_126 = arith.constant 0 : i32
        %dma_wait3A_127 = tpu.memref_slice %arg8[%dma_wait3A_125, %dma_wait3A_126] : memref<64x320xi32, #tpu.memory_space<vmem>> -> memref<1x320xi32, #tpu.memory_space<vmem>>
        %dma_wait3A_128 = tpu.memref_squeeze %dma_wait3A_127 : memref<1x320xi32, #tpu.memory_space<vmem>> -> memref<320xi32, #tpu.memory_space<vmem>>
        %dma_wait3A_129 = arith.constant 0 : i32
        %dma_wait3A_130 = arith.constant 0 : i32
        %dma_wait3A_131 = tpu.memref_slice %arg12[%dma_wait3A_129, %dma_wait3A_130] : memref<10008x64xf32, #tpu.memory_space<vmem_shared>> -> memref<10008x64xf32, #tpu.memory_space<vmem_shared>>
        tpu.wait_indirect_dma semaphore(%arg15 : memref<!tpu.dma_semaphore, #tpu.memory_space<semaphore_mem>>) src(%arg9 : memref<320x64xf32, #tpu.memory_space<vmem>>) dst(%dma_wait3A_131 : memref<10008x64xf32, #tpu.memory_space<vmem_shared>>)
        %add3A_132 = arith.constant 2 : i32
        %add3A_133 = arith.addi %mul3A_93, %add3A_132 : i32
        %dma_start3A_134 = arith.constant 0 : i32
        %dma_start3A_135 = tpu.memref_slice %arg7[%add3A_133, %dma_start3A_134] : memref<64x320xi32, #tpu.memory_space<vmem>> -> memref<1x320xi32, #tpu.memory_space<vmem>>
        %dma_start3A_136 = tpu.memref_squeeze %dma_start3A_135 : memref<1x320xi32, #tpu.memory_space<vmem>> -> memref<320xi32, #tpu.memory_space<vmem>>
        %dma_start3A_137 = arith.constant 0 : i32
        %dma_start3A_138 = arith.constant 0 : i32
        %dma_start3A_139 = tpu.memref_slice %arg2[%dma_start3A_137, %dma_start3A_138] : memref<10000x64xf32, #tpu.memory_space<hbm>> -> memref<10000x64xf32, #tpu.memory_space<hbm>>
        tpu.enqueue_indirect_dma source(%dma_start3A_139 : memref<10000x64xf32, #tpu.memory_space<hbm>>) target(%arg9 : memref<320x64xf32, #tpu.memory_space<vmem>>) offsets(%dma_start3A_136 : memref<320xi32, #tpu.memory_space<vmem>>) semaphore(%arg13 : memref<!tpu.dma_semaphore, #tpu.memory_space<semaphore_mem>>)
        %add3A_140 = arith.constant 1 : i32
        %add3A_141 = arith.addi %mul3A_93, %add3A_140 : i32
        %dma_start3A_142 = arith.constant 0 : i32
        %dma_start3A_143 = tpu.memref_slice %arg8[%add3A_141, %dma_start3A_142] : memref<64x320xi32, #tpu.memory_space<vmem>> -> memref<1x320xi32, #tpu.memory_space<vmem>>
        %dma_start3A_144 = tpu.memref_squeeze %dma_start3A_143 : memref<1x320xi32, #tpu.memory_space<vmem>> -> memref<320xi32, #tpu.memory_space<vmem>>
        %dma_start3A_145 = arith.constant 0 : i32
        %dma_start3A_146 = arith.constant 0 : i32
        %dma_start3A_147 = tpu.memref_slice %arg12[%dma_start3A_145, %dma_start3A_146] : memref<10008x64xf32, #tpu.memory_space<vmem_shared>> -> memref<10008x64xf32, #tpu.memory_space<vmem_shared>>
        tpu.enqueue_indirect_dma source(%arg10 : memref<320x64xf32, #tpu.memory_space<vmem>>) target(%dma_start3A_147 : memref<10008x64xf32, #tpu.memory_space<vmem_shared>>) offsets(%dma_start3A_144 : memref<320xi32, #tpu.memory_space<vmem>>) semaphore(%arg16 : memref<!tpu.dma_semaphore, #tpu.memory_space<semaphore_mem>>) {add = true}
      }
      %scan3A_36 = arith.constant 31 : i32
      %dma_wait3A = arith.constant 0 : i32
      %dma_wait3A_37 = arith.constant 0 : i32
      %dma_wait3A_38 = tpu.memref_slice %arg8[%dma_wait3A, %dma_wait3A_37] : memref<64x320xi32, #tpu.memory_space<vmem>> -> memref<1x320xi32, #tpu.memory_space<vmem>>
      %dma_wait3A_39 = tpu.memref_squeeze %dma_wait3A_38 : memref<1x320xi32, #tpu.memory_space<vmem>> -> memref<320xi32, #tpu.memory_space<vmem>>
      %dma_wait3A_40 = arith.constant 0 : i32
      %dma_wait3A_41 = arith.constant 0 : i32
      %dma_wait3A_42 = tpu.memref_slice %arg12[%dma_wait3A_40, %dma_wait3A_41] : memref<10008x64xf32, #tpu.memory_space<vmem_shared>> -> memref<10008x64xf32, #tpu.memory_space<vmem_shared>>
      tpu.wait_indirect_dma semaphore(%arg16 : memref<!tpu.dma_semaphore, #tpu.memory_space<semaphore_mem>>) src(%arg10 : memref<320x64xf32, #tpu.memory_space<vmem>>) dst(%dma_wait3A_42 : memref<10008x64xf32, #tpu.memory_space<vmem_shared>>)
      %dma_wait3A_43 = arith.constant 0 : i32
      %dma_wait3A_44 = arith.constant 0 : i32
      %dma_wait3A_45 = tpu.memref_slice %arg7[%dma_wait3A_43, %dma_wait3A_44] : memref<64x320xi32, #tpu.memory_space<vmem>> -> memref<1x320xi32, #tpu.memory_space<vmem>>
      %dma_wait3A_46 = tpu.memref_squeeze %dma_wait3A_45 : memref<1x320xi32, #tpu.memory_space<vmem>> -> memref<320xi32, #tpu.memory_space<vmem>>
      %dma_wait3A_47 = arith.constant 0 : i32
      %dma_wait3A_48 = arith.constant 0 : i32
      %dma_wait3A_49 = tpu.memref_slice %arg2[%dma_wait3A_47, %dma_wait3A_48] : memref<10000x64xf32, #tpu.memory_space<hbm>> -> memref<10000x64xf32, #tpu.memory_space<hbm>>
      tpu.wait_indirect_dma semaphore(%arg13 : memref<!tpu.dma_semaphore, #tpu.memory_space<semaphore_mem>>) src(%dma_wait3A_49 : memref<10000x64xf32, #tpu.memory_space<hbm>>) dst(%arg9 : memref<320x64xf32, #tpu.memory_space<vmem>>)
      %dma_start3A_50 = arith.constant 63 : i32
      %dma_start3A_51 = arith.constant 0 : i32
      %dma_start3A_52 = tpu.memref_slice %arg7[%dma_start3A_50, %dma_start3A_51] : memref<64x320xi32, #tpu.memory_space<vmem>> -> memref<1x320xi32, #tpu.memory_space<vmem>>
      %dma_start3A_53 = tpu.memref_squeeze %dma_start3A_52 : memref<1x320xi32, #tpu.memory_space<vmem>> -> memref<320xi32, #tpu.memory_space<vmem>>
      %dma_start3A_54 = arith.constant 0 : i32
      %dma_start3A_55 = arith.constant 0 : i32
      %dma_start3A_56 = tpu.memref_slice %arg2[%dma_start3A_54, %dma_start3A_55] : memref<10000x64xf32, #tpu.memory_space<hbm>> -> memref<10000x64xf32, #tpu.memory_space<hbm>>
      tpu.enqueue_indirect_dma source(%dma_start3A_56 : memref<10000x64xf32, #tpu.memory_space<hbm>>) target(%arg10 : memref<320x64xf32, #tpu.memory_space<vmem>>) offsets(%dma_start3A_53 : memref<320xi32, #tpu.memory_space<vmem>>) semaphore(%arg14 : memref<!tpu.dma_semaphore, #tpu.memory_space<semaphore_mem>>)
      %dma_start3A_57 = arith.constant 62 : i32
      %dma_start3A_58 = arith.constant 0 : i32
      %dma_start3A_59 = tpu.memref_slice %arg8[%dma_start3A_57, %dma_start3A_58] : memref<64x320xi32, #tpu.memory_space<vmem>> -> memref<1x320xi32, #tpu.memory_space<vmem>>
      %dma_start3A_60 = tpu.memref_squeeze %dma_start3A_59 : memref<1x320xi32, #tpu.memory_space<vmem>> -> memref<320xi32, #tpu.memory_space<vmem>>
      %dma_start3A_61 = arith.constant 0 : i32
      %dma_start3A_62 = arith.constant 0 : i32
      %dma_start3A_63 = tpu.memref_slice %arg12[%dma_start3A_61, %dma_start3A_62] : memref<10008x64xf32, #tpu.memory_space<vmem_shared>> -> memref<10008x64xf32, #tpu.memory_space<vmem_shared>>
      tpu.enqueue_indirect_dma source(%arg9 : memref<320x64xf32, #tpu.memory_space<vmem>>) target(%dma_start3A_63 : memref<10008x64xf32, #tpu.memory_space<vmem_shared>>) offsets(%dma_start3A_60 : memref<320xi32, #tpu.memory_space<vmem>>) semaphore(%arg15 : memref<!tpu.dma_semaphore, #tpu.memory_space<semaphore_mem>>) {add = true}
      %dma_wait3A_64 = arith.constant 0 : i32
      %dma_wait3A_65 = arith.constant 0 : i32
      %dma_wait3A_66 = tpu.memref_slice %arg7[%dma_wait3A_64, %dma_wait3A_65] : memref<64x320xi32, #tpu.memory_space<vmem>> -> memref<1x320xi32, #tpu.memory_space<vmem>>
      %dma_wait3A_67 = tpu.memref_squeeze %dma_wait3A_66 : memref<1x320xi32, #tpu.memory_space<vmem>> -> memref<320xi32, #tpu.memory_space<vmem>>
      %dma_wait3A_68 = arith.constant 0 : i32
      %dma_wait3A_69 = arith.constant 0 : i32
      %dma_wait3A_70 = tpu.memref_slice %arg2[%dma_wait3A_68, %dma_wait3A_69] : memref<10000x64xf32, #tpu.memory_space<hbm>> -> memref<10000x64xf32, #tpu.memory_space<hbm>>
      tpu.wait_indirect_dma semaphore(%arg14 : memref<!tpu.dma_semaphore, #tpu.memory_space<semaphore_mem>>) src(%dma_wait3A_70 : memref<10000x64xf32, #tpu.memory_space<hbm>>) dst(%arg10 : memref<320x64xf32, #tpu.memory_space<vmem>>)
      %dma_wait3A_71 = arith.constant 0 : i32
      %dma_wait3A_72 = arith.constant 0 : i32
      %dma_wait3A_73 = tpu.memref_slice %arg8[%dma_wait3A_71, %dma_wait3A_72] : memref<64x320xi32, #tpu.memory_space<vmem>> -> memref<1x320xi32, #tpu.memory_space<vmem>>
      %dma_wait3A_74 = tpu.memref_squeeze %dma_wait3A_73 : memref<1x320xi32, #tpu.memory_space<vmem>> -> memref<320xi32, #tpu.memory_space<vmem>>
      %dma_wait3A_75 = arith.constant 0 : i32
      %dma_wait3A_76 = arith.constant 0 : i32
      %dma_wait3A_77 = tpu.memref_slice %arg12[%dma_wait3A_75, %dma_wait3A_76] : memref<10008x64xf32, #tpu.memory_space<vmem_shared>> -> memref<10008x64xf32, #tpu.memory_space<vmem_shared>>
      tpu.wait_indirect_dma semaphore(%arg15 : memref<!tpu.dma_semaphore, #tpu.memory_space<semaphore_mem>>) src(%arg9 : memref<320x64xf32, #tpu.memory_space<vmem>>) dst(%dma_wait3A_77 : memref<10008x64xf32, #tpu.memory_space<vmem_shared>>)
      %dma_start3A_78 = arith.constant 63 : i32
      %dma_start3A_79 = arith.constant 0 : i32
      %dma_start3A_80 = tpu.memref_slice %arg8[%dma_start3A_78, %dma_start3A_79] : memref<64x320xi32, #tpu.memory_space<vmem>> -> memref<1x320xi32, #tpu.memory_space<vmem>>
      %dma_start3A_81 = tpu.memref_squeeze %dma_start3A_80 : memref<1x320xi32, #tpu.memory_space<vmem>> -> memref<320xi32, #tpu.memory_space<vmem>>
      %dma_start3A_82 = arith.constant 0 : i32
      %dma_start3A_83 = arith.constant 0 : i32
      %dma_start3A_84 = tpu.memref_slice %arg12[%dma_start3A_82, %dma_start3A_83] : memref<10008x64xf32, #tpu.memory_space<vmem_shared>> -> memref<10008x64xf32, #tpu.memory_space<vmem_shared>>
      tpu.enqueue_indirect_dma source(%arg10 : memref<320x64xf32, #tpu.memory_space<vmem>>) target(%dma_start3A_84 : memref<10008x64xf32, #tpu.memory_space<vmem_shared>>) offsets(%dma_start3A_81 : memref<320xi32, #tpu.memory_space<vmem>>) semaphore(%arg16 : memref<!tpu.dma_semaphore, #tpu.memory_space<semaphore_mem>>) {add = true}
      %dma_wait3A_85 = arith.constant 0 : i32
      %dma_wait3A_86 = arith.constant 0 : i32
      %dma_wait3A_87 = tpu.memref_slice %arg8[%dma_wait3A_85, %dma_wait3A_86] : memref<64x320xi32, #tpu.memory_space<vmem>> -> memref<1x320xi32, #tpu.memory_space<vmem>>
      %dma_wait3A_88 = tpu.memref_squeeze %dma_wait3A_87 : memref<1x320xi32, #tpu.memory_space<vmem>> -> memref<320xi32, #tpu.memory_space<vmem>>
      %dma_wait3A_89 = arith.constant 0 : i32
      %dma_wait3A_90 = arith.constant 0 : i32
      %dma_wait3A_91 = tpu.memref_slice %arg12[%dma_wait3A_89, %dma_wait3A_90] : memref<10008x64xf32, #tpu.memory_space<vmem_shared>> -> memref<10008x64xf32, #tpu.memory_space<vmem_shared>>
      tpu.wait_indirect_dma semaphore(%arg16 : memref<!tpu.dma_semaphore, #tpu.memory_space<semaphore_mem>>) src(%arg10 : memref<320x64xf32, #tpu.memory_space<vmem>>) dst(%dma_wait3A_91 : memref<10008x64xf32, #tpu.memory_space<vmem_shared>>)
    } else {
    }
    %eq3A_13 = arith.constant 1 : i32
    %eq3A_14 = arith.cmpi eq, %arg0, %eq3A_13 : i32
    %convert_element_type3A_15 = arith.extui %eq3A_14 : i1 to i32
    %cond3A_16 = arith.constant 0 : i32
    %cond3A_17 = arith.cmpi ne, %convert_element_type3A_15, %cond3A_16 : i32
    scf.if %cond3A_17 {
      %dma_start3A = arith.constant 0 : i32
      %dma_start3A_25 = arith.constant 0 : i32
      %dma_start3A_26 = tpu.memref_slice %arg7[%dma_start3A, %dma_start3A_25] : memref<64x320xi32, #tpu.memory_space<vmem>> -> memref<1x320xi32, #tpu.memory_space<vmem>>
      %dma_start3A_27 = tpu.memref_squeeze %dma_start3A_26 : memref<1x320xi32, #tpu.memory_space<vmem>> -> memref<320xi32, #tpu.memory_space<vmem>>
      %dma_start3A_28 = arith.constant 0 : i32
      %dma_start3A_29 = arith.constant 0 : i32
      %dma_start3A_30 = tpu.memref_slice %arg3[%dma_start3A_28, %dma_start3A_29] : memref<10000x64xf32, #tpu.memory_space<hbm>> -> memref<10000x64xf32, #tpu.memory_space<hbm>>
      tpu.enqueue_indirect_dma source(%dma_start3A_30 : memref<10000x64xf32, #tpu.memory_space<hbm>>) target(%arg9 : memref<320x64xf32, #tpu.memory_space<vmem>>) offsets(%dma_start3A_27 : memref<320xi32, #tpu.memory_space<vmem>>) semaphore(%arg13 : memref<!tpu.dma_semaphore, #tpu.memory_space<semaphore_mem>>)
      %scan3A_31 = arith.constant 0 : i32
      %scan3A_32 = arith.constant 0 : i32
      %scan3A_33 = arith.constant 31 : i32
      %scan3A_34 = arith.addi %scan3A_32, %scan3A_33 : i32
      %scan3A_35 = arith.constant 1 : i32
      scf.for %scan3A_92 = %scan3A_32 to %scan3A_34 step %scan3A_35  : i32 {
        %mul3A = arith.constant 2 : i32
        %mul3A_93 = arith.muli %mul3A, %scan3A_92 : i32
        %gt3A = arith.constant 0 : i32
        %gt3A_94 = arith.cmpi sgt, %scan3A_92, %gt3A : i32
        %convert_element_type3A_95 = arith.extui %gt3A_94 : i1 to i32
        %cond3A_96 = arith.constant 0 : i32
        %cond3A_97 = arith.cmpi ne, %convert_element_type3A_95, %cond3A_96 : i32
        scf.if %cond3A_97 {
          %dma_wait3A_148 = arith.constant 0 : i32
          %dma_wait3A_149 = arith.constant 0 : i32
          %dma_wait3A_150 = tpu.memref_slice %arg8[%dma_wait3A_148, %dma_wait3A_149] : memref<64x320xi32, #tpu.memory_space<vmem>> -> memref<1x320xi32, #tpu.memory_space<vmem>>
          %dma_wait3A_151 = tpu.memref_squeeze %dma_wait3A_150 : memref<1x320xi32, #tpu.memory_space<vmem>> -> memref<320xi32, #tpu.memory_space<vmem>>
          %dma_wait3A_152 = arith.constant 0 : i32
          %dma_wait3A_153 = arith.constant 0 : i32
          %dma_wait3A_154 = tpu.memref_slice %arg12[%dma_wait3A_152, %dma_wait3A_153] : memref<10008x64xf32, #tpu.memory_space<vmem_shared>> -> memref<10008x64xf32, #tpu.memory_space<vmem_shared>>
          tpu.wait_indirect_dma semaphore(%arg16 : memref<!tpu.dma_semaphore, #tpu.memory_space<semaphore_mem>>) src(%arg10 : memref<320x64xf32, #tpu.memory_space<vmem>>) dst(%dma_wait3A_154 : memref<10008x64xf32, #tpu.memory_space<vmem_shared>>)
        } else {
        }
        %dma_wait3A_98 = arith.constant 0 : i32
        %dma_wait3A_99 = arith.constant 0 : i32
        %dma_wait3A_100 = tpu.memref_slice %arg7[%dma_wait3A_98, %dma_wait3A_99] : memref<64x320xi32, #tpu.memory_space<vmem>> -> memref<1x320xi32, #tpu.memory_space<vmem>>
        %dma_wait3A_101 = tpu.memref_squeeze %dma_wait3A_100 : memref<1x320xi32, #tpu.memory_space<vmem>> -> memref<320xi32, #tpu.memory_space<vmem>>
        %dma_wait3A_102 = arith.constant 0 : i32
        %dma_wait3A_103 = arith.constant 0 : i32
        %dma_wait3A_104 = tpu.memref_slice %arg3[%dma_wait3A_102, %dma_wait3A_103] : memref<10000x64xf32, #tpu.memory_space<hbm>> -> memref<10000x64xf32, #tpu.memory_space<hbm>>
        tpu.wait_indirect_dma semaphore(%arg13 : memref<!tpu.dma_semaphore, #tpu.memory_space<semaphore_mem>>) src(%dma_wait3A_104 : memref<10000x64xf32, #tpu.memory_space<hbm>>) dst(%arg9 : memref<320x64xf32, #tpu.memory_space<vmem>>)
        %add3A = arith.constant 1 : i32
        %add3A_105 = arith.addi %mul3A_93, %add3A : i32
        %dma_start3A_106 = arith.constant 0 : i32
        %dma_start3A_107 = tpu.memref_slice %arg7[%add3A_105, %dma_start3A_106] : memref<64x320xi32, #tpu.memory_space<vmem>> -> memref<1x320xi32, #tpu.memory_space<vmem>>
        %dma_start3A_108 = tpu.memref_squeeze %dma_start3A_107 : memref<1x320xi32, #tpu.memory_space<vmem>> -> memref<320xi32, #tpu.memory_space<vmem>>
        %dma_start3A_109 = arith.constant 0 : i32
        %dma_start3A_110 = arith.constant 0 : i32
        %dma_start3A_111 = tpu.memref_slice %arg3[%dma_start3A_109, %dma_start3A_110] : memref<10000x64xf32, #tpu.memory_space<hbm>> -> memref<10000x64xf32, #tpu.memory_space<hbm>>
        tpu.enqueue_indirect_dma source(%dma_start3A_111 : memref<10000x64xf32, #tpu.memory_space<hbm>>) target(%arg10 : memref<320x64xf32, #tpu.memory_space<vmem>>) offsets(%dma_start3A_108 : memref<320xi32, #tpu.memory_space<vmem>>) semaphore(%arg14 : memref<!tpu.dma_semaphore, #tpu.memory_space<semaphore_mem>>)
        %dma_start3A_112 = arith.constant 0 : i32
        %dma_start3A_113 = tpu.memref_slice %arg8[%mul3A_93, %dma_start3A_112] : memref<64x320xi32, #tpu.memory_space<vmem>> -> memref<1x320xi32, #tpu.memory_space<vmem>>
        %dma_start3A_114 = tpu.memref_squeeze %dma_start3A_113 : memref<1x320xi32, #tpu.memory_space<vmem>> -> memref<320xi32, #tpu.memory_space<vmem>>
        %dma_start3A_115 = arith.constant 0 : i32
        %dma_start3A_116 = arith.constant 0 : i32
        %dma_start3A_117 = tpu.memref_slice %arg12[%dma_start3A_115, %dma_start3A_116] : memref<10008x64xf32, #tpu.memory_space<vmem_shared>> -> memref<10008x64xf32, #tpu.memory_space<vmem_shared>>
        tpu.enqueue_indirect_dma source(%arg9 : memref<320x64xf32, #tpu.memory_space<vmem>>) target(%dma_start3A_117 : memref<10008x64xf32, #tpu.memory_space<vmem_shared>>) offsets(%dma_start3A_114 : memref<320xi32, #tpu.memory_space<vmem>>) semaphore(%arg15 : memref<!tpu.dma_semaphore, #tpu.memory_space<semaphore_mem>>) {add = true}
        %dma_wait3A_118 = arith.constant 0 : i32
        %dma_wait3A_119 = arith.constant 0 : i32
        %dma_wait3A_120 = tpu.memref_slice %arg7[%dma_wait3A_118, %dma_wait3A_119] : memref<64x320xi32, #tpu.memory_space<vmem>> -> memref<1x320xi32, #tpu.memory_space<vmem>>
        %dma_wait3A_121 = tpu.memref_squeeze %dma_wait3A_120 : memref<1x320xi32, #tpu.memory_space<vmem>> -> memref<320xi32, #tpu.memory_space<vmem>>
        %dma_wait3A_122 = arith.constant 0 : i32
        %dma_wait3A_123 = arith.constant 0 : i32
        %dma_wait3A_124 = tpu.memref_slice %arg3[%dma_wait3A_122, %dma_wait3A_123] : memref<10000x64xf32, #tpu.memory_space<hbm>> -> memref<10000x64xf32, #tpu.memory_space<hbm>>
        tpu.wait_indirect_dma semaphore(%arg14 : memref<!tpu.dma_semaphore, #tpu.memory_space<semaphore_mem>>) src(%dma_wait3A_124 : memref<10000x64xf32, #tpu.memory_space<hbm>>) dst(%arg10 : memref<320x64xf32, #tpu.memory_space<vmem>>)
        %dma_wait3A_125 = arith.constant 0 : i32
        %dma_wait3A_126 = arith.constant 0 : i32
        %dma_wait3A_127 = tpu.memref_slice %arg8[%dma_wait3A_125, %dma_wait3A_126] : memref<64x320xi32, #tpu.memory_space<vmem>> -> memref<1x320xi32, #tpu.memory_space<vmem>>
        %dma_wait3A_128 = tpu.memref_squeeze %dma_wait3A_127 : memref<1x320xi32, #tpu.memory_space<vmem>> -> memref<320xi32, #tpu.memory_space<vmem>>
        %dma_wait3A_129 = arith.constant 0 : i32
        %dma_wait3A_130 = arith.constant 0 : i32
        %dma_wait3A_131 = tpu.memref_slice %arg12[%dma_wait3A_129, %dma_wait3A_130] : memref<10008x64xf32, #tpu.memory_space<vmem_shared>> -> memref<10008x64xf32, #tpu.memory_space<vmem_shared>>
        tpu.wait_indirect_dma semaphore(%arg15 : memref<!tpu.dma_semaphore, #tpu.memory_space<semaphore_mem>>) src(%arg9 : memref<320x64xf32, #tpu.memory_space<vmem>>) dst(%dma_wait3A_131 : memref<10008x64xf32, #tpu.memory_space<vmem_shared>>)
        %add3A_132 = arith.constant 2 : i32
        %add3A_133 = arith.addi %mul3A_93, %add3A_132 : i32
        %dma_start3A_134 = arith.constant 0 : i32
        %dma_start3A_135 = tpu.memref_slice %arg7[%add3A_133, %dma_start3A_134] : memref<64x320xi32, #tpu.memory_space<vmem>> -> memref<1x320xi32, #tpu.memory_space<vmem>>
        %dma_start3A_136 = tpu.memref_squeeze %dma_start3A_135 : memref<1x320xi32, #tpu.memory_space<vmem>> -> memref<320xi32, #tpu.memory_space<vmem>>
        %dma_start3A_137 = arith.constant 0 : i32
        %dma_start3A_138 = arith.constant 0 : i32
        %dma_start3A_139 = tpu.memref_slice %arg3[%dma_start3A_137, %dma_start3A_138] : memref<10000x64xf32, #tpu.memory_space<hbm>> -> memref<10000x64xf32, #tpu.memory_space<hbm>>
        tpu.enqueue_indirect_dma source(%dma_start3A_139 : memref<10000x64xf32, #tpu.memory_space<hbm>>) target(%arg9 : memref<320x64xf32, #tpu.memory_space<vmem>>) offsets(%dma_start3A_136 : memref<320xi32, #tpu.memory_space<vmem>>) semaphore(%arg13 : memref<!tpu.dma_semaphore, #tpu.memory_space<semaphore_mem>>)
        %add3A_140 = arith.constant 1 : i32
        %add3A_141 = arith.addi %mul3A_93, %add3A_140 : i32
        %dma_start3A_142 = arith.constant 0 : i32
        %dma_start3A_143 = tpu.memref_slice %arg8[%add3A_141, %dma_start3A_142] : memref<64x320xi32, #tpu.memory_space<vmem>> -> memref<1x320xi32, #tpu.memory_space<vmem>>
        %dma_start3A_144 = tpu.memref_squeeze %dma_start3A_143 : memref<1x320xi32, #tpu.memory_space<vmem>> -> memref<320xi32, #tpu.memory_space<vmem>>
        %dma_start3A_145 = arith.constant 0 : i32
        %dma_start3A_146 = arith.constant 0 : i32
        %dma_start3A_147 = tpu.memref_slice %arg12[%dma_start3A_145, %dma_start3A_146] : memref<10008x64xf32, #tpu.memory_space<vmem_shared>> -> memref<10008x64xf32, #tpu.memory_space<vmem_shared>>
        tpu.enqueue_indirect_dma source(%arg10 : memref<320x64xf32, #tpu.memory_space<vmem>>) target(%dma_start3A_147 : memref<10008x64xf32, #tpu.memory_space<vmem_shared>>) offsets(%dma_start3A_144 : memref<320xi32, #tpu.memory_space<vmem>>) semaphore(%arg16 : memref<!tpu.dma_semaphore, #tpu.memory_space<semaphore_mem>>) {add = true}
      }
      %scan3A_36 = arith.constant 31 : i32
      %dma_wait3A = arith.constant 0 : i32
      %dma_wait3A_37 = arith.constant 0 : i32
      %dma_wait3A_38 = tpu.memref_slice %arg8[%dma_wait3A, %dma_wait3A_37] : memref<64x320xi32, #tpu.memory_space<vmem>> -> memref<1x320xi32, #tpu.memory_space<vmem>>
      %dma_wait3A_39 = tpu.memref_squeeze %dma_wait3A_38 : memref<1x320xi32, #tpu.memory_space<vmem>> -> memref<320xi32, #tpu.memory_space<vmem>>
      %dma_wait3A_40 = arith.constant 0 : i32
      %dma_wait3A_41 = arith.constant 0 : i32
      %dma_wait3A_42 = tpu.memref_slice %arg12[%dma_wait3A_40, %dma_wait3A_41] : memref<10008x64xf32, #tpu.memory_space<vmem_shared>> -> memref<10008x64xf32, #tpu.memory_space<vmem_shared>>
      tpu.wait_indirect_dma semaphore(%arg16 : memref<!tpu.dma_semaphore, #tpu.memory_space<semaphore_mem>>) src(%arg10 : memref<320x64xf32, #tpu.memory_space<vmem>>) dst(%dma_wait3A_42 : memref<10008x64xf32, #tpu.memory_space<vmem_shared>>)
      %dma_wait3A_43 = arith.constant 0 : i32
      %dma_wait3A_44 = arith.constant 0 : i32
      %dma_wait3A_45 = tpu.memref_slice %arg7[%dma_wait3A_43, %dma_wait3A_44] : memref<64x320xi32, #tpu.memory_space<vmem>> -> memref<1x320xi32, #tpu.memory_space<vmem>>
      %dma_wait3A_46 = tpu.memref_squeeze %dma_wait3A_45 : memref<1x320xi32, #tpu.memory_space<vmem>> -> memref<320xi32, #tpu.memory_space<vmem>>
      %dma_wait3A_47 = arith.constant 0 : i32
      %dma_wait3A_48 = arith.constant 0 : i32
      %dma_wait3A_49 = tpu.memref_slice %arg3[%dma_wait3A_47, %dma_wait3A_48] : memref<10000x64xf32, #tpu.memory_space<hbm>> -> memref<10000x64xf32, #tpu.memory_space<hbm>>
      tpu.wait_indirect_dma semaphore(%arg13 : memref<!tpu.dma_semaphore, #tpu.memory_space<semaphore_mem>>) src(%dma_wait3A_49 : memref<10000x64xf32, #tpu.memory_space<hbm>>) dst(%arg9 : memref<320x64xf32, #tpu.memory_space<vmem>>)
      %dma_start3A_50 = arith.constant 63 : i32
      %dma_start3A_51 = arith.constant 0 : i32
      %dma_start3A_52 = tpu.memref_slice %arg7[%dma_start3A_50, %dma_start3A_51] : memref<64x320xi32, #tpu.memory_space<vmem>> -> memref<1x320xi32, #tpu.memory_space<vmem>>
      %dma_start3A_53 = tpu.memref_squeeze %dma_start3A_52 : memref<1x320xi32, #tpu.memory_space<vmem>> -> memref<320xi32, #tpu.memory_space<vmem>>
      %dma_start3A_54 = arith.constant 0 : i32
      %dma_start3A_55 = arith.constant 0 : i32
      %dma_start3A_56 = tpu.memref_slice %arg3[%dma_start3A_54, %dma_start3A_55] : memref<10000x64xf32, #tpu.memory_space<hbm>> -> memref<10000x64xf32, #tpu.memory_space<hbm>>
      tpu.enqueue_indirect_dma source(%dma_start3A_56 : memref<10000x64xf32, #tpu.memory_space<hbm>>) target(%arg10 : memref<320x64xf32, #tpu.memory_space<vmem>>) offsets(%dma_start3A_53 : memref<320xi32, #tpu.memory_space<vmem>>) semaphore(%arg14 : memref<!tpu.dma_semaphore, #tpu.memory_space<semaphore_mem>>)
      %dma_start3A_57 = arith.constant 62 : i32
      %dma_start3A_58 = arith.constant 0 : i32
      %dma_start3A_59 = tpu.memref_slice %arg8[%dma_start3A_57, %dma_start3A_58] : memref<64x320xi32, #tpu.memory_space<vmem>> -> memref<1x320xi32, #tpu.memory_space<vmem>>
      %dma_start3A_60 = tpu.memref_squeeze %dma_start3A_59 : memref<1x320xi32, #tpu.memory_space<vmem>> -> memref<320xi32, #tpu.memory_space<vmem>>
      %dma_start3A_61 = arith.constant 0 : i32
      %dma_start3A_62 = arith.constant 0 : i32
      %dma_start3A_63 = tpu.memref_slice %arg12[%dma_start3A_61, %dma_start3A_62] : memref<10008x64xf32, #tpu.memory_space<vmem_shared>> -> memref<10008x64xf32, #tpu.memory_space<vmem_shared>>
      tpu.enqueue_indirect_dma source(%arg9 : memref<320x64xf32, #tpu.memory_space<vmem>>) target(%dma_start3A_63 : memref<10008x64xf32, #tpu.memory_space<vmem_shared>>) offsets(%dma_start3A_60 : memref<320xi32, #tpu.memory_space<vmem>>) semaphore(%arg15 : memref<!tpu.dma_semaphore, #tpu.memory_space<semaphore_mem>>) {add = true}
      %dma_wait3A_64 = arith.constant 0 : i32
      %dma_wait3A_65 = arith.constant 0 : i32
      %dma_wait3A_66 = tpu.memref_slice %arg7[%dma_wait3A_64, %dma_wait3A_65] : memref<64x320xi32, #tpu.memory_space<vmem>> -> memref<1x320xi32, #tpu.memory_space<vmem>>
      %dma_wait3A_67 = tpu.memref_squeeze %dma_wait3A_66 : memref<1x320xi32, #tpu.memory_space<vmem>> -> memref<320xi32, #tpu.memory_space<vmem>>
      %dma_wait3A_68 = arith.constant 0 : i32
      %dma_wait3A_69 = arith.constant 0 : i32
      %dma_wait3A_70 = tpu.memref_slice %arg3[%dma_wait3A_68, %dma_wait3A_69] : memref<10000x64xf32, #tpu.memory_space<hbm>> -> memref<10000x64xf32, #tpu.memory_space<hbm>>
      tpu.wait_indirect_dma semaphore(%arg14 : memref<!tpu.dma_semaphore, #tpu.memory_space<semaphore_mem>>) src(%dma_wait3A_70 : memref<10000x64xf32, #tpu.memory_space<hbm>>) dst(%arg10 : memref<320x64xf32, #tpu.memory_space<vmem>>)
      %dma_wait3A_71 = arith.constant 0 : i32
      %dma_wait3A_72 = arith.constant 0 : i32
      %dma_wait3A_73 = tpu.memref_slice %arg8[%dma_wait3A_71, %dma_wait3A_72] : memref<64x320xi32, #tpu.memory_space<vmem>> -> memref<1x320xi32, #tpu.memory_space<vmem>>
      %dma_wait3A_74 = tpu.memref_squeeze %dma_wait3A_73 : memref<1x320xi32, #tpu.memory_space<vmem>> -> memref<320xi32, #tpu.memory_space<vmem>>
      %dma_wait3A_75 = arith.constant 0 : i32
      %dma_wait3A_76 = arith.constant 0 : i32
      %dma_wait3A_77 = tpu.memref_slice %arg12[%dma_wait3A_75, %dma_wait3A_76] : memref<10008x64xf32, #tpu.memory_space<vmem_shared>> -> memref<10008x64xf32, #tpu.memory_space<vmem_shared>>
      tpu.wait_indirect_dma semaphore(%arg15 : memref<!tpu.dma_semaphore, #tpu.memory_space<semaphore_mem>>) src(%arg9 : memref<320x64xf32, #tpu.memory_space<vmem>>) dst(%dma_wait3A_77 : memref<10008x64xf32, #tpu.memory_space<vmem_shared>>)
      %dma_start3A_78 = arith.constant 63 : i32
      %dma_start3A_79 = arith.constant 0 : i32
      %dma_start3A_80 = tpu.memref_slice %arg8[%dma_start3A_78, %dma_start3A_79] : memref<64x320xi32, #tpu.memory_space<vmem>> -> memref<1x320xi32, #tpu.memory_space<vmem>>
      %dma_start3A_81 = tpu.memref_squeeze %dma_start3A_80 : memref<1x320xi32, #tpu.memory_space<vmem>> -> memref<320xi32, #tpu.memory_space<vmem>>
      %dma_start3A_82 = arith.constant 0 : i32
      %dma_start3A_83 = arith.constant 0 : i32
      %dma_start3A_84 = tpu.memref_slice %arg12[%dma_start3A_82, %dma_start3A_83] : memref<10008x64xf32, #tpu.memory_space<vmem_shared>> -> memref<10008x64xf32, #tpu.memory_space<vmem_shared>>
      tpu.enqueue_indirect_dma source(%arg10 : memref<320x64xf32, #tpu.memory_space<vmem>>) target(%dma_start3A_84 : memref<10008x64xf32, #tpu.memory_space<vmem_shared>>) offsets(%dma_start3A_81 : memref<320xi32, #tpu.memory_space<vmem>>) semaphore(%arg16 : memref<!tpu.dma_semaphore, #tpu.memory_space<semaphore_mem>>) {add = true}
      %dma_wait3A_85 = arith.constant 0 : i32
      %dma_wait3A_86 = arith.constant 0 : i32
      %dma_wait3A_87 = tpu.memref_slice %arg8[%dma_wait3A_85, %dma_wait3A_86] : memref<64x320xi32, #tpu.memory_space<vmem>> -> memref<1x320xi32, #tpu.memory_space<vmem>>
      %dma_wait3A_88 = tpu.memref_squeeze %dma_wait3A_87 : memref<1x320xi32, #tpu.memory_space<vmem>> -> memref<320xi32, #tpu.memory_space<vmem>>
      %dma_wait3A_89 = arith.constant 0 : i32
      %dma_wait3A_90 = arith.constant 0 : i32
      %dma_wait3A_91 = tpu.memref_slice %arg12[%dma_wait3A_89, %dma_wait3A_90] : memref<10008x64xf32, #tpu.memory_space<vmem_shared>> -> memref<10008x64xf32, #tpu.memory_space<vmem_shared>>
      tpu.wait_indirect_dma semaphore(%arg16 : memref<!tpu.dma_semaphore, #tpu.memory_space<semaphore_mem>>) src(%arg10 : memref<320x64xf32, #tpu.memory_space<vmem>>) dst(%dma_wait3A_91 : memref<10008x64xf32, #tpu.memory_space<vmem_shared>>)
    } else {
    }
    %barrier3A_18 = arith.constant 0 : index
    tpu.barrier barrier_id(%barrier3A_18)
    %scan3A_19 = arith.constant 0 : i32
    %scan3A_20 = arith.constant 0 : i32
    %scan3A_21 = arith.constant 16 : i32
    %scan3A_22 = arith.addi %scan3A_20, %scan3A_21 : i32
    %scan3A_23 = arith.constant 1 : i32
    scf.for %scan3A_25 = %scan3A_20 to %scan3A_22 step %scan3A_23  : i32 {
      %mul3A = arith.constant 16 : i32
      %mul3A_26 = arith.muli %mul3A, %scan3A_25 : i32
      %add3A = arith.addi %arg1, %mul3A_26 : i32
      %lt3A = arith.constant 250 : i32
      %lt3A_27 = arith.cmpi slt, %add3A, %lt3A : i32
      %convert_element_type3A_28 = arith.extui %lt3A_27 : i1 to i32
      %cond3A_29 = arith.constant 0 : i32
      %cond3A_30 = arith.cmpi ne, %convert_element_type3A_28, %cond3A_29 : i32
      scf.if %cond3A_30 {
        %mul3A_31 = arith.constant 40 : i32
        %mul3A_32 = arith.muli %add3A, %mul3A_31 : i32
        "tpu.region"() ({
          %run_scoped3A = tpu.sem_alloc : memref<!tpu.dma_semaphore, #tpu.memory_space<semaphore_mem>>
          %dma_start3A = arith.constant 0 : i32
          %dma_start3A_33 = tpu.memref_slice %arg12[%mul3A_32, %dma_start3A] : memref<10008x64xf32, #tpu.memory_space<vmem_shared>> -> memref<40x64xf32, #tpu.memory_space<vmem_shared>>
          %dma_start3A_34 = arith.constant 0 : i32
          %dma_start3A_35 = tpu.memref_slice %arg12[%mul3A_32, %dma_start3A_34] : memref<10008x64xf32, #tpu.memory_space<vmem_shared>> -> memref<40x64xf32, #tpu.memory_space<vmem_shared>>
          tpu.enqueue_dma source(%dma_start3A_35 : memref<40x64xf32, #tpu.memory_space<vmem_shared>>) target(%arg11 : memref<40x64xf32, #tpu.memory_space<vmem>>) target_semaphore(%run_scoped3A : memref<!tpu.dma_semaphore, #tpu.memory_space<semaphore_mem>>)
          %dma_wait3A = arith.constant 0 : i32
          %dma_wait3A_36 = tpu.memref_slice %arg12[%mul3A_32, %dma_wait3A] : memref<10008x64xf32, #tpu.memory_space<vmem_shared>> -> memref<40x64xf32, #tpu.memory_space<vmem_shared>>
          %dma_wait3A_37 = arith.constant 0 : i32
          %dma_wait3A_38 = tpu.memref_slice %arg12[%mul3A_32, %dma_wait3A_37] : memref<10008x64xf32, #tpu.memory_space<vmem_shared>> -> memref<40x64xf32, #tpu.memory_space<vmem_shared>>
          tpu.wait_dma2 semaphore(%run_scoped3A : memref<!tpu.dma_semaphore, #tpu.memory_space<semaphore_mem>>) src(%dma_wait3A_38 : memref<40x64xf32, #tpu.memory_space<vmem_shared>>) dst(%arg11 : memref<40x64xf32, #tpu.memory_space<vmem>>)
          tpu.yield
        }) : () -> ()
        "tpu.region"() ({
          %run_scoped3A = tpu.sem_alloc : memref<!tpu.dma_semaphore, #tpu.memory_space<semaphore_mem>>
          %dma_start3A = arith.constant 0 : i32
          %dma_start3A_33 = tpu.memref_slice %arg6[%arg0, %mul3A_32, %dma_start3A] : memref<2x10000x64xf32, #tpu.memory_space<hbm>> -> memref<1x40x64xf32, #tpu.memory_space<hbm>>
          %dma_start3A_34 = tpu.memref_squeeze %dma_start3A_33 : memref<1x40x64xf32, #tpu.memory_space<hbm>> -> memref<40x64xf32, #tpu.memory_space<hbm>>
          %dma_start3A_35 = arith.constant 0 : i32
          %dma_start3A_36 = tpu.memref_slice %arg6[%arg0, %mul3A_32, %dma_start3A_35] : memref<2x10000x64xf32, #tpu.memory_space<hbm>> -> memref<1x40x64xf32, #tpu.memory_space<hbm>>
          %dma_start3A_37 = tpu.memref_squeeze %dma_start3A_36 : memref<1x40x64xf32, #tpu.memory_space<hbm>> -> memref<40x64xf32, #tpu.memory_space<hbm>>
          tpu.enqueue_dma source(%arg11 : memref<40x64xf32, #tpu.memory_space<vmem>>) target(%dma_start3A_37 : memref<40x64xf32, #tpu.memory_space<hbm>>) target_semaphore(%run_scoped3A : memref<!tpu.dma_semaphore, #tpu.memory_space<semaphore_mem>>)
          %dma_wait3A = arith.constant 0 : i32
          %dma_wait3A_38 = tpu.memref_slice %arg6[%arg0, %mul3A_32, %dma_wait3A] : memref<2x10000x64xf32, #tpu.memory_space<hbm>> -> memref<1x40x64xf32, #tpu.memory_space<hbm>>
          %dma_wait3A_39 = tpu.memref_squeeze %dma_wait3A_38 : memref<1x40x64xf32, #tpu.memory_space<hbm>> -> memref<40x64xf32, #tpu.memory_space<hbm>>
          %dma_wait3A_40 = arith.constant 0 : i32
          %dma_wait3A_41 = tpu.memref_slice %arg6[%arg0, %mul3A_32, %dma_wait3A_40] : memref<2x10000x64xf32, #tpu.memory_space<hbm>> -> memref<1x40x64xf32, #tpu.memory_space<hbm>>
          %dma_wait3A_42 = tpu.memref_squeeze %dma_wait3A_41 : memref<1x40x64xf32, #tpu.memory_space<hbm>> -> memref<40x64xf32, #tpu.memory_space<hbm>>
          tpu.wait_dma2 semaphore(%run_scoped3A : memref<!tpu.dma_semaphore, #tpu.memory_space<semaphore_mem>>) src(%arg11 : memref<40x64xf32, #tpu.memory_space<vmem>>) dst(%dma_wait3A_42 : memref<40x64xf32, #tpu.memory_space<hbm>>)
          tpu.yield
        }) : () -> ()
      } else {
      }
    }
    %scan3A_24 = arith.constant 16 : i32
    return
  }
}

module attributes {stable_mosaic.version = 14 : i64} {
  func.func @_tc1_body(%arg0: i32, %arg1: memref<2000x128xf32, #tpu.memory_space<vmem>>, %arg2: memref<128x128xf32, #tpu.memory_space<vmem>>, %arg3: memref<2x2000x16xf32, #tpu.memory_space<vmem>>, %arg4: memref<2000x64xf32, #tpu.memory_space<vmem>>, %arg5: memref<2000x64xf32, #tpu.memory_space<vmem>>) attributes {dimension_semantics = [#tpu.dimension_semantics<arbitrary>], iteration_bounds = array<i64: 5>, scalar_prefetch = 0 : i64, scratch_operands = 0 : i64, tpu.core_type = #tpu.core_type<tc>, window_params = [{transform_indices = @transform_0, window_bounds = array<i64: 2000, 128>}, {pipeline_mode = #tpu.pipeline_mode<synchronous>, transform_indices = @transform_1, window_bounds = array<i64: 128, 128>}, {transform_indices = @transform_2, window_bounds = array<i64: 2, 2000, 16>}, {transform_indices = @transform_3, window_bounds = array<i64: 2000, 64>}, {transform_indices = @transform_4, window_bounds = array<i64: 2000, 64>}]} {
    %get3A = arith.constant 0 : index
    %get3A_0 = arith.constant 0 : index
    %get3A_1 = arith.constant 0 : index
    %get3A_2 = vector.load %arg3[%get3A, %get3A_0, %get3A_1] : memref<2x2000x16xf32, #tpu.memory_space<vmem>>, vector<2x2000x16xf32>
    %slice3A = vector.extract_strided_slice %get3A_2 {offsets = [0, 0, 0], sizes = [1, 2000, 1], strides = [1, 1, 1]} : vector<2x2000x16xf32> to vector<1x2000x1xf32>
    %squeeze3A = vector.shape_cast %slice3A : vector<1x2000x1xf32> to vector<2000x1xf32>
    %slice3A_3 = vector.extract_strided_slice %get3A_2 {offsets = [1, 0, 0], sizes = [1, 2000, 1], strides = [1, 1, 1]} : vector<2x2000x16xf32> to vector<1x2000x1xf32>
    %squeeze3A_4 = vector.shape_cast %slice3A_3 : vector<1x2000x1xf32> to vector<2000x1xf32>
    %add3A = arith.addf %squeeze3A, %squeeze3A_4 : vector<2000x1xf32>
    %add3A_5 = arith.constant 1.000000e+00 : f32
    %add3A_6 = vector.broadcast %add3A_5 : f32 to vector<2000x1xf32>
    %add3A_7 = arith.addf %add3A, %add3A_6 : vector<2000x1xf32>
    %rsqrt3A = math.rsqrt %add3A_7 : vector<2000x1xf32>
    %get3A_8 = arith.constant 0 : index
    %get3A_9 = arith.constant 0 : index
    %get3A_10 = vector.load %arg1[%get3A_8, %get3A_9] : memref<2000x128xf32, #tpu.memory_space<vmem>>, vector<2000x128xf32>
    %get3A_11 = arith.constant 0 : index
    %get3A_12 = arith.constant 0 : index
    %get3A_13 = vector.load %arg2[%get3A_11, %get3A_12] : memref<128x128xf32, #tpu.memory_space<vmem>>, vector<128x128xf32>
    %dot_general3A = arith.constant dense<0.000000e+00> : vector<2000x128xf32>
    %dot_general3A_14 = tpu.matmul %get3A_10, %get3A_13, %dot_general3A {dimension_numbers = #tpu.dot_dimension_numbers<[1], [0], [0], [1], [0, 0, 1, 1], [], []>, transpose_lhs_hint = false} : vector<2000x128xf32>, vector<128x128xf32>, vector<2000x128xf32> -> vector<2000x128xf32>
    %mul3A = vector.broadcast %rsqrt3A : vector<2000x1xf32> to vector<2000x128xf32>
    %mul3A_15 = arith.mulf %dot_general3A_14, %mul3A : vector<2000x128xf32>
    %slice3A_16 = vector.extract_strided_slice %mul3A_15 {offsets = [0, 0], sizes = [2000, 64], strides = [1, 1]} : vector<2000x128xf32> to vector<2000x64xf32>
    %swap3A = arith.constant 0 : index
    %swap3A_17 = arith.constant 0 : index
    %swap3A_18 = vector.load %arg4[%swap3A, %swap3A_17] : memref<2000x64xf32, #tpu.memory_space<vmem>>, vector<2000x64xf32>
    tpu.vector_store %arg4[%swap3A, %swap3A_17], %slice3A_16 {strides = array<i32>} : memref<2000x64xf32, #tpu.memory_space<vmem>>, vector<2000x64xf32>,
    %slice3A_19 = vector.extract_strided_slice %mul3A_15 {offsets = [0, 64], sizes = [2000, 64], strides = [1, 1]} : vector<2000x128xf32> to vector<2000x64xf32>
    %swap3A_20 = arith.constant 0 : index
    %swap3A_21 = arith.constant 0 : index
    %swap3A_22 = vector.load %arg5[%swap3A_20, %swap3A_21] : memref<2000x64xf32, #tpu.memory_space<vmem>>, vector<2000x64xf32>
    tpu.vector_store %arg5[%swap3A_20, %swap3A_21], %slice3A_19 {strides = array<i32>} : memref<2000x64xf32, #tpu.memory_space<vmem>>, vector<2000x64xf32>,
    return
  }
  func.func @transform_0(%arg0: i32) -> (i32, i32) {
    %c0_i32 = arith.constant 0 : i32
    %c0_i32_0 = arith.constant 0 : i32
    return %arg0, %c0_i32 : i32, i32
  }
  func.func @transform_1(%arg0: i32) -> (i32, i32) {
    %c0_i32 = arith.constant 0 : i32
    %c0_i32_0 = arith.constant 0 : i32
    %c0_i32_1 = arith.constant 0 : i32
    return %c0_i32, %c0_i32_0 : i32, i32
  }
  func.func @transform_2(%arg0: i32) -> (i32, i32, i32) {
    %c0_i32 = arith.constant 0 : i32
    %c0_i32_0 = arith.constant 0 : i32
    %c0_i32_1 = arith.constant 0 : i32
    return %c0_i32, %arg0, %c0_i32_0 : i32, i32, i32
  }
  func.func @transform_3(%arg0: i32) -> (i32, i32) {
    %c0_i32 = arith.constant 0 : i32
    %c0_i32_0 = arith.constant 0 : i32
    return %arg0, %c0_i32 : i32, i32
  }
  func.func @transform_4(%arg0: i32) -> (i32, i32) {
    %c0_i32 = arith.constant 0 : i32
    %c0_i32_0 = arith.constant 0 : i32
    return %arg0, %c0_i32 : i32, i32
  }
}

module attributes {stable_mosaic.version = 14 : i64} {
  func.func @_tc2_body(%arg0: i32, %arg1: memref<2x2000x64xf32, #tpu.memory_space<vmem>>, %arg2: memref<2000x64xf32, #tpu.memory_space<vmem>>, %arg3: memref<2000x64xf32, #tpu.memory_space<vmem>>, %arg4: memref<2x2000x16xf32, #tpu.memory_space<vmem>>, %arg5: memref<128x48xf32, #tpu.memory_space<vmem>>, %arg6: memref<1x128xf32, #tpu.memory_space<vmem>>, %arg7: memref<2000x48xf32, #tpu.memory_space<vmem>>) attributes {dimension_semantics = [#tpu.dimension_semantics<arbitrary>], iteration_bounds = array<i64: 5>, scalar_prefetch = 0 : i64, scratch_operands = 0 : i64, tpu.core_type = #tpu.core_type<tc>, window_params = [{transform_indices = @transform_0, window_bounds = array<i64: 2, 2000, 64>}, {transform_indices = @transform_1, window_bounds = array<i64: 2000, 64>}, {transform_indices = @transform_2, window_bounds = array<i64: 2000, 64>}, {transform_indices = @transform_3, window_bounds = array<i64: 2, 2000, 16>}, {pipeline_mode = #tpu.pipeline_mode<synchronous>, transform_indices = @transform_4, window_bounds = array<i64: 128, 48>}, {pipeline_mode = #tpu.pipeline_mode<synchronous>, transform_indices = @transform_5, window_bounds = array<i64: 1, 128>}, {transform_indices = @transform_6, window_bounds = array<i64: 2000, 48>}]} {
    %get3A = arith.constant 0 : index
    %get3A_0 = arith.constant 0 : index
    %get3A_1 = arith.constant 0 : index
    %get3A_2 = vector.load %arg4[%get3A, %get3A_0, %get3A_1] : memref<2x2000x16xf32, #tpu.memory_space<vmem>>, vector<2x2000x16xf32>
    %slice3A = vector.extract_strided_slice %get3A_2 {offsets = [0, 0, 0], sizes = [1, 2000, 1], strides = [1, 1, 1]} : vector<2x2000x16xf32> to vector<1x2000x1xf32>
    %squeeze3A = vector.shape_cast %slice3A : vector<1x2000x1xf32> to vector<2000x1xf32>
    %slice3A_3 = vector.extract_strided_slice %get3A_2 {offsets = [1, 0, 0], sizes = [1, 2000, 1], strides = [1, 1, 1]} : vector<2x2000x16xf32> to vector<1x2000x1xf32>
    %squeeze3A_4 = vector.shape_cast %slice3A_3 : vector<1x2000x1xf32> to vector<2000x1xf32>
    %add3A = arith.addf %squeeze3A, %squeeze3A_4 : vector<2000x1xf32>
    %add3A_5 = arith.constant 1.000000e+00 : f32
    %add3A_6 = vector.broadcast %add3A_5 : f32 to vector<2000x1xf32>
    %add3A_7 = arith.addf %add3A, %add3A_6 : vector<2000x1xf32>
    %rsqrt3A = math.rsqrt %add3A_7 : vector<2000x1xf32>
    %get3A_8 = arith.constant 0 : index
    %get3A_9 = arith.constant 0 : index
    %get3A_10 = arith.constant 0 : index
    %get3A_11 = vector.load %arg1[%get3A_8, %get3A_9, %get3A_10] : memref<2x2000x64xf32, #tpu.memory_space<vmem>>, vector<2x2000x64xf32>
    %slice3A_12 = vector.extract_strided_slice %get3A_11 {offsets = [0, 0, 0], sizes = [1, 2000, 64], strides = [1, 1, 1]} : vector<2x2000x64xf32> to vector<1x2000x64xf32>
    %squeeze3A_13 = vector.shape_cast %slice3A_12 : vector<1x2000x64xf32> to vector<2000x64xf32>
    %get3A_14 = arith.constant 0 : index
    %get3A_15 = arith.constant 0 : index
    %get3A_16 = vector.load %arg2[%get3A_14, %get3A_15] : memref<2000x64xf32, #tpu.memory_space<vmem>>, vector<2000x64xf32>
    %add3A_17 = arith.addf %squeeze3A_13, %get3A_16 : vector<2000x64xf32>
    %slice3A_18 = vector.extract_strided_slice %get3A_11 {offsets = [1, 0, 0], sizes = [1, 2000, 64], strides = [1, 1, 1]} : vector<2x2000x64xf32> to vector<1x2000x64xf32>
    %squeeze3A_19 = vector.shape_cast %slice3A_18 : vector<1x2000x64xf32> to vector<2000x64xf32>
    %get3A_20 = arith.constant 0 : index
    %get3A_21 = arith.constant 0 : index
    %get3A_22 = vector.load %arg3[%get3A_20, %get3A_21] : memref<2000x64xf32, #tpu.memory_space<vmem>>, vector<2000x64xf32>
    %add3A_23 = arith.addf %squeeze3A_19, %get3A_22 : vector<2000x64xf32>
    %concatenate3A = tpu.concatenate %add3A_17, %add3A_23 in 1 : vector<2000x64xf32>, vector<2000x64xf32> -> vector<2000x128xf32>
    %mul3A = vector.broadcast %rsqrt3A : vector<2000x1xf32> to vector<2000x128xf32>
    %mul3A_24 = arith.mulf %concatenate3A, %mul3A : vector<2000x128xf32>
    %get3A_25 = arith.constant 0 : index
    %get3A_26 = arith.constant 0 : index
    %get3A_27 = vector.load %arg6[%get3A_25, %get3A_26] : memref<1x128xf32, #tpu.memory_space<vmem>>, vector<1x128xf32>
    %add3A_28 = vector.broadcast %get3A_27 : vector<1x128xf32> to vector<2000x128xf32>
    %add3A_29 = arith.addf %mul3A_24, %add3A_28 : vector<2000x128xf32>
    %max3A = arith.constant 0.000000e+00 : f32
    %max3A_30 = vector.broadcast %max3A : f32 to vector<2000x128xf32>
    %max3A_31 = arith.maximumf %add3A_29, %max3A_30 : vector<2000x128xf32>
    %get3A_32 = arith.constant 0 : index
    %get3A_33 = arith.constant 0 : index
    %get3A_34 = vector.load %arg5[%get3A_32, %get3A_33] : memref<128x48xf32, #tpu.memory_space<vmem>>, vector<128x48xf32>
    %dot_general3A = arith.constant dense<0.000000e+00> : vector<2000x48xf32>
    %dot_general3A_35 = tpu.matmul %max3A_31, %get3A_34, %dot_general3A {dimension_numbers = #tpu.dot_dimension_numbers<[1], [0], [0], [1], [0, 0, 1, 1], [], []>, transpose_lhs_hint = false} : vector<2000x128xf32>, vector<128x48xf32>, vector<2000x48xf32> -> vector<2000x48xf32>
    %mul3A_36 = vector.broadcast %rsqrt3A : vector<2000x1xf32> to vector<2000x48xf32>
    %mul3A_37 = arith.mulf %dot_general3A_35, %mul3A_36 : vector<2000x48xf32>
    %swap3A = arith.constant 0 : index
    %swap3A_38 = arith.constant 0 : index
    %swap3A_39 = vector.load %arg7[%swap3A, %swap3A_38] : memref<2000x48xf32, #tpu.memory_space<vmem>>, vector<2000x48xf32>
    tpu.vector_store %arg7[%swap3A, %swap3A_38], %mul3A_37 {strides = array<i32>} : memref<2000x48xf32, #tpu.memory_space<vmem>>, vector<2000x48xf32>,
    return
  }
  func.func @transform_0(%arg0: i32) -> (i32, i32, i32) {
    %c0_i32 = arith.constant 0 : i32
    %c0_i32_0 = arith.constant 0 : i32
    %c0_i32_1 = arith.constant 0 : i32
    return %c0_i32, %arg0, %c0_i32_0 : i32, i32, i32
  }
  func.func @transform_1(%arg0: i32) -> (i32, i32) {
    %c0_i32 = arith.constant 0 : i32
    %c0_i32_0 = arith.constant 0 : i32
    return %arg0, %c0_i32 : i32, i32
  }
  func.func @transform_2(%arg0: i32) -> (i32, i32) {
    %c0_i32 = arith.constant 0 : i32
    %c0_i32_0 = arith.constant 0 : i32
    return %arg0, %c0_i32 : i32, i32
  }
  func.func @transform_3(%arg0: i32) -> (i32, i32, i32) {
    %c0_i32 = arith.constant 0 : i32
    %c0_i32_0 = arith.constant 0 : i32
    %c0_i32_1 = arith.constant 0 : i32
    return %c0_i32, %arg0, %c0_i32_0 : i32, i32, i32
  }
  func.func @transform_4(%arg0: i32) -> (i32, i32) {
    %c0_i32 = arith.constant 0 : i32
    %c0_i32_0 = arith.constant 0 : i32
    %c0_i32_1 = arith.constant 0 : i32
    return %c0_i32, %c0_i32_0 : i32, i32
  }
  func.func @transform_5(%arg0: i32) -> (i32, i32) {
    %c0_i32 = arith.constant 0 : i32
    %c0_i32_0 = arith.constant 0 : i32
    %c0_i32_1 = arith.constant 0 : i32
    return %c0_i32, %c0_i32_0 : i32, i32
  }
  func.func @transform_6(%arg0: i32) -> (i32, i32) {
    %c0_i32 = arith.constant 0 : i32
    %c0_i32_0 = arith.constant 0 : i32
    return %arg0, %c0_i32 : i32, i32
  }
}

module attributes {stable_mosaic.version = 14 : i64} {
  func.func @_tc3_body(%arg0: i32, %arg1: memref<2x2000x48xf32, #tpu.memory_space<vmem>>, %arg2: memref<2000x48xf32, #tpu.memory_space<vmem>>, %arg3: memref<2x2000x16xf32, #tpu.memory_space<vmem>>, %arg4: memref<1x40xf32, #tpu.memory_space<vmem>>, %arg5: memref<2000x40xf32, #tpu.memory_space<vmem>>) attributes {dimension_semantics = [#tpu.dimension_semantics<arbitrary>], iteration_bounds = array<i64: 5>, scalar_prefetch = 0 : i64, scratch_operands = 0 : i64, tpu.core_type = #tpu.core_type<tc>, window_params = [{transform_indices = @transform_0, window_bounds = array<i64: 2, 2000, 48>}, {transform_indices = @transform_1, window_bounds = array<i64: 2000, 48>}, {transform_indices = @transform_2, window_bounds = array<i64: 2, 2000, 16>}, {pipeline_mode = #tpu.pipeline_mode<synchronous>, transform_indices = @transform_3, window_bounds = array<i64: 1, 40>}, {transform_indices = @transform_4, window_bounds = array<i64: 2000, 40>}]} {
    %get3A = arith.constant 0 : index
    %get3A_0 = arith.constant 0 : index
    %get3A_1 = arith.constant 0 : index
    %get3A_2 = vector.load %arg3[%get3A, %get3A_0, %get3A_1] : memref<2x2000x16xf32, #tpu.memory_space<vmem>>, vector<2x2000x16xf32>
    %slice3A = vector.extract_strided_slice %get3A_2 {offsets = [0, 0, 0], sizes = [1, 2000, 1], strides = [1, 1, 1]} : vector<2x2000x16xf32> to vector<1x2000x1xf32>
    %squeeze3A = vector.shape_cast %slice3A : vector<1x2000x1xf32> to vector<2000x1xf32>
    %slice3A_3 = vector.extract_strided_slice %get3A_2 {offsets = [1, 0, 0], sizes = [1, 2000, 1], strides = [1, 1, 1]} : vector<2x2000x16xf32> to vector<1x2000x1xf32>
    %squeeze3A_4 = vector.shape_cast %slice3A_3 : vector<1x2000x1xf32> to vector<2000x1xf32>
    %add3A = arith.addf %squeeze3A, %squeeze3A_4 : vector<2000x1xf32>
    %add3A_5 = arith.constant 1.000000e+00 : f32
    %add3A_6 = vector.broadcast %add3A_5 : f32 to vector<2000x1xf32>
    %add3A_7 = arith.addf %add3A, %add3A_6 : vector<2000x1xf32>
    %rsqrt3A = math.rsqrt %add3A_7 : vector<2000x1xf32>
    %get3A_8 = arith.constant 0 : index
    %get3A_9 = arith.constant 0 : index
    %get3A_10 = arith.constant 0 : index
    %get3A_11 = vector.load %arg1[%get3A_8, %get3A_9, %get3A_10] : memref<2x2000x48xf32, #tpu.memory_space<vmem>>, vector<2x2000x48xf32>
    %slice3A_12 = vector.extract_strided_slice %get3A_11 {offsets = [0, 0, 0], sizes = [1, 2000, 48], strides = [1, 1, 1]} : vector<2x2000x48xf32> to vector<1x2000x48xf32>
    %squeeze3A_13 = vector.shape_cast %slice3A_12 : vector<1x2000x48xf32> to vector<2000x48xf32>
    %slice3A_14 = vector.extract_strided_slice %get3A_11 {offsets = [1, 0, 0], sizes = [1, 2000, 48], strides = [1, 1, 1]} : vector<2x2000x48xf32> to vector<1x2000x48xf32>
    %squeeze3A_15 = vector.shape_cast %slice3A_14 : vector<1x2000x48xf32> to vector<2000x48xf32>
    %add3A_16 = arith.addf %squeeze3A_13, %squeeze3A_15 : vector<2000x48xf32>
    %get3A_17 = arith.constant 0 : index
    %get3A_18 = arith.constant 0 : index
    %get3A_19 = vector.load %arg2[%get3A_17, %get3A_18] : memref<2000x48xf32, #tpu.memory_space<vmem>>, vector<2000x48xf32>
    %add3A_20 = arith.addf %add3A_16, %get3A_19 : vector<2000x48xf32>
    %slice3A_21 = vector.extract_strided_slice %add3A_20 {offsets = [0, 0], sizes = [2000, 40], strides = [1, 1]} : vector<2000x48xf32> to vector<2000x40xf32>
    %mul3A = vector.broadcast %rsqrt3A : vector<2000x1xf32> to vector<2000x40xf32>
    %mul3A_22 = arith.mulf %slice3A_21, %mul3A : vector<2000x40xf32>
    %get3A_23 = arith.constant 0 : index
    %get3A_24 = arith.constant 0 : index
    %get3A_25 = vector.load %arg4[%get3A_23, %get3A_24] : memref<1x40xf32, #tpu.memory_space<vmem>>, vector<1x40xf32>
    %add3A_26 = vector.broadcast %get3A_25 : vector<1x40xf32> to vector<2000x40xf32>
    %add3A_27 = arith.addf %mul3A_22, %add3A_26 : vector<2000x40xf32>
    %reduce_max3A = arith.constant dense<0xFF800000> : vector<2000xf32>
    %reduce_max3A_28 = vector.multi_reduction <maximumf>, %add3A_27, %reduce_max3A [1] : vector<2000x40xf32> to vector<2000xf32>
    %broadcast_in_dim3A = vector.shape_cast %reduce_max3A_28 : vector<2000xf32> to vector<2000x1xf32>
    %sub3A = vector.broadcast %broadcast_in_dim3A : vector<2000x1xf32> to vector<2000x40xf32>
    %sub3A_29 = arith.subf %add3A_27, %sub3A : vector<2000x40xf32>
    %exp3A = math.exp %sub3A_29 : vector<2000x40xf32>
    %reduce_sum3A = arith.constant dense<0.000000e+00> : vector<2000xf32>
    %reduce_sum3A_30 = vector.multi_reduction <add>, %exp3A, %reduce_sum3A [1] : vector<2000x40xf32> to vector<2000xf32>
    %broadcast_in_dim3A_31 = vector.shape_cast %reduce_sum3A_30 : vector<2000xf32> to vector<2000x1xf32>
    %log3A = math.log %broadcast_in_dim3A_31 : vector<2000x1xf32>
    %sub3A_32 = vector.broadcast %log3A : vector<2000x1xf32> to vector<2000x40xf32>
    %sub3A_33 = arith.subf %sub3A_29, %sub3A_32 : vector<2000x40xf32>
    %swap3A = arith.constant 0 : index
    %swap3A_34 = arith.constant 0 : index
    %swap3A_35 = vector.load %arg5[%swap3A, %swap3A_34] : memref<2000x40xf32, #tpu.memory_space<vmem>>, vector<2000x40xf32>
    tpu.vector_store %arg5[%swap3A, %swap3A_34], %sub3A_33 {strides = array<i32>} : memref<2000x40xf32, #tpu.memory_space<vmem>>, vector<2000x40xf32>,
    return
  }
  func.func @transform_0(%arg0: i32) -> (i32, i32, i32) {
    %c0_i32 = arith.constant 0 : i32
    %c0_i32_0 = arith.constant 0 : i32
    %c0_i32_1 = arith.constant 0 : i32
    return %c0_i32, %arg0, %c0_i32_0 : i32, i32, i32
  }
  func.func @transform_1(%arg0: i32) -> (i32, i32) {
    %c0_i32 = arith.constant 0 : i32
    %c0_i32_0 = arith.constant 0 : i32
    return %arg0, %c0_i32 : i32, i32
  }
  func.func @transform_2(%arg0: i32) -> (i32, i32, i32) {
    %c0_i32 = arith.constant 0 : i32
    %c0_i32_0 = arith.constant 0 : i32
    %c0_i32_1 = arith.constant 0 : i32
    return %c0_i32, %arg0, %c0_i32_0 : i32, i32, i32
  }
  func.func @transform_3(%arg0: i32) -> (i32, i32) {
    %c0_i32 = arith.constant 0 : i32
    %c0_i32_0 = arith.constant 0 : i32
    %c0_i32_1 = arith.constant 0 : i32
    return %c0_i32, %c0_i32_0 : i32, i32
  }
  func.func @transform_4(%arg0: i32) -> (i32, i32) {
    %c0_i32 = arith.constant 0 : i32
    %c0_i32_0 = arith.constant 0 : i32
    return %arg0, %c0_i32 : i32, i32
  }
}

</mosaic_0001>

<sc_bundles>
// kernel: kernel.11.cloned.1.call-start
scs
__scs_entry_jumppad:
0x0: {  	(pc) =	sbr.rel $0x88, $3  }
0x1: {  	(tag) =	ssettag $0x0;
	lr =	simm.s32 $0x1  }
0x2: {  	[smem:$0x3F9B] =	sst lr;
	_ =	strace $0xD0000000  }
0x3: {  	_ = 	snop  }
0x4: {  	_ = 	snop  }
0x5: {  	_ = 	snop  }
0x6: {  	_ = 	snop  }
0x7: {  	_ = 	snop  }
__scs_overlays_trampoline_lowered:
0x8: {  	[smem:$0x3FAA] =	sst s0  }
0x9: {  	[smem:$0x3FAB] =	sst s1  }
0xa: {  	[smem:$0x3FAC] =	sst s2  }
0xb: {  	[smem:$0x3FAD] =	sst s3  }
0xc: {  	[smem:$0x3FAE] =	sst s4  }
0xd: {  	[smem:$0x3FAF] =	sst s5  }
0xe: {  	[smem:$0x3FB0] =	sst s6  }
0xf: {  	[smem:$0x3FB1] =	sst s7  }
0x10: {  	[smem:$0x3FB2] =	sst s8  }
0x11: {  	[smem:$0x3FB3] =	sst s9;
	s0 =	simm.s32 @!p0 $0x0  }
0x12: {  	s1 =	sld [smem:$0x3F99];
	s0 =	simm.s32 @p0 $0x1  }
0x13: {  	[smem:$0x3FB4] =	sst s0;
	s0 =	simm.s32 @!p1 $0x0  }
0x14: {  	s2 =	sld [smem:$0x3F98];
	s0 =	simm.s32 @p1 $0x1  }
0x15: {  	[smem:$0x3FB5] =	sst s0;
	s0 =	simm.s32 @!p2 $0x0  }
0x16: {  	s3 =	sld [smem:$0x3FDB];
	s0 =	simm.s32 @p2 $0x1  }
0x17: {  	s4 =	simm.s32 $0x1BF5;
	[smem:$0x3FB7] =	sst s0  }
0x18: {  	s0 =	sld [smem:$0x3F9A];
	_ =	swait.ge [sflag:s4], $0x0  }
0x19: {  	s7 =	sld [smem:$0x3F9B]  }
0x1a: {  	s8 =	sadd.s32 $0xFFFFE003, lr  }
0x1b: {  	s9 =	sadd.s32 $0xFFFFFEF7, lr;
	s5 =	simm.s32 $0xFFFFFFFF;
	p2 =	slt.u32 s8, $0xFFFFF086  }
0x1c: {  	p1 =	slt.u32 s9, $0xF7A;
	s5 =	simm.s32 @!p2 $0x0  }
0x1d: {  	s5 =	simm.s32 @p1 $0x1;
	p0 =	seq.s32 s7, s2  }
0x1e: {  	s7 =	smul.u32 @!p0 $0xF7A, s2;
	p2 =	seq.s32 @!p0 s5, $0x0  }
0x1f: {  	s9 =	smul.u32 $0xF7A, s1;
	s8 =	simm.s32 @!p0 $0x1BF5;
	p2 =	por !p2, p0  }
0x20: {  	[sflag:s8] =	ssyncset.s32 @!p0 $0xFFFFF086;
	s6 =	sadd.s32 @!p0 s3, s7;
	s7 =	simm.s32 @!p0 $0x108  }
0x21: {  	s3 =	sadd.s32 s3, s9;
	s6 =	sadd.s32 @!p0 $0x88, s6;
	s7 =	simm.s32 @p2 $0x1082  }
0x22: {  	[simem:s7], [sflag:s8] =	dma.local @!p0 [hbm:s6], $0xF7A  }
0x23: {  	s9 =	sor.u32 $0xD0000000, s2;
	s6 =	simm.s32 $0x108;
	_ =	swait.ge @!p0 [sflag:s8], $0x0  }
0x24: {  	s3 =	sadd.s32 $0x88, s3;
	s6 =	simm.s32 @!p1 $0x1082;
	[sflag:s4] =	ssyncset.s32 $0xFFFFF086  }
0x25: {  	[simem:s6], [sflag:s4] =	dma.local [hbm:s3], $0xF7A  }
0x26: {  	[smem:$0x3F9B] =	sst s1;
	(tag) =	ssettag s2;
	_ =	strace s9  }
0x27: {  	s1 =	sld [smem:$0x3FAB]  }
0x28: {  	s2 =	sld [smem:$0x3FAC]  }
0x29: {  	s4 =	sld [smem:$0x3FAE]  }
0x2a: {  	p0 =	seq.s32 s5, $0x0;
	s5 =	sld [smem:$0x3FAF]  }
0x2b: {  	s6 =	sld [smem:$0x3FB0]  }
0x2c: {  	s7 =	sld [smem:$0x3FB1]  }
0x2d: {  	s3 =	simm.s32 $0x108;
	s8 =	sld [smem:$0x3FB2]  }
0x2e: {  	s3 =	simm.s32 @!p0 $0x1082;
	s9 =	sld [smem:$0x3FB3]  }
0x2f: {  	lr =	sadd.s32 s0, s3;
	s0 =	sld [smem:$0x3FAA]  }
0x30: {  	s3 =	sld [smem:$0x3FAD]  }
0x31: {  	[smem:$0x3FB6] =	sst s10  }
0x32: {  	s10 =	sld [smem:$0x3FB4];
	_ =	sdelay $0x3  }
0x33: {  	p0 =	seq.s32 s10, $0x1;
	s10 =	sld [smem:$0x3FB6];
	_ =	sdelay $0x3  }
0x34: {  	[smem:$0x3FB6] =	sst s10  }
0x35: {  	s10 =	sld [smem:$0x3FB5];
	_ =	sdelay $0x3  }
0x36: {  	p1 =	seq.s32 s10, $0x1;
	s10 =	sld [smem:$0x3FB6];
	_ =	sdelay $0x3  }
0x37: {  	[smem:$0x3FB6] =	sst s10  }
0x38: {  	s10 =	sld [smem:$0x3FB7]  }
0x39: {  	_ = 	snop;
	(pc) =	sbr.ind lr, $3  }
0x3a: {  	_ = 	snop  }
0x3b: {  	_ = 	snop  }
0x3c: {  	p2 =	seq.s32 s10, $0x1;
	s10 =	sld [smem:$0x3FB6]  }
0x3d: {  	_ =	shalt  }
0x3e: {  	_ =	shalt  }
0x3f: {  	_ =	shalt  }
0x40: {  	_ =	shalt  }
0x41: {  	_ =	shalt  }
0x42: {  	_ =	shalt  }
0x43: {  	_ =	shalt  }
0x44: {  	_ =	shalt  }
0x45: {  	_ =	shalt  }
0x46: {  	_ =	shalt  }
0x47: {  	_ =	shalt  }
0x48: {  	_ =	shalt  }
0x49: {  	_ =	shalt  }
0x4a: {  	_ =	shalt  }
0x4b: {  	_ =	shalt  }
0x4c: {  	_ =	shalt  }
0x4d: {  	_ =	shalt  }
0x4e: {  	_ =	shalt  }
0x4f: {  	_ =	shalt  }
0x50: {  	_ =	shalt  }
0x51: {  	_ =	shalt  }
0x52: {  	_ =	shalt  }
0x53: {  	_ =	shalt  }
0x54: {  	_ =	shalt  }
0x55: {  	_ =	shalt  }
0x56: {  	_ =	shalt  }
0x57: {  	_ =	shalt  }
0x58: {  	_ =	shalt  }
0x59: {  	_ =	shalt  }
0x5a: {  	_ =	shalt  }
0x5b: {  	_ =	shalt  }
0x5c: {  	_ =	shalt  }
0x5d: {  	_ =	shalt  }
0x5e: {  	_ =	shalt  }
0x5f: {  	_ =	shalt  }
0x60: {  	_ =	shalt  }
0x61: {  	_ =	shalt  }
0x62: {  	_ =	shalt  }
0x63: {  	_ =	shalt  }
0x64: {  	_ =	shalt  }
0x65: {  	_ =	shalt  }
0x66: {  	_ =	shalt  }
0x67: {  	_ =	shalt  }
0x68: {  	_ =	shalt  }
0x69: {  	_ =	shalt  }
0x6a: {  	_ =	shalt  }
0x6b: {  	_ =	shalt  }
0x6c: {  	_ =	shalt  }
0x6d: {  	_ =	shalt  }
0x6e: {  	_ =	shalt  }
0x6f: {  	_ =	shalt  }
0x70: {  	_ =	shalt  }
0x71: {  	_ =	shalt  }
0x72: {  	_ =	shalt  }
0x73: {  	_ =	shalt  }
0x74: {  	_ =	shalt  }
0x75: {  	_ =	shalt  }
0x76: {  	_ =	shalt  }
0x77: {  	_ =	shalt  }
0x78: {  	_ =	shalt  }
0x79: {  	_ =	shalt  }
0x7a: {  	_ =	shalt  }
0x7b: {  	_ =	shalt  }
0x7c: {  	_ =	shalt  }
0x7d: {  	_ =	shalt  }
0x7e: {  	_ =	shalt  }
0x7f: {  	_ =	shalt  }
0x80: {  	_ =	shalt  }
0x81: {  	_ =	shalt  }
0x82: {  	_ =	shalt  }
0x83: {  	_ =	shalt  }
0x84: {  	_ =	shalt  }
0x85: {  	_ =	shalt  }
0x86: {  	_ =	shalt  }
0x87: {  	_ =	shalt  }
.Lfunc_end0:
.L_simem_size_0:
called_computation.1_lowered:
.L_overlay_start_0:
0x88: {  	s2 =	sld [smem:$0x3FD9]  }
0x89: {  	s3 =	sld [smem:$0x3FFE];
	_ =	sdelay $0x1  }
0x8a: {  	s1 =	srdreg.scid  }
0x8b: {  	s0 =	sand.u32 $0x1, s1  }
0x8c: {  	s17 =	sshll.u32 s0, $0xA;
	s2 =	sadd.s32 s3, s2  }
0x8d: {  	s2 =	sadd.s32 s2, s17  }
0x8e: {  	[smem:$0x3FC2] =	sst s2  }
0x8f: {  	_ = 	snop  }
0x90: {  	s2 =	sld [smem:$0x3FD0];
	(tm) =	ssettm $0x1  }
0x91: {  	s18 =	sld [smem:$0x3FFB];
	_ =	sdelay $0x3  }
0x92: {  	_ =	strace s18  }
0x93: {  	s3 =	sld [smem:$0x3FFC];
	_ =	sdelay $0x3  }
0x94: {  	_ =	strace s3  }
0x95: {  	s3 =	sld [smem:$0x3FFD];
	_ =	sdelay $0x3  }
0x96: {  	_ =	strace s3  }
0x97: {  	_ =	strace $0x8FFFFFFF  }
0x98: {  	s19 =	sld [smem:$0x3FDB];
	_ =	sdelay $0x1  }
0x99: {  	s4 =	simm.s32 $_scs_section_size  }
0x9a: {  	s5 =	simm.s32 $_size__tile_overlayer_lowered;
	s6 =	simm.s32 $_tile_overlayer_lowered  }
0x9b: {  	s22 =	simm.s32 $0x1BFF;
	s21 =	sshll.u32 s6, $0x1;
	s3 =	sadd.s32 s4, s19  }
0x9c: {  	s7 =	simm.s32 $0x0;
	s20 =	sshll.u32 s5, $0x1;
	s5 =	sadd.s32 s21, s3  }
0x9d: {  	[timem:s7], [sflag:s22] =	dma.local [hbm:s5], s20  }
0x9e: {  	_ =	swait.ge [sflag:s22], s20  }
0x9f: {  	s4 =	ssub.s32 $0x0, s20;
	[sflag:s22] =	ssyncset.done $0x0  }
0xa0: {  	[sflag:s22] =	ssyncadd.s32 s4;
	_ =	sdelay $0x1  }
0xa1: {  	s23 =	simm.s32 $0x1B8B  }
0xa2: {  	_ =	swait.ge [sflag:s23], $0x1  }
0xa3: {  	[sflag:s23] =	ssyncset.done $0x0  }
0xa4: {  	s25 =	simm.s32 $0x1B8E;
	s24 =	sld [smem:$0x3FFE];
	[sflag:s23] =	ssyncadd.s32 $0xFFFFFFFF  }
0xa5: {  	s26 =	simm.s32 $execute0_lowered;
	[smem:$0x3FD2] =	sst s25  }
0xa6: {  	s5 =	sshll.u32 s26, $0x1;
	_ =	strace $0x80000049;
	[dreg:$0x1] =	wrdreg $0xFFFFFFFF  }
0xa7: {  	s28 =	simm.s32 $_size_execute0_lowered;
	s3 =	sadd.s32 s3, s5;
	[dreg:$0x0] =	wrdreg $0x0  }
0xa8: {  	s5 =	sshll.u32 s28, $0x1;
	[dreg:$0x2] =	wrdreg s3  }
0xa9: {  	[dreg:$0x3] =	wrdreg s5  }
0xaa: {  	[dreg:$0x4] =	wrdreg $0xC0  }
0xab: {  	_ =	task [dreg:s7], $0x5FFFF  }
0xac: {  	[dreg:$0x1] =	wrdreg $0xFFFFFFFF  }
0xad: {  	[dreg:$0x0] =	wrdreg $0x60  }
0xae: {  	[dreg:$0x2] =	wrdreg s24  }
0xaf: {  	[dreg:$0x3] =	wrdreg s2  }
0xb0: {  	[dreg:$0x4] =	wrdreg $0x14A000  }
0xb1: {  	[dreg:$0x5] =	wrdreg $0x9  }
0xb2: {  	_ =	task.clear_ibuf [dreg:s7], $0x6FFFF;
	_ =	strace $0x90000049  }
0xb3: {  	s29 =	simm.s32 $0x9;
	_ =	strace $0x8000004B  }
0xb4: {  	_ =	swait.ge [sflag:s29], $0x1  }
0xb5: {  	[sflag:s29] =	ssyncadd.s32 $0xFFFFFFFF  }
0xb6: {  	_ =	strace $0x9000004B  }
0xb7: {  	_ =	sfence  }
0xb8: {  	s30 =	sld [smem:$0x0];
	_ =	sdelay $0x2  }
0xb9: {  	s31 =	sshll.u32 s1, $0xD;
	s1 =	sshrl.u32 s1, $0x2  }
0xba: {  	s3 =	sand.u32 $0x4000, s31;
	s1 =	sadd.s32 s1, s30  }
0xbb: {  	s0 =	sor.u32 s3, s0;
	s1 =	sshll.u32 s1, $0x11  }
0xbc: {  	s0 =	sor.u32 s1, s0  }
0xbd: {  	s0 =	sadd.s32 $0x8F2B, s0  }
0xbe: {  	[sflag:s0] =	ssyncadd.remote.s32 $0x1  }
0xbf: {  	_ =	sfence.sel $0xFFFF  }
0xc0: {  	[dreg:$0x0] =	wrdreg $0xFFFFFFFF;
	(pc) =	sbr.abs _section_cstart, $3  }
0xc1: {  	[dreg:$0x1] =	wrdreg $0xFFFFFFFF  }
0xc2: {  	_ =	task.clear_ibuf [dreg:s7], $0x2FFFF;
	_ =	strace $0x9FFFFFFF  }
0xc3: {  	(tm) =	ssettm $0x7FFFFFFF  }
tec
execute0_lowered:
.L_overlay_start_1:
0x0: {  	(tag) =	ssettag $0x1  }
0x1: {  	s6 =	rddreg [dreg:$0x0]  }
0x2: {  	s7 =	rddreg [dreg:$0x1]  }
0x3: {  	s2 =	rddreg [dreg:$0x2]  }
0x4: {  	s1 =	stileid.u32;
	s4 =	srdreg.scid;
	s3 =	simm.s32 $0x0  }
0x5: {  	s15 =	simm.s32 $0x1;
	s16 =	simm.s32 $0xF000;
	s17 =	simm.s32 $0x2  }
0x6: {  	s18 =	simm.s32 $0x3;
	s20 =	simm.s32 $0x5140;
	s21 =	simm.s32 $0x4  }
0x7: {  	s22 =	simm.s32 $0x4EC0;
	s23 =	simm.s32 $0x9D80;
	s24 =	simm.s32 $0x9EC0  }
0x8: {  	s25 =	simm.s32 $0x0;
	s8 =	smul.u32 $0xA00, s1;
	s9 =	sand.u32 $0x1, s4  }
0x9: {  	[smem:$0x7FF] =	sst s3;
	s4 =	sadd.s32 $0x63800, s6;
	s14 =	smul.u32 $0x2800, s1  }
0xa: {  	s5 =	sadd.s32 $0x77200, s6;
	s10 =	smul.u32 $0x9C400, s9;
	_ =	strace $0x8000004A  }
0xb: {  	s12 =	ssub.s32 $0x2, s9;
	p0 =	seq.s32 s9, $0x1;
	s11 =	sadd.s32 s8, s6  }
0xc: {  	s13 =	sshrl.u32 s12, $0x1;
	s7 =	sadd.s32 s7, s8;
	s31 =	sshrl.u32 s14, $0x2  }
0xd: {  	s14 =	simm.s32 $0xA000;
	s10 =	sadd.s32 s8, s10;
	s12 =	ssub.s32 s12, s13  }
0xe: {  	s9 =	sadd.s32 s31, s2;
	s13 =	simm.s32 $0x140;
	s10 =	sshrl.u32 s10, $0x3  }
0xf: {  	s8 =	smax.u32 s12, $0x1;
	s12 =	simm.s32 $0x5000;
	s10 =	sadd.s32 s10, s6  }
0x10: {  	v0 =	vimm.f32 $0.0e+00;
	s6 =	sadd.s32 $0x1800, s11;
	s11 =	simm.s32 $0x5;
	s10 =	sadd.s32 $0x8AC00, s10  }
.LBB2_1:
0x11: {  	s26 =	simm.s32 $0x0;
	s28 =	simm.s32 $0x0  }
.LBB2_2:
0x12: {  	p1 =	sne.s32 s28, $0x27C0  }
.Ltmp0:
0x13: {  	_ = 	snop;
	(pc) =	sbr.rel @p1 .LBB2_2-.Ltmp0, $4  }
0x14: {  	s29 =	sand.u32 $0x3F00, s28  }
0x15: {  	s30 =	sand.u32 $0x30, s26;
	s29 =	sshrl.u32 s29, $0x2  }
0x16: {  	s29 =	sor.u32 s30, s29  }
0x17: {  	s26 =	sadd.s32 $0x10, s26;
	s28 =	sadd.s32 $0x40, s28;
	[tilespmem:s29+$0x14000] =	vst v0  }
0x18: {  	s26 =	sadd.s32 $0x0, s1  }
0x19: {  	p1 =	sgt.u32 s26, $0xF9  }
0x1a: {  	s26 =	simm.s32 @!p1 $0x14000;
	s30 =	simm.s32 @!p1 $0x5  }
0x1b: {  	[spmem:s9] =	stream.linear.scatter @!p1 [tilespmem:s26], [sflag:$0x5], $0xA00, $0x38;
	[tilespmem:$0x1E660] =	vst v63  }
0x1c: {  	s28 =	simm.s32 $0x10;
	_ =	swait.ge @!p1 [sflag:s30], $0xA00  }
0x1d: {  	s29 =	simm.s32 $0x20;
	s26 =	sadd.s32 $0xA000, s9;
	[sflag:s30] =	ssyncset.done @!p1 $0x0  }
.LBB2_4:
0x1e: {  	s31 =	sadd.s32 s28, s1;
	s28 =	smov.u32 s29;
	s29 =	sadd.s32 $0x10, s29  }
0x1f: {  	[sflag:s30] =	ssyncadd.s32 @!p1 $0xFFFFF600;
	p2 =	sne.s32 s29, $0x100  }
.Ltmp1:
0x20: {  	p1 =	sgt.u32 s31, $0xF9;
	(pc) =	sbr.rel @p2 .LBB2_4-.Ltmp1, $4  }
0x21: {  	s31 =	simm.s32 @!p1 $0x14000;
	s30 =	simm.s32 @!p1 $0x5  }
0x22: {  	[spmem:s26] =	stream.linear.scatter @!p1 [tilespmem:s31], [sflag:$0x5], $0xA00, $0x38;
	[tilespmem:$0x1E660] =	vst v63  }
0x23: {  	_ =	swait.ge @!p1 [sflag:s30], $0xA00  }
0x24: {  	s26 =	sadd.s32 $0xA000, s26;
	[sflag:s30] =	ssyncset.done @!p1 $0x0  }
0x25: {  	s28 =	sadd.s32 s28, s1  }
0x26: {  	p2 =	sgt.u32 s28, $0xF9  }
0x27: {  	[sflag:s30] =	ssyncadd.s32 @!p1 $0xFFFFF600;
	s28 =	simm.s32 @!p2 $0x14000;
	s29 =	simm.s32 @!p2 $0x5  }
0x28: {  	[spmem:s26] =	stream.linear.scatter @!p2 [tilespmem:s28], [sflag:$0x5], $0xA00, $0x38;
	[tilespmem:$0x1E660] =	vst v63  }
0x29: {  	_ =	swait.ge @!p2 [sflag:s29], $0xA00  }
0x2a: {  	[sflag:s29] =	ssyncset.done @!p2 $0x0  }
0x2b: {  	[sflag:s29] =	ssyncadd.s32 @!p2 $0xFFFFF600  }
0x2c: {  	[tilespmem:s3], [sflag:$0x5] =	stream.linear.gather [hbm4b:s6+s3], $0x5000, $0x38;
	[tilespmem:$0x1E660] =	vst v63  }
0x2d: {  	_ =	swait.ge [sflag:s11], $0x5000  }
0x2e: {  	[sflag:s11] =	ssyncset.done $0x0  }
0x2f: {  	[sflag:s11] =	ssyncadd.s32 $0xFFFFB000  }
0x30: {  	[tilespmem:s12], [sflag:$0x5] =	stream.linear.gather [hbm4b:s7+s3], $0x5000, $0x38;
	[tilespmem:$0x1E660] =	vst v63  }
.Ltmp2:
0x31: {  	_ =	swait.ge [sflag:s11], $0x5000;
	(pc) =	sbr.rel @!p0 .LBB2_6-.Ltmp2, $3  }
0x32: {  	[sflag:s11] =	ssyncset.done $0x0  }
0x33: {  	[sflag:s11] =	ssyncadd.s32 $0xFFFFB000  }
0x34: {  	[bflag:$0x0] =	sbarrier.arrive $0xFFFF;
	_ =	sdelay $0x1  }
0x35: {  	[tilespmem:s14], [sflag:$0x1] =	stream.indirect.gather [hbm4b:s5+s13], $0x40, s3, s13, $0xb8;
	[tilespmem:$0x1E660] =	vst v63  }
0x36: {  	_ =	swait.ge [sflag:s15], $0x5000  }
0x37: {  	[sflag:s15] =	ssyncset.done $0x0  }
0x38: {  	[sflag:s15] =	ssyncadd.s32 $0xFFFFB000  }
0x39: {  	[tilespmem:s16], [sflag:$0x2] =	stream.indirect.gather [hbm4b:s5+s13], $0x40, s13, s13, $0xb8;
	[tilespmem:$0x1E660] =	vst v63  }
0x3a: {  	_ = 	snop  }
0x3b: {  	[spmem:s2] =	stream.indirect.scatter.add.f32 [tilespmem:s14], [sflag:$0x3], $0x40, s12, s13, $0xb8;
	[tilespmem:$0x1E660] =	vst v63  }
0x3c: {  	_ =	swait.ge [sflag:s17], $0x5000  }
0x3d: {  	[sflag:s17] =	ssyncset.done $0x0  }
0x3e: {  	[sflag:s17] =	ssyncadd.s32 $0xFFFFB000  }
0x3f: {  	_ =	swait.ge [sflag:s18], $0x5000  }
0x40: {  	[sflag:s18] =	ssyncset.done $0x0  }
0x41: {  	s0 =	simm.s32 $0x280;
	[sflag:s18] =	ssyncadd.s32 $0xFFFFB000  }
0x42: {  	[tilespmem:s14], [sflag:$0x1] =	stream.indirect.gather [hbm4b:s5+s13], $0x40, s0, s13, $0xb8;
	[tilespmem:$0x1E660] =	vst v63  }
0x43: {  	_ = 	snop  }
0x44: {  	[spmem:s2] =	stream.indirect.scatter.add.f32 [tilespmem:s16], [sflag:$0x4], $0x40, s20, s13, $0xb8;
	[tilespmem:$0x1E660] =	vst v63  }
0x45: {  	_ =	swait.ge [sflag:s21], $0x5000  }
0x46: {  	[sflag:s21] =	ssyncset.done $0x0  }
0x47: {  	[sflag:s21] =	ssyncadd.s32 $0xFFFFB000  }
0x48: {  	_ =	swait.ge [sflag:s15], $0x5000  }
0x49: {  	[sflag:s15] =	ssyncset.done $0x0  }
0x4a: {  	s26 =	simm.s32 $0x3C0;
	[sflag:s15] =	ssyncadd.s32 $0xFFFFB000  }
0x4b: {  	[tilespmem:s16], [sflag:$0x2] =	stream.indirect.gather [hbm4b:s5+s13], $0x40, s26, s13, $0xb8;
	[tilespmem:$0x1E660] =	vst v63  }
0x4c: {  	s30 =	simm.s32 $0x5280  }
0x4d: {  	[spmem:s2] =	stream.indirect.scatter.add.f32 [tilespmem:s14], [sflag:$0x3], $0x40, s30, s13, $0xb8;
	[tilespmem:$0x1E660] =	vst v63  }
0x4e: {  	_ =	swait.ge [sflag:s17], $0x5000  }
0x4f: {  	[sflag:s17] =	ssyncset.done $0x0  }
0x50: {  	[sflag:s17] =	ssyncadd.s32 $0xFFFFB000  }
0x51: {  	_ =	swait.ge [sflag:s18], $0x5000  }
0x52: {  	s31 =	simm.s32 $0x500;
	[sflag:s18] =	ssyncset.done $0x0  }
0x53: {  	s28 =	simm.s32 $0x53C0;
	s26 =	simm.s32 $0xFFFEDE00;
	[sflag:s18] =	ssyncadd.s32 $0xFFFFB000  }
0x54: {  	[tilespmem:s14], [sflag:$0x1] =	stream.indirect.gather [hbm4b:s5+s13], $0x40, s31, s13, $0xb8;
	[tilespmem:$0x1E660] =	vst v63  }
.LBB2_10:
0x55: {  	[spmem:s2] =	stream.indirect.scatter.add.f32 [tilespmem:s16], [sflag:$0x4], $0x40, s28, s13, $0xb8;
	[tilespmem:$0x1E660] =	vst v63  }
0x56: {  	s28 =	smov.u32 s26  }
0x57: {  	p1 =	sne.s32 s26, $0xFFFFF600;
	s26 =	sadd.s32 $0xA00, s26;
	_ =	swait.ge [sflag:s21], $0x5000  }
0x58: {  	[sflag:s21] =	ssyncset.done $0x0  }
0x59: {  	[sflag:s21] =	ssyncadd.s32 $0xFFFFB000  }
0x5a: {  	_ =	swait.ge [sflag:s15], $0x5000  }
0x5b: {  	s28 =	sshra.s32 s28, $0x2;
	[sflag:s15] =	ssyncset.done $0x0  }
0x5c: {  	s29 =	sadd.s32 $0x4EC0, s28;
	[sflag:s15] =	ssyncadd.s32 $0xFFFFB000  }
0x5d: {  	[tilespmem:s16], [sflag:$0x2] =	stream.indirect.gather [hbm4b:s5+s13], $0x40, s29, s13, $0xb8;
	[tilespmem:$0x1E660] =	vst v63  }
0x5e: {  	s29 =	sadd.s32 $0x9D80, s28  }
0x5f: {  	[spmem:s2] =	stream.indirect.scatter.add.f32 [tilespmem:s14], [sflag:$0x3], $0x40, s29, s13, $0xb8;
	[tilespmem:$0x1E660] =	vst v63  }
0x60: {  	_ =	swait.ge [sflag:s17], $0x5000  }
0x61: {  	[sflag:s17] =	ssyncset.done $0x0  }
0x62: {  	[sflag:s17] =	ssyncadd.s32 $0xFFFFB000  }
.Ltmp3:
0x63: {  	_ =	swait.ge [sflag:s18], $0x5000;
	(pc) =	sbr.rel @p1 .LBB2_10-.Ltmp3, $4  }
0x64: {  	[sflag:s18] =	ssyncset.done $0x0  }
0x65: {  	s29 =	sadd.s32 $0x5000, s28;
	[sflag:s18] =	ssyncadd.s32 $0xFFFFB000  }
0x66: {  	[tilespmem:s14], [sflag:$0x1] =	stream.indirect.gather [hbm4b:s5+s13], $0x40, s29, s13, $0xb8;
	[tilespmem:$0x1E660] =	vst v63  }
0x67: {  	s28 =	sadd.s32 $0x9EC0, s28  }
.Ltmp4:
0x68: {  	(pc) =	sbr.rel .LBB2_12-.Ltmp4, $3  }
0x69: {  	_ =	sdelay $0x1  }
0x6a: {  	[spmem:s2] =	stream.indirect.scatter.add.f32 [tilespmem:s16], [sflag:$0x4], $0x40, s28, s13, $0xb8;
	[tilespmem:$0x1E660] =	vst v63  }
0x6b: {  	s26 =	smov.u32 s5  }
.LBB2_6:
0x6c: {  	[tilespmem:s14], [sflag:$0x1] =	stream.indirect.gather [hbm4b:s4+s13], $0x40, s3, s13, $0xb8;
	[tilespmem:$0x1E660] =	vst v63  }
0x6d: {  	_ =	swait.ge [sflag:s15], $0x5000  }
0x6e: {  	[sflag:s15] =	ssyncset.done $0x0  }
0x6f: {  	[sflag:s15] =	ssyncadd.s32 $0xFFFFB000  }
0x70: {  	[tilespmem:s16], [sflag:$0x2] =	stream.indirect.gather [hbm4b:s4+s13], $0x40, s13, s13, $0xb8;
	[tilespmem:$0x1E660] =	vst v63  }
0x71: {  	_ = 	snop  }
0x72: {  	[spmem:s2] =	stream.indirect.scatter.add.f32 [tilespmem:s14], [sflag:$0x3], $0x40, s12, s13, $0xb8;
	[tilespmem:$0x1E660] =	vst v63  }
0x73: {  	_ =	swait.ge [sflag:s17], $0x5000  }
0x74: {  	[sflag:s17] =	ssyncset.done $0x0  }
0x75: {  	[sflag:s17] =	ssyncadd.s32 $0xFFFFB000  }
0x76: {  	_ =	swait.ge [sflag:s18], $0x5000  }
0x77: {  	[sflag:s18] =	ssyncset.done $0x0  }
0x78: {  	s0 =	simm.s32 $0x280;
	[sflag:s18] =	ssyncadd.s32 $0xFFFFB000  }
0x79: {  	[tilespmem:s14], [sflag:$0x1] =	stream.indirect.gather [hbm4b:s4+s13], $0x40, s0, s13, $0xb8;
	[tilespmem:$0x1E660] =	vst v63  }
0x7a: {  	_ = 	snop  }
0x7b: {  	[spmem:s2] =	stream.indirect.scatter.add.f32 [tilespmem:s16], [sflag:$0x4], $0x40, s20, s13, $0xb8;
	[tilespmem:$0x1E660] =	vst v63  }
0x7c: {  	_ =	swait.ge [sflag:s21], $0x5000  }
0x7d: {  	[sflag:s21] =	ssyncset.done $0x0  }
0x7e: {  	[sflag:s21] =	ssyncadd.s32 $0xFFFFB000  }
0x7f: {  	_ =	swait.ge [sflag:s15], $0x5000  }
0x80: {  	[sflag:s15] =	ssyncset.done $0x0  }
0x81: {  	s26 =	simm.s32 $0x3C0;
	[sflag:s15] =	ssyncadd.s32 $0xFFFFB000  }
0x82: {  	[tilespmem:s16], [sflag:$0x2] =	stream.indirect.gather [hbm4b:s4+s13], $0x40, s26, s13, $0xb8;
	[tilespmem:$0x1E660] =	vst v63  }
0x83: {  	s30 =	simm.s32 $0x5280  }
0x84: {  	[spmem:s2] =	stream.indirect.scatter.add.f32 [tilespmem:s14], [sflag:$0x3], $0x40, s30, s13, $0xb8;
	[tilespmem:$0x1E660] =	vst v63  }
0x85: {  	_ =	swait.ge [sflag:s17], $0x5000  }
0x86: {  	[sflag:s17] =	ssyncset.done $0x0  }
0x87: {  	[sflag:s17] =	ssyncadd.s32 $0xFFFFB000  }
0x88: {  	_ =	swait.ge [sflag:s18], $0x5000  }
0x89: {  	s31 =	simm.s32 $0x500;
	[sflag:s18] =	ssyncset.done $0x0  }
0x8a: {  	s28 =	simm.s32 $0x53C0;
	s26 =	simm.s32 $0xFFFEDE00;
	[sflag:s18] =	ssyncadd.s32 $0xFFFFB000  }
0x8b: {  	[tilespmem:s14], [sflag:$0x1] =	stream.indirect.gather [hbm4b:s4+s13], $0x40, s31, s13, $0xb8;
	[tilespmem:$0x1E660] =	vst v63  }
.LBB2_7:
0x8c: {  	[spmem:s2] =	stream.indirect.scatter.add.f32 [tilespmem:s16], [sflag:$0x4], $0x40, s28, s13, $0xb8;
	[tilespmem:$0x1E660] =	vst v63  }
0x8d: {  	s28 =	smov.u32 s26  }
0x8e: {  	p1 =	seq.s32 s26, $0xFFFFF600;
	s26 =	sadd.s32 $0xA00, s26;
	_ =	swait.ge [sflag:s21], $0x5000  }
0x8f: {  	[sflag:s21] =	ssyncset.done $0x0  }
0x90: {  	[sflag:s21] =	ssyncadd.s32 $0xFFFFB000  }
0x91: {  	_ =	swait.ge [sflag:s15], $0x5000  }
0x92: {  	s28 =	sshra.s32 s28, $0x2;
	[sflag:s15] =	ssyncset.done $0x0  }
0x93: {  	s29 =	sadd.s32 $0x4EC0, s28;
	[sflag:s15] =	ssyncadd.s32 $0xFFFFB000  }
0x94: {  	[tilespmem:s16], [sflag:$0x2] =	stream.indirect.gather [hbm4b:s4+s13], $0x40, s29, s13, $0xb8;
	[tilespmem:$0x1E660] =	vst v63  }
0x95: {  	s29 =	sadd.s32 $0x9D80, s28  }
0x96: {  	[spmem:s2] =	stream.indirect.scatter.add.f32 [tilespmem:s14], [sflag:$0x3], $0x40, s29, s13, $0xb8;
	[tilespmem:$0x1E660] =	vst v63  }
0x97: {  	_ =	swait.ge [sflag:s17], $0x5000  }
0x98: {  	[sflag:s17] =	ssyncset.done $0x0  }
0x99: {  	[sflag:s17] =	ssyncadd.s32 $0xFFFFB000  }
.Ltmp5:
0x9a: {  	_ =	swait.ge [sflag:s18], $0x5000;
	(pc) =	sbr.rel @!p1 .LBB2_7-.Ltmp5, $4  }
0x9b: {  	[sflag:s18] =	ssyncset.done $0x0  }
0x9c: {  	s29 =	sadd.s32 $0x5000, s28;
	[sflag:s18] =	ssyncadd.s32 $0xFFFFB000  }
0x9d: {  	[tilespmem:s14], [sflag:$0x1] =	stream.indirect.gather [hbm4b:s4+s13], $0x40, s29, s13, $0xb8;
	[tilespmem:$0x1E660] =	vst v63  }
0x9e: {  	s28 =	sadd.s32 $0x9EC0, s28  }
0x9f: {  	[spmem:s2] =	stream.indirect.scatter.add.f32 [tilespmem:s16], [sflag:$0x4], $0x40, s28, s13, $0xb8;
	[tilespmem:$0x1E660] =	vst v63  }
0xa0: {  	s26 =	smov.u32 s4  }
.LBB2_12:
0xa1: {  	_ =	swait.ge [sflag:s21], $0x5000  }
0xa2: {  	[sflag:s21] =	ssyncset.done $0x0  }
0xa3: {  	[sflag:s21] =	ssyncadd.s32 $0xFFFFB000  }
0xa4: {  	_ =	swait.ge [sflag:s15], $0x5000  }
0xa5: {  	[sflag:s15] =	ssyncset.done $0x0  }
0xa6: {  	[sflag:s15] =	ssyncadd.s32 $0xFFFFB000  }
0xa7: {  	[tilespmem:s16], [sflag:$0x2] =	stream.indirect.gather [hbm4b:s26+s13], $0x40, s22, s13, $0xb8;
	[tilespmem:$0x1E660] =	vst v63  }
0xa8: {  	_ = 	snop  }
0xa9: {  	[spmem:s2] =	stream.indirect.scatter.add.f32 [tilespmem:s14], [sflag:$0x3], $0x40, s23, s13, $0xb8;
	[tilespmem:$0x1E660] =	vst v63  }
0xaa: {  	_ =	swait.ge [sflag:s17], $0x5000  }
0xab: {  	[sflag:s17] =	ssyncset.done $0x0  }
0xac: {  	[sflag:s17] =	ssyncadd.s32 $0xFFFFB000  }
0xad: {  	_ =	swait.ge [sflag:s18], $0x5000  }
0xae: {  	[sflag:s18] =	ssyncset.done $0x0  }
0xaf: {  	[sflag:s18] =	ssyncadd.s32 $0xFFFFB000  }
0xb0: {  	[spmem:s2] =	stream.indirect.scatter.add.f32 [tilespmem:s16], [sflag:$0x4], $0x40, s24, s13, $0xb8;
	[tilespmem:$0x1E660] =	vst v63  }
0xb1: {  	s19 =	sadd.s32 $0x0, s1;
	_ =	swait.ge [sflag:s21], $0x5000  }
0xb2: {  	p1 =	sgt.u32 s19, $0xF9;
	[sflag:s21] =	ssyncset.done $0x0  }
0xb3: {  	s29 =	simm.s32 @!p1 $0x6;
	[sflag:s21] =	ssyncadd.s32 $0xFFFFB000  }
0xb4: {  	s26 =	simm.s32 @!p1 $0x14000;
	p1 =	por p1, p1;
	[bflag:$0x0] =	sbarrier.arrive $0xFFFF  }
0xb5: {  	[tilespmem:s26], [sflag:$0x6] =	stream.linear.gather @!p1 [spmem:s9], $0xA00, $0x38;
	[tilespmem:$0x1E660] =	vst v63  }
0xb6: {  	_ =	swait.ge @!p1 [sflag:s29], $0xA00  }
0xb7: {  	s31 =	sadd.s32 $0x10, s1;
	[sflag:s29] =	ssyncset.done @!p1 $0x0  }
0xb8: {  	s30 =	simm.s32 @!p1 $0x5;
	[sflag:s29] =	ssyncadd.s32 @!p1 $0xFFFFF600;
	s29 =	simm.s32 @!p1 $0x0  }
0xb9: {  	[hbm4b:s10+s29] =	stream.linear.scatter @!p1 [tilespmem:s26], [sflag:$0x5], $0xA00, $0x38;
	[tilespmem:$0x1E660] =	vst v63  }
0xba: {  	s28 =	simm.s32 $0x20;
	p2 =	sgt.u32 s31, $0xF9;
	_ =	swait.ge @!p1 [sflag:s30], $0xA00  }
0xbb: {  	s29 =	sadd.s32 $0xA000, s9;
	s26 =	sadd.s32 $0x1400, s10;
	[sflag:s30] =	ssyncset.done @!p1 $0x0  }
.LBB2_13:
0xbc: {  	s31 =	simm.s32 @!p2 $0x14000;
	s0 =	simm.s32 @!p2 $0x6;
	[sflag:s30] =	ssyncadd.s32 @!p1 $0xFFFFF600  }
0xbd: {  	s19 =	smov.u32 s28;
	p1 =	por p2, p2;
	s28 =	sadd.s32 $0x10, s28  }
0xbe: {  	[tilespmem:s31], [sflag:$0x6] =	stream.linear.gather @!p1 [spmem:s29], $0xA00, $0x38;
	[tilespmem:$0x1E660] =	vst v63  }
0xbf: {  	p3 =	sne.s32 s28, $0x100;
	_ =	swait.ge @!p1 [sflag:s0], $0xA00  }
.Ltmp6:
0xc0: {  	[sflag:s0] =	ssyncset.done @!p1 $0x0;
	(pc) =	sbr.rel @p3 .LBB2_13-.Ltmp6, $4  }
0xc1: {  	s30 =	simm.s32 @!p1 $0x5;
	[sflag:s0] =	ssyncadd.s32 @!p1 $0xFFFFF600;
	s0 =	simm.s32 @!p1 $0x0  }
0xc2: {  	[hbm4b:s26+s0] =	stream.linear.scatter @!p1 [tilespmem:s31], [sflag:$0x5], $0xA00, $0x38;
	[tilespmem:$0x1E660] =	vst v63  }
0xc3: {  	s29 =	sadd.s32 $0xA000, s29;
	s0 =	sadd.s32 s19, s1;
	_ =	swait.ge @!p1 [sflag:s30], $0xA00  }
0xc4: {  	s26 =	sadd.s32 $0x1400, s26;
	p2 =	sgt.u32 s0, $0xF9;
	[sflag:s30] =	ssyncset.done @!p1 $0x0  }
0xc5: {  	s0 =	simm.s32 @!p2 $0x14000  }
0xc6: {  	s19 =	simm.s32 @!p2 $0x6;
	[sflag:s30] =	ssyncadd.s32 @!p1 $0xFFFFF600;
	p1 =	por p2, p2  }
0xc7: {  	[tilespmem:s0], [sflag:$0x6] =	stream.linear.gather @!p1 [spmem:s29], $0xA00, $0x38;
	[tilespmem:$0x1E660] =	vst v63  }
0xc8: {  	s25 =	sadd.s32 $0x1, s25;
	_ =	swait.ge @!p1 [sflag:s19], $0xA00  }
0xc9: {  	s28 =	simm.s32 @!p1 $0x5;
	p2 =	sne.s32 s25, s8;
	[sflag:s19] =	ssyncset.done @!p1 $0x0  }
.Ltmp7:
0xca: {  	[sflag:s19] =	ssyncadd.s32 @!p1 $0xFFFFF600;
	s19 =	simm.s32 @!p1 $0x0;
	(pc) =	sbr.rel @p2 .LBB2_1-.Ltmp7, $4  }
0xcb: {  	[hbm4b:s26+s19] =	stream.linear.scatter @!p1 [tilespmem:s0], [sflag:$0x5], $0xA00, $0x38;
	[tilespmem:$0x1E660] =	vst v63  }
0xcc: {  	_ =	swait.ge @!p1 [sflag:s28], $0xA00  }
0xcd: {  	[sflag:s28] =	ssyncset.done @!p1 $0x0  }
0xce: {  	[sflag:s28] =	ssyncadd.s32 @!p1 $0xFFFFF600  }
0xcf: {  	_ =	sfence.sel $0x180000  }
0xd0: {  	[bflag:$0x0] =	sbarrier.arrive $0xFFFF  }
0xd1: {  	_ =	strace $0x9000004A  }
0xd2: {  	[bflag:$0x2] =	sbarrier.arrive $0xFFFF  }
0xd3: {  	p0 =	sne.s32 s1, $0x0;
	s0 =	rddreg [dreg:$0x3]  }
0xd4: {  	s0 =	sadd.s32 @!p0 $0x100000, s0  }
0xd5: {  	[sflag:s0] =	ssyncadd.tile.s32 @!p0 $0x1;
	_ =	shalt  }
.Lfunc_end2:
_tile_overlayer_lowered:
.L_overlay_start_2:
0xd6: {  	(tag) =	ssettag $0x2  }
0xd7: {  	s0 =	rddreg [dreg:$0x0];
	s2 =	stileid.u32  }
0xd8: {  	s1 =	rddreg [dreg:$0x1];
	p0 =	sne.s32 s2, $0x0  }
0xd9: {  	s3 =	rddreg [dreg:$0x2];
	[bflag:$0x3] =	sbarrier.arrive $0xFFFF;
	s2 =	simm.s32 @!p0 $0x1C05  }
0xda: {  	[timem:s3], [sflag:s2] =	dma.local @!p0 [hbm:s0], s1  }
0xdb: {  	s0 =	simm.s32 @!p0 $0x5  }
0xdc: {  	_ =	swait.ge @!p0 [sflag:s0], s1  }
0xdd: {  	s1 =	ssub.s32 @!p0 $0x0, s1;
	[sflag:s0] =	ssyncset.done @!p0 $0x0  }
0xde: {  	[sflag:s0] =	ssyncadd.s32 @!p0 s1  }
0xdf: {  	[bflag:$0x3] =	sbarrier.arrive $0xFFFF  }
0xe0: {  	_ =	shalt  }

// kernel: kernel.14.cloned.1.call-start
scs
__scs_entry_jumppad:
0x0: {  	(pc) =	sbr.rel $0x88, $3  }
0x1: {  	(tag) =	ssettag $0x0;
	lr =	simm.s32 $0x1  }
0x2: {  	[smem:$0x3F9B] =	sst lr;
	_ =	strace $0xD0000000  }
0x3: {  	_ = 	snop  }
0x4: {  	_ = 	snop  }
0x5: {  	_ = 	snop  }
0x6: {  	_ = 	snop  }
0x7: {  	_ = 	snop  }
__scs_overlays_trampoline_lowered:
0x8: {  	[smem:$0x3FAA] =	sst s0  }
0x9: {  	[smem:$0x3FAB] =	sst s1  }
0xa: {  	[smem:$0x3FAC] =	sst s2  }
0xb: {  	[smem:$0x3FAD] =	sst s3  }
0xc: {  	[smem:$0x3FAE] =	sst s4  }
0xd: {  	[smem:$0x3FAF] =	sst s5  }
0xe: {  	[smem:$0x3FB0] =	sst s6  }
0xf: {  	[smem:$0x3FB1] =	sst s7  }
0x10: {  	[smem:$0x3FB2] =	sst s8  }
0x11: {  	[smem:$0x3FB3] =	sst s9;
	s0 =	simm.s32 @!p0 $0x0  }
0x12: {  	s1 =	sld [smem:$0x3F99];
	s0 =	simm.s32 @p0 $0x1  }
0x13: {  	[smem:$0x3FB4] =	sst s0;
	s0 =	simm.s32 @!p1 $0x0  }
0x14: {  	s2 =	sld [smem:$0x3F98];
	s0 =	simm.s32 @p1 $0x1  }
0x15: {  	[smem:$0x3FB5] =	sst s0;
	s0 =	simm.s32 @!p2 $0x0  }
0x16: {  	s3 =	sld [smem:$0x3FDB];
	s0 =	simm.s32 @p2 $0x1  }
0x17: {  	s4 =	simm.s32 $0x1BF5;
	[smem:$0x3FB7] =	sst s0  }
0x18: {  	s0 =	sld [smem:$0x3F9A];
	_ =	swait.ge [sflag:s4], $0x0  }
0x19: {  	s7 =	sld [smem:$0x3F9B]  }
0x1a: {  	s8 =	sadd.s32 $0xFFFFE003, lr  }
0x1b: {  	s9 =	sadd.s32 $0xFFFFFEF7, lr;
	s5 =	simm.s32 $0xFFFFFFFF;
	p2 =	slt.u32 s8, $0xFFFFF086  }
0x1c: {  	p1 =	slt.u32 s9, $0xF7A;
	s5 =	simm.s32 @!p2 $0x0  }
0x1d: {  	s5 =	simm.s32 @p1 $0x1;
	p0 =	seq.s32 s7, s2  }
0x1e: {  	s7 =	smul.u32 @!p0 $0xF7A, s2;
	p2 =	seq.s32 @!p0 s5, $0x0  }
0x1f: {  	s9 =	smul.u32 $0xF7A, s1;
	s8 =	simm.s32 @!p0 $0x1BF5;
	p2 =	por !p2, p0  }
0x20: {  	[sflag:s8] =	ssyncset.s32 @!p0 $0xFFFFF086;
	s6 =	sadd.s32 @!p0 s3, s7;
	s7 =	simm.s32 @!p0 $0x108  }
0x21: {  	s3 =	sadd.s32 s3, s9;
	s6 =	sadd.s32 @!p0 $0x88, s6;
	s7 =	simm.s32 @p2 $0x1082  }
0x22: {  	[simem:s7], [sflag:s8] =	dma.local @!p0 [hbm:s6], $0xF7A  }
0x23: {  	s9 =	sor.u32 $0xD0000000, s2;
	s6 =	simm.s32 $0x108;
	_ =	swait.ge @!p0 [sflag:s8], $0x0  }
0x24: {  	s3 =	sadd.s32 $0x88, s3;
	s6 =	simm.s32 @!p1 $0x1082;
	[sflag:s4] =	ssyncset.s32 $0xFFFFF086  }
0x25: {  	[simem:s6], [sflag:s4] =	dma.local [hbm:s3], $0xF7A  }
0x26: {  	[smem:$0x3F9B] =	sst s1;
	(tag) =	ssettag s2;
	_ =	strace s9  }
0x27: {  	s1 =	sld [smem:$0x3FAB]  }
0x28: {  	s2 =	sld [smem:$0x3FAC]  }
0x29: {  	s4 =	sld [smem:$0x3FAE]  }
0x2a: {  	p0 =	seq.s32 s5, $0x0;
	s5 =	sld [smem:$0x3FAF]  }
0x2b: {  	s6 =	sld [smem:$0x3FB0]  }
0x2c: {  	s7 =	sld [smem:$0x3FB1]  }
0x2d: {  	s3 =	simm.s32 $0x108;
	s8 =	sld [smem:$0x3FB2]  }
0x2e: {  	s3 =	simm.s32 @!p0 $0x1082;
	s9 =	sld [smem:$0x3FB3]  }
0x2f: {  	lr =	sadd.s32 s0, s3;
	s0 =	sld [smem:$0x3FAA]  }
0x30: {  	s3 =	sld [smem:$0x3FAD]  }
0x31: {  	[smem:$0x3FB6] =	sst s10  }
0x32: {  	s10 =	sld [smem:$0x3FB4];
	_ =	sdelay $0x3  }
0x33: {  	p0 =	seq.s32 s10, $0x1;
	s10 =	sld [smem:$0x3FB6];
	_ =	sdelay $0x3  }
0x34: {  	[smem:$0x3FB6] =	sst s10  }
0x35: {  	s10 =	sld [smem:$0x3FB5];
	_ =	sdelay $0x3  }
0x36: {  	p1 =	seq.s32 s10, $0x1;
	s10 =	sld [smem:$0x3FB6];
	_ =	sdelay $0x3  }
0x37: {  	[smem:$0x3FB6] =	sst s10  }
0x38: {  	s10 =	sld [smem:$0x3FB7]  }
0x39: {  	_ = 	snop;
	(pc) =	sbr.ind lr, $3  }
0x3a: {  	_ = 	snop  }
0x3b: {  	_ = 	snop  }
0x3c: {  	p2 =	seq.s32 s10, $0x1;
	s10 =	sld [smem:$0x3FB6]  }
0x3d: {  	_ =	shalt  }
0x3e: {  	_ =	shalt  }
0x3f: {  	_ =	shalt  }
0x40: {  	_ =	shalt  }
0x41: {  	_ =	shalt  }
0x42: {  	_ =	shalt  }
0x43: {  	_ =	shalt  }
0x44: {  	_ =	shalt  }
0x45: {  	_ =	shalt  }
0x46: {  	_ =	shalt  }
0x47: {  	_ =	shalt  }
0x48: {  	_ =	shalt  }
0x49: {  	_ =	shalt  }
0x4a: {  	_ =	shalt  }
0x4b: {  	_ =	shalt  }
0x4c: {  	_ =	shalt  }
0x4d: {  	_ =	shalt  }
0x4e: {  	_ =	shalt  }
0x4f: {  	_ =	shalt  }
0x50: {  	_ =	shalt  }
0x51: {  	_ =	shalt  }
0x52: {  	_ =	shalt  }
0x53: {  	_ =	shalt  }
0x54: {  	_ =	shalt  }
0x55: {  	_ =	shalt  }
0x56: {  	_ =	shalt  }
0x57: {  	_ =	shalt  }
0x58: {  	_ =	shalt  }
0x59: {  	_ =	shalt  }
0x5a: {  	_ =	shalt  }
0x5b: {  	_ =	shalt  }
0x5c: {  	_ =	shalt  }
0x5d: {  	_ =	shalt  }
0x5e: {  	_ =	shalt  }
0x5f: {  	_ =	shalt  }
0x60: {  	_ =	shalt  }
0x61: {  	_ =	shalt  }
0x62: {  	_ =	shalt  }
0x63: {  	_ =	shalt  }
0x64: {  	_ =	shalt  }
0x65: {  	_ =	shalt  }
0x66: {  	_ =	shalt  }
0x67: {  	_ =	shalt  }
0x68: {  	_ =	shalt  }
0x69: {  	_ =	shalt  }
0x6a: {  	_ =	shalt  }
0x6b: {  	_ =	shalt  }
0x6c: {  	_ =	shalt  }
0x6d: {  	_ =	shalt  }
0x6e: {  	_ =	shalt  }
0x6f: {  	_ =	shalt  }
0x70: {  	_ =	shalt  }
0x71: {  	_ =	shalt  }
0x72: {  	_ =	shalt  }
0x73: {  	_ =	shalt  }
0x74: {  	_ =	shalt  }
0x75: {  	_ =	shalt  }
0x76: {  	_ =	shalt  }
0x77: {  	_ =	shalt  }
0x78: {  	_ =	shalt  }
0x79: {  	_ =	shalt  }
0x7a: {  	_ =	shalt  }
0x7b: {  	_ =	shalt  }
0x7c: {  	_ =	shalt  }
0x7d: {  	_ =	shalt  }
0x7e: {  	_ =	shalt  }
0x7f: {  	_ =	shalt  }
0x80: {  	_ =	shalt  }
0x81: {  	_ =	shalt  }
0x82: {  	_ =	shalt  }
0x83: {  	_ =	shalt  }
0x84: {  	_ =	shalt  }
0x85: {  	_ =	shalt  }
0x86: {  	_ =	shalt  }
0x87: {  	_ =	shalt  }
.Lfunc_end0:
.L_simem_size_0:
called_computation.2_lowered:
.L_overlay_start_0:
0x88: {  	s2 =	sld [smem:$0x3FD9]  }
0x89: {  	s3 =	sld [smem:$0x3FFE];
	_ =	sdelay $0x1  }
0x8a: {  	s1 =	srdreg.scid  }
0x8b: {  	s0 =	sand.u32 $0x1, s1  }
0x8c: {  	s17 =	sshll.u32 s0, $0xA;
	s2 =	sadd.s32 s3, s2  }
0x8d: {  	s2 =	sadd.s32 s2, s17  }
0x8e: {  	[smem:$0x3FC2] =	sst s2  }
0x8f: {  	_ = 	snop  }
0x90: {  	s2 =	sld [smem:$0x3FD0];
	(tm) =	ssettm $0x1  }
0x91: {  	s18 =	sld [smem:$0x3FFB];
	_ =	sdelay $0x3  }
0x92: {  	_ =	strace s18  }
0x93: {  	s3 =	sld [smem:$0x3FFC];
	_ =	sdelay $0x3  }
0x94: {  	_ =	strace s3  }
0x95: {  	s3 =	sld [smem:$0x3FFD];
	_ =	sdelay $0x3  }
0x96: {  	_ =	strace s3  }
0x97: {  	_ =	strace $0x8FFFFFFF  }
0x98: {  	s19 =	sld [smem:$0x3FDB];
	_ =	sdelay $0x1  }
0x99: {  	s4 =	simm.s32 $_scs_section_size  }
0x9a: {  	s5 =	simm.s32 $_size__tile_overlayer_lowered;
	s6 =	simm.s32 $_tile_overlayer_lowered  }
0x9b: {  	s22 =	simm.s32 $0x1BFF;
	s21 =	sshll.u32 s6, $0x1;
	s3 =	sadd.s32 s4, s19  }
0x9c: {  	s7 =	simm.s32 $0x0;
	s20 =	sshll.u32 s5, $0x1;
	s5 =	sadd.s32 s21, s3  }
0x9d: {  	[timem:s7], [sflag:s22] =	dma.local [hbm:s5], s20  }
0x9e: {  	_ =	swait.ge [sflag:s22], s20  }
0x9f: {  	s4 =	ssub.s32 $0x0, s20;
	[sflag:s22] =	ssyncset.done $0x0  }
0xa0: {  	[sflag:s22] =	ssyncadd.s32 s4;
	_ =	sdelay $0x1  }
0xa1: {  	s23 =	simm.s32 $0x1B8B  }
0xa2: {  	_ =	swait.ge [sflag:s23], $0x1  }
0xa3: {  	[sflag:s23] =	ssyncset.done $0x0  }
0xa4: {  	s25 =	simm.s32 $0x1B8E;
	s24 =	sld [smem:$0x3FFE];
	[sflag:s23] =	ssyncadd.s32 $0xFFFFFFFF  }
0xa5: {  	s26 =	simm.s32 $execute0_lowered;
	[smem:$0x3FD2] =	sst s25  }
0xa6: {  	s5 =	sshll.u32 s26, $0x1;
	_ =	strace $0x8000004C;
	[dreg:$0x1] =	wrdreg $0xFFFFFFFF  }
0xa7: {  	s28 =	simm.s32 $_size_execute0_lowered;
	s3 =	sadd.s32 s3, s5;
	[dreg:$0x0] =	wrdreg $0x0  }
0xa8: {  	s5 =	sshll.u32 s28, $0x1;
	[dreg:$0x2] =	wrdreg s3  }
0xa9: {  	[dreg:$0x3] =	wrdreg s5  }
0xaa: {  	[dreg:$0x4] =	wrdreg $0xC0  }
0xab: {  	_ =	task [dreg:s7], $0x5FFFF  }
0xac: {  	[dreg:$0x1] =	wrdreg $0xFFFFFFFF  }
0xad: {  	[dreg:$0x0] =	wrdreg $0x60  }
0xae: {  	[dreg:$0x2] =	wrdreg s24  }
0xaf: {  	[dreg:$0x3] =	wrdreg s2  }
0xb0: {  	[dreg:$0x4] =	wrdreg $0x135800  }
0xb1: {  	[dreg:$0x5] =	wrdreg $0x9  }
0xb2: {  	_ =	task.clear_ibuf [dreg:s7], $0x6FFFF;
	_ =	strace $0x9000004C  }
0xb3: {  	s29 =	simm.s32 $0x9;
	_ =	strace $0x8000004E  }
0xb4: {  	_ =	swait.ge [sflag:s29], $0x1  }
0xb5: {  	[sflag:s29] =	ssyncadd.s32 $0xFFFFFFFF  }
0xb6: {  	_ =	strace $0x9000004E  }
0xb7: {  	_ =	sfence  }
0xb8: {  	s30 =	sld [smem:$0x0];
	_ =	sdelay $0x2  }
0xb9: {  	s31 =	sshll.u32 s1, $0xD;
	s1 =	sshrl.u32 s1, $0x2  }
0xba: {  	s3 =	sand.u32 $0x4000, s31;
	s1 =	sadd.s32 s1, s30  }
0xbb: {  	s0 =	sor.u32 s3, s0;
	s1 =	sshll.u32 s1, $0x11  }
0xbc: {  	s0 =	sor.u32 s1, s0  }
0xbd: {  	s0 =	sadd.s32 $0x8F2B, s0  }
0xbe: {  	[sflag:s0] =	ssyncadd.remote.s32 $0x1  }
0xbf: {  	_ =	sfence.sel $0xFFFF  }
0xc0: {  	[dreg:$0x0] =	wrdreg $0xFFFFFFFF;
	(pc) =	sbr.abs _section_cstart, $3  }
0xc1: {  	[dreg:$0x1] =	wrdreg $0xFFFFFFFF  }
0xc2: {  	_ =	task.clear_ibuf [dreg:s7], $0x2FFFF;
	_ =	strace $0x9FFFFFFF  }
0xc3: {  	(tm) =	ssettm $0x7FFFFFFF  }
tec
execute0_lowered:
.L_overlay_start_1:
0x0: {  	(tag) =	ssettag $0x1  }
0x1: {  	s0 =	rddreg [dreg:$0x0];
	s1 =	srdreg.scid  }
0x2: {  	s5 =	rddreg [dreg:$0x1];
	s11 =	stileid.u32  }
0x3: {  	s2 =	rddreg [dreg:$0x2];
	s3 =	simm.s32 $0x0;
	s15 =	smul.u32 $0x9600, s11  }
0x4: {  	s1 =	sand.u32 $0x1, s1;
	s16 =	sor.u32 $0x10, s11;
	s14 =	smul.u32 $0x2580, s11  }
0x5: {  	s4 =	sshll.u32 s1, $0x4;
	s7 =	ssub.s32 $0x2, s1;
	s1 =	smul.u32 $0x75300, s1  }
0x6: {  	s28 =	simm.s32 $0x2;
	s13 =	sor.u32 $0x20, s11;
	s17 =	smul.u32 $0x9600, s16  }
0x7: {  	s29 =	simm.s32 $0x3;
	s20 =	sor.u32 $0x30, s11;
	s10 =	smul.u32 $0x9600, s13  }
0x8: {  	s31 =	simm.s32 $0x6;
	[smem:$0x7FF] =	sst s3;
	s19 =	smul.u32 $0x9600, s20  }
0x9: {  	_ =	strace $0x8000004D;
	s26 =	smul.u32 $0x2580, s20;
	p0 =	sgt.u32 s20, $0x31  }
0xa: {  	s20 =	simm.s32 $0x11000;
	s4 =	sor.u32 s11, s4;
	s9 =	sshrl.u32 s7, $0x1  }
0xb: {  	s12 =	sadd.s32 s14, s2;
	s6 =	smul.u32 $0x500, s4;
	s4 =	sadd.s32 $0x63800, s0  }
0xc: {  	s7 =	ssub.s32 s7, s9;
	s18 =	sshrl.u32 s17, $0x2;
	s21 =	sshrl.u32 s10, $0x2  }
0xd: {  	s22 =	sshrl.u32 s19, $0x2;
	s23 =	sadd.s32 s1, s14;
	s7 =	smax.u32 s7, $0x1  }
0xe: {  	s11 =	sadd.s32 s22, s2;
	s22 =	simm.s32 $0x2800;
	s8 =	sadd.s32 s6, s0  }
0xf: {  	s0 =	sadd.s32 $0x72400, s0;
	s5 =	sadd.s32 s5, s6;
	[dreg:$0x6] =	wrdreg s7  }
0x10: {  	s6 =	smul.u32 $0x2580, s16;
	s8 =	sadd.s32 $0x1800, s8;
	[dreg:$0x5] =	wrdreg s5  }
0x11: {  	s16 =	smul.u32 $0x2580, s13;
	s5 =	sshrl.u32 s15, $0x2;
	[dreg:$0x4] =	wrdreg s8  }
0x12: {  	s5 =	sadd.s32 s5, s2;
	s24 =	sadd.s32 s1, s6;
	s14 =	sadd.s32 s6, s2  }
0x13: {  	s30 =	sadd.s32 s1, s16;
	s16 =	sadd.s32 s16, s2;
	s1 =	sadd.s32 s1, s26  }
0x14: {  	[dreg:$0x7] =	wrdreg s5;
	s5 =	sadd.s32 s18, s2;
	s25 =	sshrl.u32 s24, $0x3  }
0x15: {  	s18 =	sadd.s32 s26, s2;
	s1 =	sshrl.u32 s1, $0x3;
	s24 =	simm.s32 $0x5000  }
0x16: {  	s26 =	simm.s32 $0xB000;
	[dreg:$0x8] =	wrdreg s5;
	s5 =	sadd.s32 s21, s2  }
0x17: {  	s15 =	sadd.s32 s0, s25;
	s19 =	sadd.s32 s0, s1;
	s21 =	simm.s32 $0x5  }
0x18: {  	s25 =	simm.s32 $0x1;
	[dreg:$0x9] =	wrdreg s5;
	s5 =	sshrl.u32 s23, $0x3  }
0x19: {  	s1 =	simm.s32 $0x0;
	s13 =	sadd.s32 s0, s5;
	s5 =	sshrl.u32 s30, $0x3  }
0x1a: {  	v0 =	vimm.f32 $0.0e+00;
	s23 =	simm.s32 $0x200;
	s17 =	sadd.s32 s0, s5;
	s0 =	simm.s32 $0x4  }
.LBB2_1:
0x1b: {  	s5 =	smul.u32 $0xAAAB, s3;
	_ =	sdelay $0x1  }
0x1c: {  	s30 =	sshrl.u32 s5, $0x11  }
0x1d: {  	s6 =	simm.s32 $0x0;
	s5 =	simm.s32 $0x1;
	s7 =	smul.u32 $0x3, s30  }
.LBB2_2:
0x1e: {  	s8 =	smul.u32 $0xAAAB, s5;
	s9 =	smov.u32 s5  }
0x1f: {  	p1 =	sne.s32 s5, $0x257;
	s6 =	ssub.s32 s6, s7;
	s7 =	smul.u32 $0xC0, s30  }
.Ltmp0:
0x20: {  	(pc) =	sbr.rel @p1 .LBB2_2-.Ltmp0, $4  }
0x21: {  	s5 =	sadd.s32 $0x1, s5;
	s6 =	sand.u32 $0xFFFF, s6  }
0x22: {  	s7 =	sshrl.u32 s7, $0x2;
	s10 =	sshll.u32 s6, $0x4;
	s6 =	smov.u32 s9  }
0x23: {  	s30 =	sshrl.u32 s8, $0x11;
	s8 =	sadd.s32 s10, s7  }
0x24: {  	s7 =	smul.u32 $0x3, s30;
	[tilespmem:s8+$0x11000] =	vst v0  }
0x25: {  	_ = 	snop  }
0x26: {  	s9 =	smul.u32 $0xC0, s30;
	s5 =	ssub.s32 s6, s7  }
0x27: {  	s5 =	sand.u32 $0xFFFF, s5  }
0x28: {  	s6 =	sshrl.u32 s9, $0x2;
	s5 =	sshll.u32 s5, $0x4  }
0x29: {  	s5 =	sadd.s32 s5, s6  }
0x2a: {  	s10 =	rddreg [dreg:$0x7];
	[tilespmem:s5+$0x11000] =	vst v0  }
0x2b: {  	[spmem:s10] =	stream.linear.scatter [tilespmem:s20], [sflag:$0x5], $0x2580, $0x38;
	[tilespmem:$0x1AAC8] =	vst v63  }
0x2c: {  	_ =	swait.ge [sflag:s21], $0x2580  }
0x2d: {  	[sflag:s21] =	ssyncset.done $0x0  }
0x2e: {  	s30 =	rddreg [dreg:$0x8];
	[sflag:s21] =	ssyncadd.s32 $0xFFFFDA80  }
0x2f: {  	[spmem:s30] =	stream.linear.scatter [tilespmem:s20], [sflag:$0x5], $0x2580, $0x38;
	[tilespmem:$0x1AAC8] =	vst v63  }
0x30: {  	_ =	swait.ge [sflag:s21], $0x2580  }
0x31: {  	[sflag:s21] =	ssyncset.done $0x0  }
0x32: {  	s6 =	rddreg [dreg:$0x9];
	[sflag:s21] =	ssyncadd.s32 $0xFFFFDA80  }
0x33: {  	[spmem:s6] =	stream.linear.scatter [tilespmem:s20], [sflag:$0x5], $0x2580, $0x38;
	[tilespmem:$0x1AAC8] =	vst v63  }
0x34: {  	_ =	swait.ge [sflag:s21], $0x2580  }
0x35: {  	[sflag:s21] =	ssyncset.done $0x0  }
0x36: {  	s5 =	simm.s32 @!p0 $0x11000;
	s30 =	simm.s32 @!p0 $0x5;
	[sflag:s21] =	ssyncadd.s32 $0xFFFFDA80  }
0x37: {  	[spmem:s11] =	stream.linear.scatter @!p0 [tilespmem:s5], [sflag:$0x5], $0x2580, $0x38;
	[tilespmem:$0x1AAC8] =	vst v63  }
0x38: {  	_ =	swait.ge @!p0 [sflag:s30], $0x2580  }
0x39: {  	[sflag:s30] =	ssyncset.done @!p0 $0x0  }
0x3a: {  	s7 =	rddreg [dreg:$0x4];
	[sflag:s30] =	ssyncadd.s32 @!p0 $0xFFFFDA80  }
0x3b: {  	[tilespmem:s3], [sflag:$0x5] =	stream.linear.gather [hbm4b:s7+s3], $0x2800, $0x38;
	[tilespmem:$0x1AAC8] =	vst v63  }
0x3c: {  	_ =	swait.ge [sflag:s21], $0x2800  }
0x3d: {  	[sflag:s21] =	ssyncset.done $0x0  }
0x3e: {  	s8 =	rddreg [dreg:$0x5];
	[sflag:s21] =	ssyncadd.s32 $0xFFFFD800  }
0x3f: {  	[tilespmem:s22], [sflag:$0x5] =	stream.linear.gather [hbm4b:s8+s3], $0x2800, $0x38;
	[tilespmem:$0x1AAC8] =	vst v63  }
0x40: {  	_ =	swait.ge [sflag:s21], $0x2800  }
0x41: {  	[sflag:s21] =	ssyncset.done $0x0  }
0x42: {  	[sflag:s21] =	ssyncadd.s32 $0xFFFFD800  }
0x43: {  	[bflag:$0x0] =	sbarrier.arrive $0xFFFF  }
0x44: {  	[tilespmem:s24], [sflag:$0x1] =	stream.indirect.gather [hbm4b:s4+s23], $0x30, s3, s23, $0xb8;
	[tilespmem:$0x1AAC8] =	vst v63  }
0x45: {  	_ =	swait.ge [sflag:s25], $0x6000  }
0x46: {  	[sflag:s25] =	ssyncset.done $0x0  }
0x47: {  	[sflag:s25] =	ssyncadd.s32 $0xFFFFA000  }
0x48: {  	[tilespmem:s26], [sflag:$0x2] =	stream.indirect.gather [hbm4b:s4+s23], $0x30, s23, s23, $0xb8;
	[tilespmem:$0x1AAC8] =	vst v63  }
0x49: {  	_ = 	snop  }
0x4a: {  	[spmem:s2] =	stream.indirect.scatter.add.f32 [tilespmem:s24], [sflag:$0x3], $0x30, s22, s23, $0xb8;
	[tilespmem:$0x1AAC8] =	vst v63  }
0x4b: {  	_ =	swait.ge [sflag:s28], $0x6000  }
0x4c: {  	[sflag:s28] =	ssyncset.done $0x0  }
0x4d: {  	[sflag:s28] =	ssyncadd.s32 $0xFFFFA000  }
0x4e: {  	_ =	swait.ge [sflag:s29], $0x6000  }
0x4f: {  	[sflag:s29] =	ssyncset.done $0x0  }
0x50: {  	s9 =	simm.s32 $0x400;
	[sflag:s29] =	ssyncadd.s32 $0xFFFFA000  }
0x51: {  	[tilespmem:s24], [sflag:$0x1] =	stream.indirect.gather [hbm4b:s4+s23], $0x30, s9, s23, $0xb8;
	[tilespmem:$0x1AAC8] =	vst v63  }
0x52: {  	s10 =	simm.s32 $0x2A00  }
0x53: {  	[spmem:s2] =	stream.indirect.scatter.add.f32 [tilespmem:s26], [sflag:$0x4], $0x30, s10, s23, $0xb8;
	[tilespmem:$0x1AAC8] =	vst v63  }
0x54: {  	_ =	swait.ge [sflag:s0], $0x6000  }
0x55: {  	[sflag:s0] =	ssyncset.done $0x0  }
0x56: {  	[sflag:s0] =	ssyncadd.s32 $0xFFFFA000  }
0x57: {  	_ =	swait.ge [sflag:s25], $0x6000  }
0x58: {  	[sflag:s25] =	ssyncset.done $0x0  }
0x59: {  	s7 =	simm.s32 $0x600;
	[sflag:s25] =	ssyncadd.s32 $0xFFFFA000  }
0x5a: {  	[tilespmem:s26], [sflag:$0x2] =	stream.indirect.gather [hbm4b:s4+s23], $0x30, s7, s23, $0xb8;
	[tilespmem:$0x1AAC8] =	vst v63  }
0x5b: {  	s8 =	simm.s32 $0x2C00  }
0x5c: {  	[spmem:s2] =	stream.indirect.scatter.add.f32 [tilespmem:s24], [sflag:$0x3], $0x30, s8, s23, $0xb8;
	[tilespmem:$0x1AAC8] =	vst v63  }
0x5d: {  	_ =	swait.ge [sflag:s28], $0x6000  }
0x5e: {  	[sflag:s28] =	ssyncset.done $0x0  }
0x5f: {  	[sflag:s28] =	ssyncadd.s32 $0xFFFFA000  }
0x60: {  	_ =	swait.ge [sflag:s29], $0x6000  }
0x61: {  	[sflag:s29] =	ssyncset.done $0x0  }
0x62: {  	s9 =	simm.s32 $0x800;
	[sflag:s29] =	ssyncadd.s32 $0xFFFFA000  }
0x63: {  	[tilespmem:s24], [sflag:$0x1] =	stream.indirect.gather [hbm4b:s4+s23], $0x30, s9, s23, $0xb8;
	[tilespmem:$0x1AAC8] =	vst v63  }
0x64: {  	s10 =	simm.s32 $0x2E00  }
0x65: {  	[spmem:s2] =	stream.indirect.scatter.add.f32 [tilespmem:s26], [sflag:$0x4], $0x30, s10, s23, $0xb8;
	[tilespmem:$0x1AAC8] =	vst v63  }
0x66: {  	_ =	swait.ge [sflag:s0], $0x6000  }
0x67: {  	[sflag:s0] =	ssyncset.done $0x0  }
0x68: {  	[sflag:s0] =	ssyncadd.s32 $0xFFFFA000  }
0x69: {  	_ =	swait.ge [sflag:s25], $0x6000  }
0x6a: {  	[sflag:s25] =	ssyncset.done $0x0  }
0x6b: {  	s7 =	simm.s32 $0xA00;
	[sflag:s25] =	ssyncadd.s32 $0xFFFFA000  }
0x6c: {  	[tilespmem:s26], [sflag:$0x2] =	stream.indirect.gather [hbm4b:s4+s23], $0x30, s7, s23, $0xb8;
	[tilespmem:$0x1AAC8] =	vst v63  }
0x6d: {  	s8 =	simm.s32 $0x3000  }
0x6e: {  	[spmem:s2] =	stream.indirect.scatter.add.f32 [tilespmem:s24], [sflag:$0x3], $0x30, s8, s23, $0xb8;
	[tilespmem:$0x1AAC8] =	vst v63  }
0x6f: {  	_ =	swait.ge [sflag:s28], $0x6000  }
0x70: {  	[sflag:s28] =	ssyncset.done $0x0  }
0x71: {  	[sflag:s28] =	ssyncadd.s32 $0xFFFFA000  }
0x72: {  	_ =	swait.ge [sflag:s29], $0x6000  }
0x73: {  	[sflag:s29] =	ssyncset.done $0x0  }
0x74: {  	s9 =	simm.s32 $0xC00;
	[sflag:s29] =	ssyncadd.s32 $0xFFFFA000  }
0x75: {  	[tilespmem:s24], [sflag:$0x1] =	stream.indirect.gather [hbm4b:s4+s23], $0x30, s9, s23, $0xb8;
	[tilespmem:$0x1AAC8] =	vst v63  }
0x76: {  	s10 =	simm.s32 $0x3200  }
0x77: {  	[spmem:s2] =	stream.indirect.scatter.add.f32 [tilespmem:s26], [sflag:$0x4], $0x30, s10, s23, $0xb8;
	[tilespmem:$0x1AAC8] =	vst v63  }
0x78: {  	_ =	swait.ge [sflag:s0], $0x6000  }
0x79: {  	[sflag:s0] =	ssyncset.done $0x0  }
0x7a: {  	[sflag:s0] =	ssyncadd.s32 $0xFFFFA000  }
0x7b: {  	_ =	swait.ge [sflag:s25], $0x6000  }
0x7c: {  	[sflag:s25] =	ssyncset.done $0x0  }
0x7d: {  	s7 =	simm.s32 $0xE00;
	[sflag:s25] =	ssyncadd.s32 $0xFFFFA000  }
0x7e: {  	[tilespmem:s26], [sflag:$0x2] =	stream.indirect.gather [hbm4b:s4+s23], $0x30, s7, s23, $0xb8;
	[tilespmem:$0x1AAC8] =	vst v63  }
0x7f: {  	s8 =	simm.s32 $0x3400  }
0x80: {  	[spmem:s2] =	stream.indirect.scatter.add.f32 [tilespmem:s24], [sflag:$0x3], $0x30, s8, s23, $0xb8;
	[tilespmem:$0x1AAC8] =	vst v63  }
0x81: {  	_ =	swait.ge [sflag:s28], $0x6000  }
0x82: {  	[sflag:s28] =	ssyncset.done $0x0  }
0x83: {  	[sflag:s28] =	ssyncadd.s32 $0xFFFFA000  }
0x84: {  	_ =	swait.ge [sflag:s29], $0x6000  }
0x85: {  	[sflag:s29] =	ssyncset.done $0x0  }
0x86: {  	s9 =	simm.s32 $0x1000;
	[sflag:s29] =	ssyncadd.s32 $0xFFFFA000  }
0x87: {  	[tilespmem:s24], [sflag:$0x1] =	stream.indirect.gather [hbm4b:s4+s23], $0x30, s9, s23, $0xb8;
	[tilespmem:$0x1AAC8] =	vst v63  }
0x88: {  	s10 =	simm.s32 $0x3600  }
0x89: {  	[spmem:s2] =	stream.indirect.scatter.add.f32 [tilespmem:s26], [sflag:$0x4], $0x30, s10, s23, $0xb8;
	[tilespmem:$0x1AAC8] =	vst v63  }
0x8a: {  	_ =	swait.ge [sflag:s0], $0x6000  }
0x8b: {  	[sflag:s0] =	ssyncset.done $0x0  }
0x8c: {  	[sflag:s0] =	ssyncadd.s32 $0xFFFFA000  }
0x8d: {  	_ =	swait.ge [sflag:s25], $0x6000  }
0x8e: {  	[sflag:s25] =	ssyncset.done $0x0  }
0x8f: {  	s7 =	simm.s32 $0x1200;
	[sflag:s25] =	ssyncadd.s32 $0xFFFFA000  }
0x90: {  	[tilespmem:s26], [sflag:$0x2] =	stream.indirect.gather [hbm4b:s4+s23], $0x30, s7, s23, $0xb8;
	[tilespmem:$0x1AAC8] =	vst v63  }
0x91: {  	s8 =	simm.s32 $0x3800  }
0x92: {  	[spmem:s2] =	stream.indirect.scatter.add.f32 [tilespmem:s24], [sflag:$0x3], $0x30, s8, s23, $0xb8;
	[tilespmem:$0x1AAC8] =	vst v63  }
0x93: {  	_ =	swait.ge [sflag:s28], $0x6000  }
0x94: {  	[sflag:s28] =	ssyncset.done $0x0  }
0x95: {  	[sflag:s28] =	ssyncadd.s32 $0xFFFFA000  }
0x96: {  	_ =	swait.ge [sflag:s29], $0x6000  }
0x97: {  	[sflag:s29] =	ssyncset.done $0x0  }
0x98: {  	s9 =	simm.s32 $0x1400;
	[sflag:s29] =	ssyncadd.s32 $0xFFFFA000  }
0x99: {  	[tilespmem:s24], [sflag:$0x1] =	stream.indirect.gather [hbm4b:s4+s23], $0x30, s9, s23, $0xb8;
	[tilespmem:$0x1AAC8] =	vst v63  }
0x9a: {  	s10 =	simm.s32 $0x3A00  }
0x9b: {  	[spmem:s2] =	stream.indirect.scatter.add.f32 [tilespmem:s26], [sflag:$0x4], $0x30, s10, s23, $0xb8;
	[tilespmem:$0x1AAC8] =	vst v63  }
0x9c: {  	_ =	swait.ge [sflag:s0], $0x6000  }
0x9d: {  	[sflag:s0] =	ssyncset.done $0x0  }
0x9e: {  	[sflag:s0] =	ssyncadd.s32 $0xFFFFA000  }
0x9f: {  	_ =	swait.ge [sflag:s25], $0x6000  }
0xa0: {  	[sflag:s25] =	ssyncset.done $0x0  }
0xa1: {  	s7 =	simm.s32 $0x1600;
	[sflag:s25] =	ssyncadd.s32 $0xFFFFA000  }
0xa2: {  	[tilespmem:s26], [sflag:$0x2] =	stream.indirect.gather [hbm4b:s4+s23], $0x30, s7, s23, $0xb8;
	[tilespmem:$0x1AAC8] =	vst v63  }
0xa3: {  	s8 =	simm.s32 $0x3C00  }
0xa4: {  	[spmem:s2] =	stream.indirect.scatter.add.f32 [tilespmem:s24], [sflag:$0x3], $0x30, s8, s23, $0xb8;
	[tilespmem:$0x1AAC8] =	vst v63  }
0xa5: {  	_ =	swait.ge [sflag:s28], $0x6000  }
0xa6: {  	[sflag:s28] =	ssyncset.done $0x0  }
0xa7: {  	[sflag:s28] =	ssyncadd.s32 $0xFFFFA000  }
0xa8: {  	_ =	swait.ge [sflag:s29], $0x6000  }
0xa9: {  	[sflag:s29] =	ssyncset.done $0x0  }
0xaa: {  	s9 =	simm.s32 $0x1800;
	[sflag:s29] =	ssyncadd.s32 $0xFFFFA000  }
0xab: {  	[tilespmem:s24], [sflag:$0x1] =	stream.indirect.gather [hbm4b:s4+s23], $0x30, s9, s23, $0xb8;
	[tilespmem:$0x1AAC8] =	vst v63  }
0xac: {  	s10 =	simm.s32 $0x3E00  }
0xad: {  	[spmem:s2] =	stream.indirect.scatter.add.f32 [tilespmem:s26], [sflag:$0x4], $0x30, s10, s23, $0xb8;
	[tilespmem:$0x1AAC8] =	vst v63  }
0xae: {  	_ =	swait.ge [sflag:s0], $0x6000  }
0xaf: {  	[sflag:s0] =	ssyncset.done $0x0  }
0xb0: {  	[sflag:s0] =	ssyncadd.s32 $0xFFFFA000  }
0xb1: {  	_ =	swait.ge [sflag:s25], $0x6000  }
0xb2: {  	[sflag:s25] =	ssyncset.done $0x0  }
0xb3: {  	s7 =	simm.s32 $0x1A00;
	[sflag:s25] =	ssyncadd.s32 $0xFFFFA000  }
0xb4: {  	[tilespmem:s26], [sflag:$0x2] =	stream.indirect.gather [hbm4b:s4+s23], $0x30, s7, s23, $0xb8;
	[tilespmem:$0x1AAC8] =	vst v63  }
0xb5: {  	s8 =	simm.s32 $0x4000  }
0xb6: {  	[spmem:s2] =	stream.indirect.scatter.add.f32 [tilespmem:s24], [sflag:$0x3], $0x30, s8, s23, $0xb8;
	[tilespmem:$0x1AAC8] =	vst v63  }
0xb7: {  	_ =	swait.ge [sflag:s28], $0x6000  }
0xb8: {  	[sflag:s28] =	ssyncset.done $0x0  }
0xb9: {  	[sflag:s28] =	ssyncadd.s32 $0xFFFFA000  }
0xba: {  	_ =	swait.ge [sflag:s29], $0x6000  }
0xbb: {  	[sflag:s29] =	ssyncset.done $0x0  }
0xbc: {  	s9 =	simm.s32 $0x1C00;
	[sflag:s29] =	ssyncadd.s32 $0xFFFFA000  }
0xbd: {  	[tilespmem:s24], [sflag:$0x1] =	stream.indirect.gather [hbm4b:s4+s23], $0x30, s9, s23, $0xb8;
	[tilespmem:$0x1AAC8] =	vst v63  }
0xbe: {  	s10 =	simm.s32 $0x4200  }
0xbf: {  	[spmem:s2] =	stream.indirect.scatter.add.f32 [tilespmem:s26], [sflag:$0x4], $0x30, s10, s23, $0xb8;
	[tilespmem:$0x1AAC8] =	vst v63  }
0xc0: {  	_ =	swait.ge [sflag:s0], $0x6000  }
0xc1: {  	[sflag:s0] =	ssyncset.done $0x0  }
0xc2: {  	[sflag:s0] =	ssyncadd.s32 $0xFFFFA000  }
0xc3: {  	_ =	swait.ge [sflag:s25], $0x6000  }
0xc4: {  	[sflag:s25] =	ssyncset.done $0x0  }
0xc5: {  	s7 =	simm.s32 $0x1E00;
	[sflag:s25] =	ssyncadd.s32 $0xFFFFA000  }
0xc6: {  	[tilespmem:s26], [sflag:$0x2] =	stream.indirect.gather [hbm4b:s4+s23], $0x30, s7, s23, $0xb8;
	[tilespmem:$0x1AAC8] =	vst v63  }
0xc7: {  	s8 =	simm.s32 $0x4400  }
0xc8: {  	[spmem:s2] =	stream.indirect.scatter.add.f32 [tilespmem:s24], [sflag:$0x3], $0x30, s8, s23, $0xb8;
	[tilespmem:$0x1AAC8] =	vst v63  }
0xc9: {  	_ =	swait.ge [sflag:s28], $0x6000  }
0xca: {  	[sflag:s28] =	ssyncset.done $0x0  }
0xcb: {  	[sflag:s28] =	ssyncadd.s32 $0xFFFFA000  }
0xcc: {  	_ =	swait.ge [sflag:s29], $0x6000  }
0xcd: {  	[sflag:s29] =	ssyncset.done $0x0  }
0xce: {  	s9 =	simm.s32 $0x2000;
	[sflag:s29] =	ssyncadd.s32 $0xFFFFA000  }
0xcf: {  	[tilespmem:s24], [sflag:$0x1] =	stream.indirect.gather [hbm4b:s4+s23], $0x30, s9, s23, $0xb8;
	[tilespmem:$0x1AAC8] =	vst v63  }
0xd0: {  	s10 =	simm.s32 $0x4600  }
0xd1: {  	[spmem:s2] =	stream.indirect.scatter.add.f32 [tilespmem:s26], [sflag:$0x4], $0x30, s10, s23, $0xb8;
	[tilespmem:$0x1AAC8] =	vst v63  }
0xd2: {  	_ =	swait.ge [sflag:s0], $0x6000  }
0xd3: {  	[sflag:s0] =	ssyncset.done $0x0  }
0xd4: {  	[sflag:s0] =	ssyncadd.s32 $0xFFFFA000  }
0xd5: {  	_ =	swait.ge [sflag:s25], $0x6000  }
0xd6: {  	[sflag:s25] =	ssyncset.done $0x0  }
0xd7: {  	s7 =	simm.s32 $0x2200;
	[sflag:s25] =	ssyncadd.s32 $0xFFFFA000  }
0xd8: {  	[tilespmem:s26], [sflag:$0x2] =	stream.indirect.gather [hbm4b:s4+s23], $0x30, s7, s23, $0xb8;
	[tilespmem:$0x1AAC8] =	vst v63  }
0xd9: {  	s8 =	simm.s32 $0x4800  }
0xda: {  	[spmem:s2] =	stream.indirect.scatter.add.f32 [tilespmem:s24], [sflag:$0x3], $0x30, s8, s23, $0xb8;
	[tilespmem:$0x1AAC8] =	vst v63  }
0xdb: {  	_ =	swait.ge [sflag:s28], $0x6000  }
0xdc: {  	[sflag:s28] =	ssyncset.done $0x0  }
0xdd: {  	[sflag:s28] =	ssyncadd.s32 $0xFFFFA000  }
0xde: {  	_ =	swait.ge [sflag:s29], $0x6000  }
0xdf: {  	[sflag:s29] =	ssyncset.done $0x0  }
0xe0: {  	s9 =	simm.s32 $0x2400;
	[sflag:s29] =	ssyncadd.s32 $0xFFFFA000  }
0xe1: {  	[tilespmem:s24], [sflag:$0x1] =	stream.indirect.gather [hbm4b:s4+s23], $0x30, s9, s23, $0xb8;
	[tilespmem:$0x1AAC8] =	vst v63  }
0xe2: {  	s10 =	simm.s32 $0x4A00  }
0xe3: {  	[spmem:s2] =	stream.indirect.scatter.add.f32 [tilespmem:s26], [sflag:$0x4], $0x30, s10, s23, $0xb8;
	[tilespmem:$0x1AAC8] =	vst v63  }
0xe4: {  	_ =	swait.ge [sflag:s0], $0x6000  }
0xe5: {  	[sflag:s0] =	ssyncset.done $0x0  }
0xe6: {  	[sflag:s0] =	ssyncadd.s32 $0xFFFFA000  }
0xe7: {  	_ =	swait.ge [sflag:s25], $0x6000  }
0xe8: {  	[sflag:s25] =	ssyncset.done $0x0  }
0xe9: {  	s7 =	simm.s32 $0x2600;
	[sflag:s25] =	ssyncadd.s32 $0xFFFFA000  }
0xea: {  	[tilespmem:s26], [sflag:$0x2] =	stream.indirect.gather [hbm4b:s4+s23], $0x30, s7, s23, $0xb8;
	[tilespmem:$0x1AAC8] =	vst v63  }
0xeb: {  	s8 =	simm.s32 $0x4C00  }
0xec: {  	[spmem:s2] =	stream.indirect.scatter.add.f32 [tilespmem:s24], [sflag:$0x3], $0x30, s8, s23, $0xb8;
	[tilespmem:$0x1AAC8] =	vst v63  }
0xed: {  	_ =	swait.ge [sflag:s28], $0x6000  }
0xee: {  	[sflag:s28] =	ssyncset.done $0x0  }
0xef: {  	[sflag:s28] =	ssyncadd.s32 $0xFFFFA000  }
0xf0: {  	_ =	swait.ge [sflag:s29], $0x6000  }
0xf1: {  	[sflag:s29] =	ssyncset.done $0x0  }
0xf2: {  	s9 =	simm.s32 $0x4E00;
	[sflag:s29] =	ssyncadd.s32 $0xFFFFA000  }
0xf3: {  	[spmem:s2] =	stream.indirect.scatter.add.f32 [tilespmem:s26], [sflag:$0x4], $0x30, s9, s23, $0xb8;
	[tilespmem:$0x1AAC8] =	vst v63  }
0xf4: {  	_ =	swait.ge [sflag:s0], $0x6000  }
0xf5: {  	[sflag:s0] =	ssyncset.done $0x0  }
0xf6: {  	[sflag:s0] =	ssyncadd.s32 $0xFFFFA000  }
0xf7: {  	[bflag:$0x0] =	sbarrier.arrive $0xFFFF  }
0xf8: {  	[tilespmem:s20], [sflag:$0x6] =	stream.linear.gather [spmem:s12], $0x2580, $0x38;
	[tilespmem:$0x1AAC8] =	vst v63  }
0xf9: {  	_ =	swait.ge [sflag:s31], $0x2580  }
0xfa: {  	[sflag:s31] =	ssyncset.done $0x0  }
0xfb: {  	[sflag:s31] =	ssyncadd.s32 $0xFFFFDA80  }
0xfc: {  	[hbm4b:s13+s3] =	stream.linear.scatter [tilespmem:s20], [sflag:$0x5], $0x2580, $0x38;
	[tilespmem:$0x1AAC8] =	vst v63  }
0xfd: {  	_ =	swait.ge [sflag:s21], $0x2580  }
0xfe: {  	[sflag:s21] =	ssyncset.done $0x0  }
0xff: {  	[sflag:s21] =	ssyncadd.s32 $0xFFFFDA80  }
0x100: {  	[tilespmem:s20], [sflag:$0x6] =	stream.linear.gather [spmem:s14], $0x2580, $0x38;
	[tilespmem:$0x1AAC8] =	vst v63  }
0x101: {  	_ =	swait.ge [sflag:s31], $0x2580  }
0x102: {  	[sflag:s31] =	ssyncset.done $0x0  }
0x103: {  	[sflag:s31] =	ssyncadd.s32 $0xFFFFDA80  }
0x104: {  	[hbm4b:s15+s3] =	stream.linear.scatter [tilespmem:s20], [sflag:$0x5], $0x2580, $0x38;
	[tilespmem:$0x1AAC8] =	vst v63  }
0x105: {  	_ =	swait.ge [sflag:s21], $0x2580  }
0x106: {  	[sflag:s21] =	ssyncset.done $0x0  }
0x107: {  	[sflag:s21] =	ssyncadd.s32 $0xFFFFDA80  }
0x108: {  	[tilespmem:s20], [sflag:$0x6] =	stream.linear.gather [spmem:s16], $0x2580, $0x38;
	[tilespmem:$0x1AAC8] =	vst v63  }
0x109: {  	_ =	swait.ge [sflag:s31], $0x2580  }
0x10a: {  	[sflag:s31] =	ssyncset.done $0x0  }
0x10b: {  	[sflag:s31] =	ssyncadd.s32 $0xFFFFDA80  }
0x10c: {  	[hbm4b:s17+s3] =	stream.linear.scatter [tilespmem:s20], [sflag:$0x5], $0x2580, $0x38;
	[tilespmem:$0x1AAC8] =	vst v63  }
0x10d: {  	_ =	swait.ge [sflag:s21], $0x2580  }
0x10e: {  	[sflag:s21] =	ssyncset.done $0x0  }
0x10f: {  	s6 =	simm.s32 @!p0 $0x6;
	[sflag:s21] =	ssyncadd.s32 $0xFFFFDA80  }
0x110: {  	[tilespmem:s5], [sflag:$0x6] =	stream.linear.gather @!p0 [spmem:s18], $0x2580, $0x38;
	[tilespmem:$0x1AAC8] =	vst v63  }
0x111: {  	_ =	swait.ge @!p0 [sflag:s6], $0x2580  }
0x112: {  	[sflag:s6] =	ssyncset.done @!p0 $0x0  }
0x113: {  	[sflag:s6] =	ssyncadd.s32 @!p0 $0xFFFFDA80;
	s6 =	simm.s32 @!p0 $0x0  }
0x114: {  	[hbm4b:s19+s6] =	stream.linear.scatter @!p0 [tilespmem:s5], [sflag:$0x5], $0x2580, $0x38;
	[tilespmem:$0x1AAC8] =	vst v63  }
0x115: {  	_ =	swait.ge @!p0 [sflag:s30], $0x2580  }
0x116: {  	s1 =	sadd.s32 $0x1, s1;
	s10 =	rddreg [dreg:$0x6]  }
0x117: {  	p1 =	sne.s32 s1, s10  }
.Ltmp1:
0x118: {  	_ = 	snop;
	(pc) =	sbr.rel @p1 .LBB2_1-.Ltmp1, $3  }
0x119: {  	_ =	sdelay $0x1  }
0x11a: {  	[sflag:s30] =	ssyncset.done @!p0 $0x0  }
0x11b: {  	[sflag:s30] =	ssyncadd.s32 @!p0 $0xFFFFDA80  }
0x11c: {  	_ =	sfence.sel $0x180000  }
0x11d: {  	[bflag:$0x0] =	sbarrier.arrive $0xFFFF  }
0x11e: {  	_ =	strace $0x9000004D  }
0x11f: {  	s0 =	stileid.u32;
	[bflag:$0x2] =	sbarrier.arrive $0xFFFF  }
0x120: {  	p0 =	sne.s32 s0, $0x0;
	s0 =	rddreg [dreg:$0x3]  }
0x121: {  	s0 =	sadd.s32 @!p0 $0x100000, s0  }
0x122: {  	[sflag:s0] =	ssyncadd.tile.s32 @!p0 $0x1;
	_ =	shalt  }
.Lfunc_end2:
_tile_overlayer_lowered:
.L_overlay_start_2:
0x123: {  	(tag) =	ssettag $0x2  }
0x124: {  	s0 =	rddreg [dreg:$0x0];
	s2 =	stileid.u32  }
0x125: {  	s1 =	rddreg [dreg:$0x1];
	p0 =	sne.s32 s2, $0x0  }
0x126: {  	s3 =	rddreg [dreg:$0x2];
	[bflag:$0x3] =	sbarrier.arrive $0xFFFF;
	s2 =	simm.s32 @!p0 $0x1C05  }
0x127: {  	[timem:s3], [sflag:s2] =	dma.local @!p0 [hbm:s0], s1  }
0x128: {  	s0 =	simm.s32 @!p0 $0x5  }
0x129: {  	_ =	swait.ge @!p0 [sflag:s0], s1  }
0x12a: {  	s1 =	ssub.s32 @!p0 $0x0, s1;
	[sflag:s0] =	ssyncset.done @!p0 $0x0  }
0x12b: {  	[sflag:s0] =	ssyncadd.s32 @!p0 s1  }
0x12c: {  	[bflag:$0x3] =	sbarrier.arrive $0xFFFF  }
0x12d: {  	_ =	shalt  }

// kernel: kernel.8.cloned.1.call-start
scs
__scs_entry_jumppad:
0x0: {  	(pc) =	sbr.rel $0x88, $3  }
0x1: {  	(tag) =	ssettag $0x0;
	lr =	simm.s32 $0x1  }
0x2: {  	[smem:$0x3F9B] =	sst lr;
	_ =	strace $0xD0000000  }
0x3: {  	_ = 	snop  }
0x4: {  	_ = 	snop  }
0x5: {  	_ = 	snop  }
0x6: {  	_ = 	snop  }
0x7: {  	_ = 	snop  }
__scs_overlays_trampoline_lowered:
0x8: {  	[smem:$0x3FAA] =	sst s0  }
0x9: {  	[smem:$0x3FAB] =	sst s1  }
0xa: {  	[smem:$0x3FAC] =	sst s2  }
0xb: {  	[smem:$0x3FAD] =	sst s3  }
0xc: {  	[smem:$0x3FAE] =	sst s4  }
0xd: {  	[smem:$0x3FAF] =	sst s5  }
0xe: {  	[smem:$0x3FB0] =	sst s6  }
0xf: {  	[smem:$0x3FB1] =	sst s7  }
0x10: {  	[smem:$0x3FB2] =	sst s8  }
0x11: {  	[smem:$0x3FB3] =	sst s9;
	s0 =	simm.s32 @!p0 $0x0  }
0x12: {  	s1 =	sld [smem:$0x3F99];
	s0 =	simm.s32 @p0 $0x1  }
0x13: {  	[smem:$0x3FB4] =	sst s0;
	s0 =	simm.s32 @!p1 $0x0  }
0x14: {  	s2 =	sld [smem:$0x3F98];
	s0 =	simm.s32 @p1 $0x1  }
0x15: {  	[smem:$0x3FB5] =	sst s0;
	s0 =	simm.s32 @!p2 $0x0  }
0x16: {  	s3 =	sld [smem:$0x3FDB];
	s0 =	simm.s32 @p2 $0x1  }
0x17: {  	s4 =	simm.s32 $0x1BF5;
	[smem:$0x3FB7] =	sst s0  }
0x18: {  	s0 =	sld [smem:$0x3F9A];
	_ =	swait.ge [sflag:s4], $0x0  }
0x19: {  	s7 =	sld [smem:$0x3F9B]  }
0x1a: {  	s8 =	sadd.s32 $0xFFFFE003, lr  }
0x1b: {  	s9 =	sadd.s32 $0xFFFFFEF7, lr;
	s5 =	simm.s32 $0xFFFFFFFF;
	p2 =	slt.u32 s8, $0xFFFFF086  }
0x1c: {  	p1 =	slt.u32 s9, $0xF7A;
	s5 =	simm.s32 @!p2 $0x0  }
0x1d: {  	s5 =	simm.s32 @p1 $0x1;
	p0 =	seq.s32 s7, s2  }
0x1e: {  	s7 =	smul.u32 @!p0 $0xF7A, s2;
	p2 =	seq.s32 @!p0 s5, $0x0  }
0x1f: {  	s9 =	smul.u32 $0xF7A, s1;
	s8 =	simm.s32 @!p0 $0x1BF5;
	p2 =	por !p2, p0  }
0x20: {  	[sflag:s8] =	ssyncset.s32 @!p0 $0xFFFFF086;
	s6 =	sadd.s32 @!p0 s3, s7;
	s7 =	simm.s32 @!p0 $0x108  }
0x21: {  	s3 =	sadd.s32 s3, s9;
	s6 =	sadd.s32 @!p0 $0x88, s6;
	s7 =	simm.s32 @p2 $0x1082  }
0x22: {  	[simem:s7], [sflag:s8] =	dma.local @!p0 [hbm:s6], $0xF7A  }
0x23: {  	s9 =	sor.u32 $0xD0000000, s2;
	s6 =	simm.s32 $0x108;
	_ =	swait.ge @!p0 [sflag:s8], $0x0  }
0x24: {  	s3 =	sadd.s32 $0x88, s3;
	s6 =	simm.s32 @!p1 $0x1082;
	[sflag:s4] =	ssyncset.s32 $0xFFFFF086  }
0x25: {  	[simem:s6], [sflag:s4] =	dma.local [hbm:s3], $0xF7A  }
0x26: {  	[smem:$0x3F9B] =	sst s1;
	(tag) =	ssettag s2;
	_ =	strace s9  }
0x27: {  	s1 =	sld [smem:$0x3FAB]  }
0x28: {  	s2 =	sld [smem:$0x3FAC]  }
0x29: {  	s4 =	sld [smem:$0x3FAE]  }
0x2a: {  	p0 =	seq.s32 s5, $0x0;
	s5 =	sld [smem:$0x3FAF]  }
0x2b: {  	s6 =	sld [smem:$0x3FB0]  }
0x2c: {  	s7 =	sld [smem:$0x3FB1]  }
0x2d: {  	s3 =	simm.s32 $0x108;
	s8 =	sld [smem:$0x3FB2]  }
0x2e: {  	s3 =	simm.s32 @!p0 $0x1082;
	s9 =	sld [smem:$0x3FB3]  }
0x2f: {  	lr =	sadd.s32 s0, s3;
	s0 =	sld [smem:$0x3FAA]  }
0x30: {  	s3 =	sld [smem:$0x3FAD]  }
0x31: {  	[smem:$0x3FB6] =	sst s10  }
0x32: {  	s10 =	sld [smem:$0x3FB4];
	_ =	sdelay $0x3  }
0x33: {  	p0 =	seq.s32 s10, $0x1;
	s10 =	sld [smem:$0x3FB6];
	_ =	sdelay $0x3  }
0x34: {  	[smem:$0x3FB6] =	sst s10  }
0x35: {  	s10 =	sld [smem:$0x3FB5];
	_ =	sdelay $0x3  }
0x36: {  	p1 =	seq.s32 s10, $0x1;
	s10 =	sld [smem:$0x3FB6];
	_ =	sdelay $0x3  }
0x37: {  	[smem:$0x3FB6] =	sst s10  }
0x38: {  	s10 =	sld [smem:$0x3FB7]  }
0x39: {  	_ = 	snop;
	(pc) =	sbr.ind lr, $3  }
0x3a: {  	_ = 	snop  }
0x3b: {  	_ = 	snop  }
0x3c: {  	p2 =	seq.s32 s10, $0x1;
	s10 =	sld [smem:$0x3FB6]  }
0x3d: {  	_ =	shalt  }
0x3e: {  	_ =	shalt  }
0x3f: {  	_ =	shalt  }
0x40: {  	_ =	shalt  }
0x41: {  	_ =	shalt  }
0x42: {  	_ =	shalt  }
0x43: {  	_ =	shalt  }
0x44: {  	_ =	shalt  }
0x45: {  	_ =	shalt  }
0x46: {  	_ =	shalt  }
0x47: {  	_ =	shalt  }
0x48: {  	_ =	shalt  }
0x49: {  	_ =	shalt  }
0x4a: {  	_ =	shalt  }
0x4b: {  	_ =	shalt  }
0x4c: {  	_ =	shalt  }
0x4d: {  	_ =	shalt  }
0x4e: {  	_ =	shalt  }
0x4f: {  	_ =	shalt  }
0x50: {  	_ =	shalt  }
0x51: {  	_ =	shalt  }
0x52: {  	_ =	shalt  }
0x53: {  	_ =	shalt  }
0x54: {  	_ =	shalt  }
0x55: {  	_ =	shalt  }
0x56: {  	_ =	shalt  }
0x57: {  	_ =	shalt  }
0x58: {  	_ =	shalt  }
0x59: {  	_ =	shalt  }
0x5a: {  	_ =	shalt  }
0x5b: {  	_ =	shalt  }
0x5c: {  	_ =	shalt  }
0x5d: {  	_ =	shalt  }
0x5e: {  	_ =	shalt  }
0x5f: {  	_ =	shalt  }
0x60: {  	_ =	shalt  }
0x61: {  	_ =	shalt  }
0x62: {  	_ =	shalt  }
0x63: {  	_ =	shalt  }
0x64: {  	_ =	shalt  }
0x65: {  	_ =	shalt  }
0x66: {  	_ =	shalt  }
0x67: {  	_ =	shalt  }
0x68: {  	_ =	shalt  }
0x69: {  	_ =	shalt  }
0x6a: {  	_ =	shalt  }
0x6b: {  	_ =	shalt  }
0x6c: {  	_ =	shalt  }
0x6d: {  	_ =	shalt  }
0x6e: {  	_ =	shalt  }
0x6f: {  	_ =	shalt  }
0x70: {  	_ =	shalt  }
0x71: {  	_ =	shalt  }
0x72: {  	_ =	shalt  }
0x73: {  	_ =	shalt  }
0x74: {  	_ =	shalt  }
0x75: {  	_ =	shalt  }
0x76: {  	_ =	shalt  }
0x77: {  	_ =	shalt  }
0x78: {  	_ =	shalt  }
0x79: {  	_ =	shalt  }
0x7a: {  	_ =	shalt  }
0x7b: {  	_ =	shalt  }
0x7c: {  	_ =	shalt  }
0x7d: {  	_ =	shalt  }
0x7e: {  	_ =	shalt  }
0x7f: {  	_ =	shalt  }
0x80: {  	_ =	shalt  }
0x81: {  	_ =	shalt  }
0x82: {  	_ =	shalt  }
0x83: {  	_ =	shalt  }
0x84: {  	_ =	shalt  }
0x85: {  	_ =	shalt  }
0x86: {  	_ =	shalt  }
0x87: {  	_ =	shalt  }
.Lfunc_end0:
.L_simem_size_0:
called_computation_lowered:
.L_overlay_start_0:
0x88: {  	s2 =	sld [smem:$0x3FD9]  }
0x89: {  	s3 =	sld [smem:$0x3FFE];
	_ =	sdelay $0x1  }
0x8a: {  	s1 =	srdreg.scid  }
0x8b: {  	s0 =	sand.u32 $0x1, s1  }
0x8c: {  	s17 =	sshll.u32 s0, $0xA;
	s2 =	sadd.s32 s3, s2  }
0x8d: {  	s2 =	sadd.s32 s2, s17  }
0x8e: {  	[smem:$0x3FC2] =	sst s2  }
0x8f: {  	_ = 	snop  }
0x90: {  	s2 =	sld [smem:$0x3FD0];
	(tm) =	ssettm $0x1  }
0x91: {  	s18 =	sld [smem:$0x3FFB];
	_ =	sdelay $0x3  }
0x92: {  	_ =	strace s18  }
0x93: {  	s3 =	sld [smem:$0x3FFC];
	_ =	sdelay $0x3  }
0x94: {  	_ =	strace s3  }
0x95: {  	s3 =	sld [smem:$0x3FFD];
	_ =	sdelay $0x3  }
0x96: {  	_ =	strace s3  }
0x97: {  	_ =	strace $0x8FFFFFFF  }
0x98: {  	s19 =	sld [smem:$0x3FDB];
	_ =	sdelay $0x1  }
0x99: {  	s4 =	simm.s32 $_scs_section_size  }
0x9a: {  	s5 =	simm.s32 $_size__tile_overlayer_lowered;
	s6 =	simm.s32 $_tile_overlayer_lowered  }
0x9b: {  	s22 =	simm.s32 $0x1BFF;
	s21 =	sshll.u32 s6, $0x1;
	s3 =	sadd.s32 s4, s19  }
0x9c: {  	s7 =	simm.s32 $0x0;
	s20 =	sshll.u32 s5, $0x1;
	s5 =	sadd.s32 s21, s3  }
0x9d: {  	[timem:s7], [sflag:s22] =	dma.local [hbm:s5], s20  }
0x9e: {  	_ =	swait.ge [sflag:s22], s20  }
0x9f: {  	s4 =	ssub.s32 $0x0, s20;
	[sflag:s22] =	ssyncset.done $0x0  }
0xa0: {  	[sflag:s22] =	ssyncadd.s32 s4;
	_ =	sdelay $0x1  }
0xa1: {  	s23 =	simm.s32 $0x1B8B  }
0xa2: {  	_ =	swait.ge [sflag:s23], $0x1  }
0xa3: {  	[sflag:s23] =	ssyncset.done $0x0  }
0xa4: {  	s25 =	simm.s32 $0x1B8E;
	s24 =	sld [smem:$0x3FFE];
	[sflag:s23] =	ssyncadd.s32 $0xFFFFFFFF  }
0xa5: {  	s26 =	simm.s32 $execute0_lowered;
	[smem:$0x3FD2] =	sst s25  }
0xa6: {  	s5 =	sshll.u32 s26, $0x1;
	_ =	strace $0x80000046;
	[dreg:$0x1] =	wrdreg $0xFFFFFFFF  }
0xa7: {  	s28 =	simm.s32 $_size_execute0_lowered;
	s3 =	sadd.s32 s3, s5;
	[dreg:$0x0] =	wrdreg $0x0  }
0xa8: {  	s5 =	sshll.u32 s28, $0x1;
	[dreg:$0x2] =	wrdreg s3  }
0xa9: {  	[dreg:$0x3] =	wrdreg s5  }
0xaa: {  	[dreg:$0x4] =	wrdreg $0xC0  }
0xab: {  	_ =	task [dreg:s7], $0x5FFFF  }
0xac: {  	[dreg:$0x1] =	wrdreg $0xFFFFFFFF  }
0xad: {  	[dreg:$0x0] =	wrdreg $0x60  }
0xae: {  	[dreg:$0x2] =	wrdreg s2  }
0xaf: {  	[dreg:$0x3] =	wrdreg s24  }
0xb0: {  	[dreg:$0x4] =	wrdreg $0x44800  }
0xb1: {  	[dreg:$0x5] =	wrdreg $0x9  }
0xb2: {  	_ =	task.clear_ibuf [dreg:s7], $0x6FFFF;
	_ =	strace $0x90000046  }
0xb3: {  	s29 =	simm.s32 $0x9;
	_ =	strace $0x80000048  }
0xb4: {  	_ =	swait.ge [sflag:s29], $0x1  }
0xb5: {  	[sflag:s29] =	ssyncadd.s32 $0xFFFFFFFF  }
0xb6: {  	_ =	strace $0x90000048  }
0xb7: {  	_ =	sfence  }
0xb8: {  	s30 =	sld [smem:$0x0];
	_ =	sdelay $0x2  }
0xb9: {  	s31 =	sshll.u32 s1, $0xD;
	s1 =	sshrl.u32 s1, $0x2  }
0xba: {  	s3 =	sand.u32 $0x4000, s31;
	s1 =	sadd.s32 s1, s30  }
0xbb: {  	s0 =	sor.u32 s3, s0;
	s1 =	sshll.u32 s1, $0x11  }
0xbc: {  	s0 =	sor.u32 s1, s0  }
0xbd: {  	s0 =	sadd.s32 $0x8F2B, s0  }
0xbe: {  	[sflag:s0] =	ssyncadd.remote.s32 $0x1  }
0xbf: {  	_ =	sfence.sel $0xFFFF  }
0xc0: {  	[dreg:$0x0] =	wrdreg $0xFFFFFFFF;
	(pc) =	sbr.abs _section_cstart, $3  }
0xc1: {  	[dreg:$0x1] =	wrdreg $0xFFFFFFFF  }
0xc2: {  	_ =	task.clear_ibuf [dreg:s7], $0x2FFFF;
	_ =	strace $0x9FFFFFFF  }
0xc3: {  	(tm) =	ssettm $0x7FFFFFFF  }
tec
execute0_lowered:
.L_overlay_start_1:
0x0: {  	(tag) =	ssettag $0x1  }
0x1: {  	s4 =	rddreg [dreg:$0x0]  }
0x2: {  	s5 =	rddreg [dreg:$0x1]  }
0x3: {  	s1 =	rddreg [dreg:$0x2];
	s2 =	srdreg.scid  }
0x4: {  	s0 =	rddreg [dreg:$0x3];
	s6 =	sand.u32 $0x1, s2  }
0x5: {  	s2 =	stileid.u32;
	s14 =	smul.u32 $0x27100, s6  }
0x6: {  	s3 =	simm.s32 $0x0;
	s21 =	simm.s32 $0x2800;
	s25 =	smul.u32 $0x3200, s2  }
0x7: {  	s22 =	simm.s32 $0x2;
	s10 =	sor.u32 $0x10, s2;
	s12 =	smul.u32 $0xC80, s2  }
0x8: {  	s23 =	simm.s32 $0x0;
	s11 =	sor.u32 $0x20, s2;
	s26 =	smul.u32 $0x3200, s10  }
0x9: {  	[smem:$0x7FF] =	sst s3;
	s18 =	sor.u32 $0x30, s2;
	s28 =	smul.u32 $0x3200, s11  }
0xa: {  	s17 =	sadd.s32 $0xB800, s5;
	s7 =	sshll.u32 s6, $0x4;
	s9 =	smul.u32 $0x3200, s18  }
0xb: {  	_ =	strace $0x80000047;
	s8 =	ssub.s32 $0x2, s6;
	s15 =	smul.u32 $0xC80, s10  }
0xc: {  	s7 =	sor.u32 s2, s7;
	s24 =	sshrl.u32 s8, $0x1;
	s16 =	smul.u32 $0xC80, s11  }
0xd: {  	s19 =	smul.u32 $0xC80, s18;
	p0 =	sgt.u32 s18, $0x31;
	s18 =	simm.s32 $0x3800  }
0xe: {  	s7 =	smul.u32 $0x500, s7;
	s5 =	ssub.s32 s8, s24;
	s6 =	sshrl.u32 s25, $0x2  }
0xf: {  	s13 =	sadd.s32 s14, s12;
	s10 =	sadd.s32 s12, s1;
	s5 =	smax.u32 s5, $0x1  }
0x10: {  	s6 =	sadd.s32 s6, s1;
	s8 =	sshrl.u32 s28, $0x2;
	s9 =	sshrl.u32 s9, $0x2  }
0x11: {  	s29 =	sshrl.u32 s13, $0x3;
	s30 =	sadd.s32 s14, s15;
	s12 =	sadd.s32 s15, s1  }
0x12: {  	s31 =	sadd.s32 s14, s16;
	s20 =	sadd.s32 s14, s19;
	s14 =	sadd.s32 s16, s1  }
0x13: {  	s16 =	sadd.s32 s19, s1;
	s19 =	simm.s32 $0x1;
	s4 =	sadd.s32 s4, s7  }
0x14: {  	s7 =	sshrl.u32 s26, $0x2;
	s8 =	sadd.s32 s8, s1;
	s9 =	sadd.s32 s9, s1  }
0x15: {  	s11 =	sadd.s32 s17, s29;
	s13 =	sshrl.u32 s30, $0x3;
	s15 =	sshrl.u32 s31, $0x3  }
0x16: {  	s20 =	sshrl.u32 s20, $0x3;
	s7 =	sadd.s32 s7, s1;
	s13 =	sadd.s32 s17, s13  }
0x17: {  	v0 =	vimm.f32 $0.0e+00;
	v1 =	vimm.f32 $1.000000000e+00;
	s15 =	sadd.s32 s17, s15;
	s17 =	sadd.s32 s17, s20;
	s20 =	simm.s32 $0x100  }
.LBB2_1:
0x18: {  	s24 =	simm.s32 $0x40;
	s25 =	simm.s32 $0x0  }
.LBB2_2:
0x19: {  	p1 =	sne.s32 s24, $0x31C0;
	[tilespmem:s25+$0x3800] =	vst v0;
	s25 =	smov.u32 s24;
	s24 =	sadd.s32 $0x40, s24  }
.Ltmp0:
0x1a: {  	(pc) =	sbr.rel @p1 .LBB2_2-.Ltmp0, $2  }
0x1b: {  	_ =	sdelay $0x2  }
0x1c: {  	s25 =	sshra.s32 s25, $0x2  }
0x1d: {  	[tilespmem:s25+$0x3800] =	vst v0  }
0x1e: {  	[spmem:s6] =	stream.linear.scatter [tilespmem:s18], [sflag:$0x1], $0xC80, $0x38;
	[tilespmem:$0x6B98] =	vst v63  }
0x1f: {  	_ =	swait.ge [sflag:s19], $0xC80  }
0x20: {  	[sflag:s19] =	ssyncset.done $0x0  }
0x21: {  	[sflag:s19] =	ssyncadd.s32 $0xFFFFF380  }
0x22: {  	[spmem:s7] =	stream.linear.scatter [tilespmem:s18], [sflag:$0x1], $0xC80, $0x38;
	[tilespmem:$0x6B98] =	vst v63  }
0x23: {  	_ =	swait.ge [sflag:s19], $0xC80  }
0x24: {  	[sflag:s19] =	ssyncset.done $0x0  }
0x25: {  	[sflag:s19] =	ssyncadd.s32 $0xFFFFF380  }
0x26: {  	[spmem:s8] =	stream.linear.scatter [tilespmem:s18], [sflag:$0x1], $0xC80, $0x38;
	[tilespmem:$0x6B98] =	vst v63  }
0x27: {  	_ =	swait.ge [sflag:s19], $0xC80  }
0x28: {  	[sflag:s19] =	ssyncset.done $0x0  }
0x29: {  	s24 =	simm.s32 @!p0 $0x3800;
	[sflag:s19] =	ssyncadd.s32 $0xFFFFF380  }
0x2a: {  	[spmem:s9] =	stream.linear.scatter @!p0 [tilespmem:s24], [sflag:$0x1], $0xC80, $0x38;
	[tilespmem:$0x6B98] =	vst v63  }
0x2b: {  	s24 =	simm.s32 @!p0 $0x1  }
0x2c: {  	_ =	swait.ge @!p0 [sflag:s24], $0xC80  }
0x2d: {  	[sflag:s24] =	ssyncset.done @!p0 $0x0  }
0x2e: {  	s25 =	simm.s32 $0x0;
	[sflag:s24] =	ssyncadd.s32 @!p0 $0xFFFFF380;
	s24 =	simm.s32 $0x40  }
.LBB2_4:
0x2f: {  	p1 =	sne.s32 s24, $0x3FC0;
	[tilespmem:s25+$0x2800] =	vst v1;
	s25 =	smov.u32 s24;
	s24 =	sadd.s32 $0x40, s24  }
.Ltmp1:
0x30: {  	(pc) =	sbr.rel @p1 .LBB2_4-.Ltmp1, $2  }
0x31: {  	_ =	sdelay $0x2  }
0x32: {  	s25 =	sshra.s32 s25, $0x2  }
0x33: {  	[tilespmem:s25+$0x2800] =	vst v1;
	s24 =	simm.s32 $0x0  }
0x34: {  	[tilespmem:s24], [sflag:$0x1] =	stream.linear.gather [hbm4b:s4+s24], $0x2800, $0x38;
	[tilespmem:$0x6B98] =	vst v63  }
0x35: {  	_ =	swait.ge [sflag:s19], $0x2800  }
0x36: {  	[sflag:s19] =	ssyncset.done $0x0  }
0x37: {  	[sflag:s19] =	ssyncadd.s32 $0xFFFFD800  }
0x38: {  	s31 =	simm.s32 $0x0;
	[bflag:$0x0] =	sbarrier.arrive $0xFFFF  }
0x39: {  	[spmem:s1] =	stream.indirect.scatter.add.f32 [tilespmem:s21], [sflag:$0x1], $0x10, s31, s20, $0xb8;
	[tilespmem:$0x6B98] =	vst v63  }
0x3a: {  	_ =	swait.ge [sflag:s19], $0x1000  }
0x3b: {  	s24 =	simm.s32 $0x400;
	[sflag:s19] =	ssyncset.done $0x0  }
.LBB2_6:
0x3c: {  	s25 =	sshra.s32 s24, $0x2;
	[sflag:s19] =	ssyncadd.s32 $0xFFFFF000;
	p1 =	sne.s32 s24, $0x9C00  }
0x3d: {  	[spmem:s1] =	stream.indirect.scatter.add.f32 [tilespmem:s21], [sflag:$0x1], $0x10, s25, s20, $0xb8;
	[tilespmem:$0x6B98] =	vst v63  }
.Ltmp2:
0x3e: {  	_ = 	snop;
	(pc) =	sbr.rel @p1 .LBB2_6-.Ltmp2, $4  }
0x3f: {  	_ = 	snop  }
0x40: {  	s24 =	sadd.s32 $0x400, s24  }
0x41: {  	_ =	swait.ge [sflag:s19], $0x1000  }
0x42: {  	[sflag:s19] =	ssyncset.done $0x0  }
0x43: {  	[sflag:s19] =	ssyncadd.s32 $0xFFFFF000  }
0x44: {  	[bflag:$0x0] =	sbarrier.arrive $0xFFFF  }
0x45: {  	[tilespmem:s18], [sflag:$0x2] =	stream.linear.gather [spmem:s10], $0xC80, $0x38;
	[tilespmem:$0x6B98] =	vst v63  }
0x46: {  	_ =	swait.ge [sflag:s22], $0xC80  }
0x47: {  	[sflag:s22] =	ssyncset.done $0x0  }
0x48: {  	[sflag:s22] =	ssyncadd.s32 $0xFFFFF380  }
0x49: {  	[hbm4b:s11+s3] =	stream.linear.scatter [tilespmem:s18], [sflag:$0x1], $0xC80, $0x38;
	[tilespmem:$0x6B98] =	vst v63  }
0x4a: {  	_ =	swait.ge [sflag:s19], $0xC80  }
0x4b: {  	[sflag:s19] =	ssyncset.done $0x0  }
0x4c: {  	[sflag:s19] =	ssyncadd.s32 $0xFFFFF380  }
0x4d: {  	[tilespmem:s18], [sflag:$0x2] =	stream.linear.gather [spmem:s12], $0xC80, $0x38;
	[tilespmem:$0x6B98] =	vst v63  }
0x4e: {  	_ =	swait.ge [sflag:s22], $0xC80  }
0x4f: {  	[sflag:s22] =	ssyncset.done $0x0  }
0x50: {  	[sflag:s22] =	ssyncadd.s32 $0xFFFFF380  }
0x51: {  	[hbm4b:s13+s3] =	stream.linear.scatter [tilespmem:s18], [sflag:$0x1], $0xC80, $0x38;
	[tilespmem:$0x6B98] =	vst v63  }
0x52: {  	_ =	swait.ge [sflag:s19], $0xC80  }
0x53: {  	[sflag:s19] =	ssyncset.done $0x0  }
0x54: {  	[sflag:s19] =	ssyncadd.s32 $0xFFFFF380  }
0x55: {  	[tilespmem:s18], [sflag:$0x2] =	stream.linear.gather [spmem:s14], $0xC80, $0x38;
	[tilespmem:$0x6B98] =	vst v63  }
0x56: {  	_ =	swait.ge [sflag:s22], $0xC80  }
0x57: {  	[sflag:s22] =	ssyncset.done $0x0  }
0x58: {  	[sflag:s22] =	ssyncadd.s32 $0xFFFFF380  }
0x59: {  	[hbm4b:s15+s3] =	stream.linear.scatter [tilespmem:s18], [sflag:$0x1], $0xC80, $0x38;
	[tilespmem:$0x6B98] =	vst v63  }
0x5a: {  	_ =	swait.ge [sflag:s19], $0xC80  }
0x5b: {  	[sflag:s19] =	ssyncset.done $0x0  }
0x5c: {  	s24 =	simm.s32 @!p0 $0x3800;
	s25 =	simm.s32 @!p0 $0x2;
	[sflag:s19] =	ssyncadd.s32 $0xFFFFF380  }
0x5d: {  	[tilespmem:s24], [sflag:$0x2] =	stream.linear.gather @!p0 [spmem:s16], $0xC80, $0x38;
	[tilespmem:$0x6B98] =	vst v63  }
0x5e: {  	_ =	swait.ge @!p0 [sflag:s25], $0xC80  }
0x5f: {  	s23 =	sadd.s32 $0x1, s23;
	[sflag:s25] =	ssyncset.done @!p0 $0x0  }
0x60: {  	p1 =	sne.s32 s23, s5;
	[sflag:s25] =	ssyncadd.s32 @!p0 $0xFFFFF380;
	s25 =	simm.s32 @!p0 $0x0  }
0x61: {  	[hbm4b:s17+s25] =	stream.linear.scatter @!p0 [tilespmem:s24], [sflag:$0x1], $0xC80, $0x38;
	[tilespmem:$0x6B98] =	vst v63  }
.Ltmp3:
0x62: {  	_ = 	snop;
	(pc) =	sbr.rel @p1 .LBB2_1-.Ltmp3, $4  }
0x63: {  	s24 =	simm.s32 @!p0 $0x1  }
0x64: {  	_ =	swait.ge @!p0 [sflag:s24], $0xC80  }
0x65: {  	[sflag:s24] =	ssyncset.done @!p0 $0x0  }
0x66: {  	[sflag:s24] =	ssyncadd.s32 @!p0 $0xFFFFF380  }
0x67: {  	_ =	sfence.sel $0x180000  }
0x68: {  	[bflag:$0x0] =	sbarrier.arrive $0xFFFF  }
0x69: {  	p0 =	sne.s32 s2, $0x0;
	_ =	strace $0x90000047  }
0x6a: {  	s0 =	sadd.s32 @!p0 $0x100000, s0;
	[bflag:$0x2] =	sbarrier.arrive $0xFFFF  }
0x6b: {  	[sflag:s0] =	ssyncadd.tile.s32 @!p0 $0x1;
	_ =	shalt  }
.Lfunc_end2:
_tile_overlayer_lowered:
.L_overlay_start_2:
0x6c: {  	(tag) =	ssettag $0x2  }
0x6d: {  	s0 =	rddreg [dreg:$0x0];
	s2 =	stileid.u32  }
0x6e: {  	s1 =	rddreg [dreg:$0x1];
	p0 =	sne.s32 s2, $0x0  }
0x6f: {  	s3 =	rddreg [dreg:$0x2];
	[bflag:$0x3] =	sbarrier.arrive $0xFFFF;
	s2 =	simm.s32 @!p0 $0x1C01  }
0x70: {  	[timem:s3], [sflag:s2] =	dma.local @!p0 [hbm:s0], s1  }
0x71: {  	s0 =	simm.s32 @!p0 $0x1  }
0x72: {  	_ =	swait.ge @!p0 [sflag:s0], s1  }
0x73: {  	s1 =	ssub.s32 @!p0 $0x0, s1;
	[sflag:s0] =	ssyncset.done @!p0 $0x0  }
0x74: {  	[sflag:s0] =	ssyncadd.s32 @!p0 s1  }
0x75: {  	[bflag:$0x3] =	sbarrier.arrive $0xFFFF  }
0x76: {  	_ =	shalt  }

</sc_bundles>
